<compile_context>
chip_gen: v7x
topology: tpu7x:2x2x1
jax: 0.10.2.dev20260603
libtpu: 0.0.44.dev20260713+nightly
codegen_flags: <defaults>
</compile_context>

<pallas_src>
import functools

import jax
import jax.numpy as jnp
from jax import lax
from jax.experimental import pallas as pl
from jax.experimental.pallas import tpu as pltpu
from jax.experimental.pallas import tpu_sc as plsc

_CH = 512
_NW = 32
_NEG_RATIO = 3.0


def _sc_body(c_dim, n_anchor, s_hbm, l_hbm, t_hbm,
             so_hbm, do_hbm, co_hbm, lo_hbm,
             sb0, sb1, lb0, lb1, tb0, tb1,
             o_s0, o_d0, o_c0, o_l0, o_s1, o_d1, o_c1, o_l1,
             ss0, ss1, sl0, sl1, st0, st1, so0, so1):
    wid = lax.axis_index("s") * 2 + lax.axis_index("c")
    aw = n_anchor // _NW
    nch = aw // _CH
    i16 = lax.iota(jnp.int32, 16)

    def copies(t, sb, lb, tb, sem_s, sem_l, sem_t):
        a0 = wid * aw + t * _CH
        return (
            pltpu.make_async_copy(
                s_hbm.at[pl.ds(a0 * c_dim, _CH * c_dim)], sb, sem_s),
            pltpu.make_async_copy(
                l_hbm.at[pl.ds(a0 * 4, _CH * 4)], lb, sem_l),
            pltpu.make_async_copy(
                t_hbm.at[pl.ds(a0 * 6, _CH * 6)], tb, sem_t),
        )

    def issue(t, sb, lb, tb, sem_s, sem_l, sem_t):
        for cp in copies(t, sb, lb, tb, sem_s, sem_l, sem_t):
            cp.start()

    def wait(t, sb, lb, tb, sem_s, sem_l, sem_t):
        for cp in copies(t, sb, lb, tb, sem_s, sem_l, sem_t):
            cp.wait()

    def out_copies(t, o_s, o_d, o_c, o_l, sem_o):
        a0 = wid * aw + t * _CH
        return (
            pltpu.make_async_copy(o_s, so_hbm.at[pl.ds(a0, _CH)], sem_o),
            pltpu.make_async_copy(o_d, do_hbm.at[pl.ds(a0, _CH)], sem_o),
            pltpu.make_async_copy(o_c, co_hbm.at[pl.ds(a0, _CH)], sem_o),
            pltpu.make_async_copy(o_l, lo_hbm.at[pl.ds(a0, _CH)], sem_o),
        )

    def issue_out(t, o_s, o_d, o_c, o_l, sem_o):
        for cp in out_copies(t, o_s, o_d, o_c, o_l, sem_o):
            cp.start()

    def wait_out(t, o_s, o_d, o_c, o_l, sem_o):
        for cp in out_copies(t, o_s, o_d, o_c, o_l, sem_o):
            cp.wait()

    def compute(t, sb, lb, tb, o_s, o_d, o_c, o_l):
        def grp(g, carry):
            ab = g * 16
            idx0 = i16 * c_dim + ab * c_dim
            p0 = jnp.zeros((16,), jnp.float32)
            p1 = jnp.zeros((16,), jnp.float32)
            p2 = jnp.zeros((16,), jnp.float32)
            for c in range(c_dim):
                v = plsc.load_gather(sb, [idx0 + c])
                e = jnp.exp(jnp.minimum(v, 80.0))
                if c % 3 == 0:
                    p0 = p0 + e
                elif c % 3 == 1:
                    p1 = p1 + e
                else:
                    p2 = p2 + e
            s_sum = p0 + p1 + p2

            tb6 = i16 * 6 + ab * 6
            clsf = plsc.load_gather(tb, [tb6 + 4])
            cls = clsf.astype(jnp.int32)
            scls = plsc.load_gather(sb, [idx0 + cls])

            acc = jnp.zeros((16,), jnp.float32)
            lb4 = i16 * 4 + ab * 4
            for r in range(4):
                lv = plsc.load_gather(lb, [lb4 + r])
                tv = plsc.load_gather(tb, [tb6 + r])
                d = lv - tv
                ad = jnp.abs(d)
                acc = acc + jnp.where(ad < 1.0, 0.5 * d * d, ad - 0.5)
            ls = jnp.where(cls > 0, acc, 0.0)

            o_s[pl.ds(ab, 16)] = s_sum
            o_d[pl.ds(ab, 16)] = -scls
            o_c[pl.ds(ab, 16)] = clsf
            o_l[pl.ds(ab, 16)] = ls
            return carry

        lax.fori_loop(0, _CH // 16, grp, 0)

    issue(0, sb0, lb0, tb0, ss0, sl0, st0)

    def body(u, carry):
        t0 = u * 2
        issue(t0 + 1, sb1, lb1, tb1, ss1, sl1, st1)
        wait(t0, sb0, lb0, tb0, ss0, sl0, st0)

        @pl.when(u > 0)
        def _():
            wait_out(t0 - 2, o_s0, o_d0, o_c0, o_l0, so0)

        compute(t0, sb0, lb0, tb0, o_s0, o_d0, o_c0, o_l0)
        issue_out(t0, o_s0, o_d0, o_c0, o_l0, so0)

        @pl.when(u < nch // 2 - 1)
        def _():
            issue(t0 + 2, sb0, lb0, tb0, ss0, sl0, st0)

        wait(t0 + 1, sb1, lb1, tb1, ss1, sl1, st1)

        @pl.when(u > 0)
        def _():
            wait_out(t0 - 1, o_s1, o_d1, o_c1, o_l1, so1)

        compute(t0 + 1, sb1, lb1, tb1, o_s1, o_d1, o_c1, o_l1)
        issue_out(t0 + 1, o_s1, o_d1, o_c1, o_l1, so1)
        return carry

    lax.fori_loop(0, nch // 2, body, 0)
    wait_out(nch - 2, o_s0, o_d0, o_c0, o_l0, so0)
    wait_out(nch - 1, o_s1, o_d1, o_c1, o_l1, so1)


def _tc_finish(s_ref, d_ref, c_ref, l_ref, out_ref):
    s_sum = s_ref[...]
    ce = d_ref[...] + jnp.log(s_sum)
    pos = c_ref[...] > 0.0
    con = jnp.where(pos, -jnp.inf, ce)
    bsz = con.shape[0]
    a_tot = con.shape[1]
    npr = jnp.sum(pos.astype(jnp.float32), axis=1, keepdims=True)
    kk = jnp.minimum(_NEG_RATIO * npr, a_tot - npr)

    ib = lax.bitcast_convert_type(con, jnp.int32)
    imin = jnp.int32(-2147483648)
    key = jnp.where(ib >= 0, ib, imin - ib)

    def body(_, carry):
        lo, hi = carry
        mid = (lo >> 1) + (hi >> 1) + ((lo | hi) & 1)
        cnt = jnp.sum((key >= mid).astype(jnp.float32),
                      axis=1, keepdims=True)
        ok = cnt >= kk
        return jnp.where(ok, mid, lo), jnp.where(ok, hi, mid - 1)

    lo0 = jnp.full((bsz, 1), -2139095041, jnp.int32)
    hi0 = jnp.full((bsz, 1), 2139095040, jnp.int32)
    lo, _ = lax.fori_loop(0, 32, body, (lo0, hi0))

    gt = key > lo
    cnt_gt = jnp.sum(gt.astype(jnp.float32), axis=1, keepdims=True)
    sum_gt = jnp.sum(jnp.where(gt, con, 0.0), axis=1, keepdims=True)
    tfl = jnp.max(jnp.where(key == lo, con, -jnp.inf),
                  axis=1, keepdims=True)
    negsum = jnp.where(kk > 0, sum_gt + tfl * (kk - cnt_gt), 0.0)

    tp = jnp.sum(npr)
    class_sum = jnp.sum(jnp.where(pos, ce, 0.0)) + jnp.sum(negsum)
    loc_sum = jnp.sum(l_ref[...])
    div = jnp.maximum(tp, 1.0)
    cl = class_sum / div
    ll = loc_sum / div
    lane = lax.broadcasted_iota(jnp.int32, (1, 128), 1)
    out_ref[...] = jnp.where(lane == 0, cl + ll,
                             jnp.where(lane == 1, cl,
                                       jnp.where(lane == 2, ll, 0.0)))


def kernel(scores, locs, target):
    bsz = target.shape[0]
    a_tot = target.shape[1]
    c = scores.shape[1] // a_tot
    n_anchor = bsz * a_tot
    sc_fn = pl.kernel(
        functools.partial(_sc_body, c, n_anchor),
        out_type=[jax.ShapeDtypeStruct((n_anchor,), jnp.float32)] * 4,
        mesh=plsc.VectorSubcoreMesh(core_axis_name="c",
                                    subcore_axis_name="s",
                                    num_cores=2, num_subcores=16),
        compiler_params=pltpu.CompilerParams(needs_layout_passes=False),
        scratch_types=[
            pltpu.VMEM((_CH * c,), jnp.float32),
            pltpu.VMEM((_CH * c,), jnp.float32),
            pltpu.VMEM((_CH * 4,), jnp.float32),
            pltpu.VMEM((_CH * 4,), jnp.float32),
            pltpu.VMEM((_CH * 6,), jnp.float32),
            pltpu.VMEM((_CH * 6,), jnp.float32),
            pltpu.VMEM((_CH,), jnp.float32),
            pltpu.VMEM((_CH,), jnp.float32),
            pltpu.VMEM((_CH,), jnp.float32),
            pltpu.VMEM((_CH,), jnp.float32),
            pltpu.VMEM((_CH,), jnp.float32),
            pltpu.VMEM((_CH,), jnp.float32),
            pltpu.VMEM((_CH,), jnp.float32),
            pltpu.VMEM((_CH,), jnp.float32),
            pltpu.SemaphoreType.DMA,
            pltpu.SemaphoreType.DMA,
            pltpu.SemaphoreType.DMA,
            pltpu.SemaphoreType.DMA,
            pltpu.SemaphoreType.DMA,
            pltpu.SemaphoreType.DMA,
            pltpu.SemaphoreType.DMA,
            pltpu.SemaphoreType.DMA,
        ],
    )
    s_sum, dd, clsf, ls = sc_fn(scores.reshape(-1), locs.reshape(-1),
                                target.reshape(-1))
    out = pl.pallas_call(
        _tc_finish,
        out_shape=jax.ShapeDtypeStruct((1, 128), jnp.float32),
    )(s_sum.reshape(bsz, a_tot), dd.reshape(bsz, a_tot),
      clsf.reshape(bsz, a_tot), ls.reshape(bsz, a_tot))
    return (out[0, 0], out[0, 1], out[0, 2])

# --- scband reference (transcript-rebuilt; emitter-appended) ---
"""Pipeline reference for scband-multibox-loss-69295002354201 (READ-ONLY COPY).

The authoritative reference and input builder live on the scoring server;
editing this copy changes nothing except your own understanding.
"""

import jax, jax.numpy as jnp
import numpy as np

B = 16
A = 24576
C = 81
NEG_POS_RATIO = 3


def setup_inputs(seed: int = 0) -> dict:
    key = jax.random.key(seed)
    k1, k2, k3, k4, k5, k6 = jax.random.split(key, 6)
    scores = jax.random.normal(k1, (B, A * C), dtype=jnp.float32)
    locs = jax.random.normal(k2, (B, A * 4), dtype=jnp.float32)
    # target layout: [..., 0:4] = target box offsets, [..., 4] = class id, [..., 5] = score
    tlocs = jax.random.normal(k3, (B, A, 4), dtype=jnp.float32)
    cls = jax.random.randint(k4, (B, A), 0, C)
    pos = jax.random.uniform(k5, (B, A)) < 0.03  # ~3% positive anchors, realistic for SSD
    cls = jnp.where(pos, jnp.maximum(cls, 1), 0)
    tscores = jax.random.uniform(k6, (B, A), dtype=jnp.float32)
    target = jnp.concatenate([tlocs, cls.astype(jnp.float32)[..., None], tscores[..., None]], axis=-1)
    return {"scores": scores, "locs": locs, "target": target}


def reference(scores, locs, target):
    batch_size = target.shape[0]
    num_priors = target.shape[1]
    num_classes = scores.shape[1] // num_priors
    scores = scores.reshape(batch_size, num_priors, num_classes)
    locs = locs.reshape(batch_size, num_priors, 4)
    target_locs = target[..., 0:4]
    target_classes = target[..., 4].astype(jnp.int32)
    positive_mask = target_classes > 0
    # --- sampler: hard negative mining at 3:1 neg:pos ratio ---
    lse = jax.scipy.special.logsumexp(scores, axis=-1)
    con = lse - scores[..., 0]  # background confidence loss for negatives
    con = jnp.where(positive_mask, -jnp.inf, con)
    order = jnp.argsort(-con, axis=-1)
    rank = jnp.argsort(order, axis=-1)
    num_pos = positive_mask.sum(axis=-1, keepdims=True)
    num_neg = jnp.minimum(NEG_POS_RATIO * num_pos, num_priors - num_pos)
    neg_mask = rank < num_neg
    sampled_mask = positive_mask | neg_mask
    # --- classification loss: cross entropy with sum reduction over sampled anchors ---
    tgt_logit = jnp.take_along_axis(scores, target_classes[..., None], axis=-1)[..., 0]
    ce = lse - tgt_logit
    class_loss = jnp.sum(jnp.where(sampled_mask, ce, 0.0))
    # --- localization loss: smooth L1 with sum reduction over positive anchors ---
    diff = locs - target_locs
    ad = jnp.abs(diff)
    sl1 = jnp.where(ad < 1.0, 0.5 * diff * diff, ad - 0.5)
    loc_loss = jnp.sum(jnp.where(positive_mask[..., None], sl1, 0.0))
    divider = jnp.maximum(positive_mask.sum(), 1).astype(jnp.float32)
    class_loss = class_loss * 1.0 / divider
    loc_loss = loc_loss * 1.0 / divider
    loss = class_loss + loc_loss
    return (loss, class_loss, loc_loss)

if __name__ == "__main__":
    import jax
    _d = setup_inputs()
    print(jax.jit(kernel)(*tuple(_d.values())))

</pallas_src>

<mosaic_0001>
#map = affine_map<(d0, d1) -> (0)>
module attributes {stable_mosaic.version = 14 : i64} {
  func.func @_sc_body(%arg0: i32, %arg1: i32, %arg2: memref<31850496xf32, #tpu.memory_space<hbm>>, %arg3: memref<1572864xf32, #tpu.memory_space<hbm>>, %arg4: memref<2359296xf32, #tpu.memory_space<hbm>>, %arg5: memref<393216xf32, #tpu.memory_space<hbm>>, %arg6: memref<393216xf32, #tpu.memory_space<hbm>>, %arg7: memref<393216xf32, #tpu.memory_space<hbm>>, %arg8: memref<393216xf32, #tpu.memory_space<hbm>>, %arg9: memref<41472xf32, #tpu.memory_space<vmem>>, %arg10: memref<41472xf32, #tpu.memory_space<vmem>>, %arg11: memref<2048xf32, #tpu.memory_space<vmem>>, %arg12: memref<2048xf32, #tpu.memory_space<vmem>>, %arg13: memref<3072xf32, #tpu.memory_space<vmem>>, %arg14: memref<3072xf32, #tpu.memory_space<vmem>>, %arg15: memref<512xf32, #tpu.memory_space<vmem>>, %arg16: memref<512xf32, #tpu.memory_space<vmem>>, %arg17: memref<512xf32, #tpu.memory_space<vmem>>, %arg18: memref<512xf32, #tpu.memory_space<vmem>>, %arg19: memref<512xf32, #tpu.memory_space<vmem>>, %arg20: memref<512xf32, #tpu.memory_space<vmem>>, %arg21: memref<512xf32, #tpu.memory_space<vmem>>, %arg22: memref<512xf32, #tpu.memory_space<vmem>>, %arg23: memref<!tpu.dma_semaphore, #tpu.memory_space<semaphore_mem>>, %arg24: memref<!tpu.dma_semaphore, #tpu.memory_space<semaphore_mem>>, %arg25: memref<!tpu.dma_semaphore, #tpu.memory_space<semaphore_mem>>, %arg26: memref<!tpu.dma_semaphore, #tpu.memory_space<semaphore_mem>>, %arg27: memref<!tpu.dma_semaphore, #tpu.memory_space<semaphore_mem>>, %arg28: memref<!tpu.dma_semaphore, #tpu.memory_space<semaphore_mem>>, %arg29: memref<!tpu.dma_semaphore, #tpu.memory_space<semaphore_mem>>, %arg30: memref<!tpu.dma_semaphore, #tpu.memory_space<semaphore_mem>>) attributes {dimension_semantics = [#tpu.dimension_semantics<core_parallel>, #tpu.dimension_semantics<subcore_parallel>], iteration_bounds = array<i64: 2, 16>, scalar_prefetch = 0 : i64, scratch_operands = 22 : i64, tpu.core_type = #tpu.core_type<sc_vector_subcore>, window_params = [{transform_indices = #map}, {transform_indices = #map}, {transform_indices = #map}, {transform_indices = #map}, {transform_indices = #map}, {transform_indices = #map}, {transform_indices = #map}]} {
    %mul3A = arith.constant 2 : i32
    %mul3A_0 = arith.muli %arg1, %mul3A : i32
    %add3A = arith.addi %mul3A_0, %arg0 : i32
    %iota3A = tpu.iota {dimensions = array<i32: 0>} : vector<16xi32>
    %mul3A_1 = arith.constant 12288 : i32
    %mul3A_2 = arith.muli %add3A, %mul3A_1 : i32
    %add3A_3 = arith.constant 0 : i32
    %add3A_4 = arith.addi %mul3A_2, %add3A_3 : i32
    %mul3A_5 = arith.constant 81 : i32
    %mul3A_6 = arith.muli %add3A_4, %mul3A_5 : i32
    %mul3A_7 = arith.constant 4 : i32
    %mul3A_8 = arith.muli %add3A_4, %mul3A_7 : i32
    %mul3A_9 = arith.constant 6 : i32
    %mul3A_10 = arith.muli %add3A_4, %mul3A_9 : i32
    %dma_start3A = tpu.memref_slice %arg2[%mul3A_6] : memref<31850496xf32, #tpu.memory_space<hbm>> -> memref<41472xf32, #tpu.memory_space<hbm>>
    %dma_start3A_11 = tpu.memref_slice %arg2[%mul3A_6] : memref<31850496xf32, #tpu.memory_space<hbm>> -> memref<41472xf32, #tpu.memory_space<hbm>>
    tpu.enqueue_dma source(%dma_start3A_11 : memref<41472xf32, #tpu.memory_space<hbm>>) target(%arg9 : memref<41472xf32, #tpu.memory_space<vmem>>) target_semaphore(%arg23 : memref<!tpu.dma_semaphore, #tpu.memory_space<semaphore_mem>>)
    %dma_start3A_12 = tpu.memref_slice %arg3[%mul3A_8] : memref<1572864xf32, #tpu.memory_space<hbm>> -> memref<2048xf32, #tpu.memory_space<hbm>>
    %dma_start3A_13 = tpu.memref_slice %arg3[%mul3A_8] : memref<1572864xf32, #tpu.memory_space<hbm>> -> memref<2048xf32, #tpu.memory_space<hbm>>
    tpu.enqueue_dma source(%dma_start3A_13 : memref<2048xf32, #tpu.memory_space<hbm>>) target(%arg11 : memref<2048xf32, #tpu.memory_space<vmem>>) target_semaphore(%arg25 : memref<!tpu.dma_semaphore, #tpu.memory_space<semaphore_mem>>)
    %dma_start3A_14 = tpu.memref_slice %arg4[%mul3A_10] : memref<2359296xf32, #tpu.memory_space<hbm>> -> memref<3072xf32, #tpu.memory_space<hbm>>
    %dma_start3A_15 = tpu.memref_slice %arg4[%mul3A_10] : memref<2359296xf32, #tpu.memory_space<hbm>> -> memref<3072xf32, #tpu.memory_space<hbm>>
    tpu.enqueue_dma source(%dma_start3A_15 : memref<3072xf32, #tpu.memory_space<hbm>>) target(%arg13 : memref<3072xf32, #tpu.memory_space<vmem>>) target_semaphore(%arg27 : memref<!tpu.dma_semaphore, #tpu.memory_space<semaphore_mem>>)
    %scan3A = arith.constant 0 : i32
    %scan3A_16 = arith.constant 0 : i32
    %scan3A_17 = arith.constant 12 : i32
    %scan3A_18 = arith.addi %scan3A_16, %scan3A_17 : i32
    %scan3A_19 = arith.constant 1 : i32
    scf.for %scan3A_44 = %scan3A_16 to %scan3A_18 step %scan3A_19  : i32 {
      %mul3A_45 = arith.constant 2 : i32
      %mul3A_46 = arith.muli %scan3A_44, %mul3A_45 : i32
      %add3A_47 = arith.constant 1 : i32
      %add3A_48 = arith.addi %mul3A_46, %add3A_47 : i32
      %mul3A_49 = arith.constant 12288 : i32
      %mul3A_50 = arith.muli %add3A, %mul3A_49 : i32
      %mul3A_51 = arith.constant 512 : i32
      %mul3A_52 = arith.muli %add3A_48, %mul3A_51 : i32
      %add3A_53 = arith.addi %mul3A_50, %mul3A_52 : i32
      %mul3A_54 = arith.constant 81 : i32
      %mul3A_55 = arith.muli %add3A_53, %mul3A_54 : i32
      %mul3A_56 = arith.constant 4 : i32
      %mul3A_57 = arith.muli %add3A_53, %mul3A_56 : i32
      %mul3A_58 = arith.constant 6 : i32
      %mul3A_59 = arith.muli %add3A_53, %mul3A_58 : i32
      %dma_start3A_60 = tpu.memref_slice %arg2[%mul3A_55] : memref<31850496xf32, #tpu.memory_space<hbm>> -> memref<41472xf32, #tpu.memory_space<hbm>>
      %dma_start3A_61 = tpu.memref_slice %arg2[%mul3A_55] : memref<31850496xf32, #tpu.memory_space<hbm>> -> memref<41472xf32, #tpu.memory_space<hbm>>
      tpu.enqueue_dma source(%dma_start3A_61 : memref<41472xf32, #tpu.memory_space<hbm>>) target(%arg10 : memref<41472xf32, #tpu.memory_space<vmem>>) target_semaphore(%arg24 : memref<!tpu.dma_semaphore, #tpu.memory_space<semaphore_mem>>)
      %dma_start3A_62 = tpu.memref_slice %arg3[%mul3A_57] : memref<1572864xf32, #tpu.memory_space<hbm>> -> memref<2048xf32, #tpu.memory_space<hbm>>
      %dma_start3A_63 = tpu.memref_slice %arg3[%mul3A_57] : memref<1572864xf32, #tpu.memory_space<hbm>> -> memref<2048xf32, #tpu.memory_space<hbm>>
      tpu.enqueue_dma source(%dma_start3A_63 : memref<2048xf32, #tpu.memory_space<hbm>>) target(%arg12 : memref<2048xf32, #tpu.memory_space<vmem>>) target_semaphore(%arg26 : memref<!tpu.dma_semaphore, #tpu.memory_space<semaphore_mem>>)
      %dma_start3A_64 = tpu.memref_slice %arg4[%mul3A_59] : memref<2359296xf32, #tpu.memory_space<hbm>> -> memref<3072xf32, #tpu.memory_space<hbm>>
      %dma_start3A_65 = tpu.memref_slice %arg4[%mul3A_59] : memref<2359296xf32, #tpu.memory_space<hbm>> -> memref<3072xf32, #tpu.memory_space<hbm>>
      tpu.enqueue_dma source(%dma_start3A_65 : memref<3072xf32, #tpu.memory_space<hbm>>) target(%arg14 : memref<3072xf32, #tpu.memory_space<vmem>>) target_semaphore(%arg28 : memref<!tpu.dma_semaphore, #tpu.memory_space<semaphore_mem>>)
      %mul3A_66 = arith.constant 12288 : i32
      %mul3A_67 = arith.muli %add3A, %mul3A_66 : i32
      %mul3A_68 = arith.constant 512 : i32
      %mul3A_69 = arith.muli %mul3A_46, %mul3A_68 : i32
      %add3A_70 = arith.addi %mul3A_67, %mul3A_69 : i32
      %mul3A_71 = arith.constant 81 : i32
      %mul3A_72 = arith.muli %add3A_70, %mul3A_71 : i32
      %mul3A_73 = arith.constant 4 : i32
      %mul3A_74 = arith.muli %add3A_70, %mul3A_73 : i32
      %mul3A_75 = arith.constant 6 : i32
      %mul3A_76 = arith.muli %add3A_70, %mul3A_75 : i32
      %dma_wait3A_77 = tpu.memref_slice %arg2[%mul3A_72] : memref<31850496xf32, #tpu.memory_space<hbm>> -> memref<41472xf32, #tpu.memory_space<hbm>>
      %dma_wait3A_78 = tpu.memref_slice %arg2[%mul3A_72] : memref<31850496xf32, #tpu.memory_space<hbm>> -> memref<41472xf32, #tpu.memory_space<hbm>>
      tpu.wait_dma2 semaphore(%arg23 : memref<!tpu.dma_semaphore, #tpu.memory_space<semaphore_mem>>) src(%dma_wait3A_78 : memref<41472xf32, #tpu.memory_space<hbm>>) dst(%arg9 : memref<41472xf32, #tpu.memory_space<vmem>>)
      %dma_wait3A_79 = tpu.memref_slice %arg3[%mul3A_74] : memref<1572864xf32, #tpu.memory_space<hbm>> -> memref<2048xf32, #tpu.memory_space<hbm>>
      %dma_wait3A_80 = tpu.memref_slice %arg3[%mul3A_74] : memref<1572864xf32, #tpu.memory_space<hbm>> -> memref<2048xf32, #tpu.memory_space<hbm>>
      tpu.wait_dma2 semaphore(%arg25 : memref<!tpu.dma_semaphore, #tpu.memory_space<semaphore_mem>>) src(%dma_wait3A_80 : memref<2048xf32, #tpu.memory_space<hbm>>) dst(%arg11 : memref<2048xf32, #tpu.memory_space<vmem>>)
      %dma_wait3A_81 = tpu.memref_slice %arg4[%mul3A_76] : memref<2359296xf32, #tpu.memory_space<hbm>> -> memref<3072xf32, #tpu.memory_space<hbm>>
      %dma_wait3A_82 = tpu.memref_slice %arg4[%mul3A_76] : memref<2359296xf32, #tpu.memory_space<hbm>> -> memref<3072xf32, #tpu.memory_space<hbm>>
      tpu.wait_dma2 semaphore(%arg27 : memref<!tpu.dma_semaphore, #tpu.memory_space<semaphore_mem>>) src(%dma_wait3A_82 : memref<3072xf32, #tpu.memory_space<hbm>>) dst(%arg13 : memref<3072xf32, #tpu.memory_space<vmem>>)
      %gt3A = arith.constant 0 : i32
      %gt3A_83 = arith.cmpi sgt, %scan3A_44, %gt3A : i32
      %convert_element_type3A = arith.extui %gt3A_83 : i1 to i32
      %cond3A = arith.constant 0 : i32
      %cond3A_84 = arith.cmpi ne, %convert_element_type3A, %cond3A : i32
      scf.if %cond3A_84 {
        %sub3A = arith.constant 2 : i32
        %sub3A_155 = arith.subi %mul3A_46, %sub3A : i32
        %mul3A_156 = arith.constant 12288 : i32
        %mul3A_157 = arith.muli %add3A, %mul3A_156 : i32
        %mul3A_158 = arith.constant 512 : i32
        %mul3A_159 = arith.muli %sub3A_155, %mul3A_158 : i32
        %add3A_160 = arith.addi %mul3A_157, %mul3A_159 : i32
        %dma_wait3A_161 = tpu.memref_slice %arg5[%add3A_160] : memref<393216xf32, #tpu.memory_space<hbm>> -> memref<512xf32, #tpu.memory_space<hbm>>
        %dma_wait3A_162 = tpu.memref_slice %arg5[%add3A_160] : memref<393216xf32, #tpu.memory_space<hbm>> -> memref<512xf32, #tpu.memory_space<hbm>>
        tpu.wait_dma2 semaphore(%arg29 : memref<!tpu.dma_semaphore, #tpu.memory_space<semaphore_mem>>) src(%arg15 : memref<512xf32, #tpu.memory_space<vmem>>) dst(%dma_wait3A_162 : memref<512xf32, #tpu.memory_space<hbm>>)
        %dma_wait3A_163 = tpu.memref_slice %arg6[%add3A_160] : memref<393216xf32, #tpu.memory_space<hbm>> -> memref<512xf32, #tpu.memory_space<hbm>>
        %dma_wait3A_164 = tpu.memref_slice %arg6[%add3A_160] : memref<393216xf32, #tpu.memory_space<hbm>> -> memref<512xf32, #tpu.memory_space<hbm>>
        tpu.wait_dma2 semaphore(%arg29 : memref<!tpu.dma_semaphore, #tpu.memory_space<semaphore_mem>>) src(%arg16 : memref<512xf32, #tpu.memory_space<vmem>>) dst(%dma_wait3A_164 : memref<512xf32, #tpu.memory_space<hbm>>)
        %dma_wait3A_165 = tpu.memref_slice %arg7[%add3A_160] : memref<393216xf32, #tpu.memory_space<hbm>> -> memref<512xf32, #tpu.memory_space<hbm>>
        %dma_wait3A_166 = tpu.memref_slice %arg7[%add3A_160] : memref<393216xf32, #tpu.memory_space<hbm>> -> memref<512xf32, #tpu.memory_space<hbm>>
        tpu.wait_dma2 semaphore(%arg29 : memref<!tpu.dma_semaphore, #tpu.memory_space<semaphore_mem>>) src(%arg17 : memref<512xf32, #tpu.memory_space<vmem>>) dst(%dma_wait3A_166 : memref<512xf32, #tpu.memory_space<hbm>>)
        %dma_wait3A_167 = tpu.memref_slice %arg8[%add3A_160] : memref<393216xf32, #tpu.memory_space<hbm>> -> memref<512xf32, #tpu.memory_space<hbm>>
        %dma_wait3A_168 = tpu.memref_slice %arg8[%add3A_160] : memref<393216xf32, #tpu.memory_space<hbm>> -> memref<512xf32, #tpu.memory_space<hbm>>
        tpu.wait_dma2 semaphore(%arg29 : memref<!tpu.dma_semaphore, #tpu.memory_space<semaphore_mem>>) src(%arg18 : memref<512xf32, #tpu.memory_space<vmem>>) dst(%dma_wait3A_168 : memref<512xf32, #tpu.memory_space<hbm>>)
      } else {
      }
      %scan3A_85 = arith.constant 0 : i32
      %scan3A_86 = arith.constant 0 : i32
      %scan3A_87 = arith.constant 32 : i32
      %scan3A_88 = arith.addi %scan3A_86, %scan3A_87 : i32
      %scan3A_89 = arith.constant 1 : i32
      scf.for %scan3A_155 = %scan3A_86 to %scan3A_88 step %scan3A_89  : i32 {
        %mul3A_156 = arith.constant 16 : i32
        %mul3A_157 = arith.muli %scan3A_155, %mul3A_156 : i32
        %mul3A_158 = arith.constant 81 : i32
        %mul3A_159 = vector.broadcast %mul3A_158 : i32 to vector<16xi32>
        %mul3A_160 = arith.muli %iota3A, %mul3A_159 : vector<16xi32>
        %mul3A_161 = arith.constant 81 : i32
        %mul3A_162 = arith.muli %mul3A_157, %mul3A_161 : i32
        %add3A_163 = vector.broadcast %mul3A_162 : i32 to vector<16xi32>
        %add3A_164 = arith.addi %mul3A_160, %add3A_163 : vector<16xi32>
        %broadcast_in_dim3A = arith.constant 0.000000e+00 : f32
        %broadcast_in_dim3A_165 = vector.broadcast %broadcast_in_dim3A : f32 to vector<16xf32>
        %broadcast_in_dim3A_166 = arith.constant 0.000000e+00 : f32
        %broadcast_in_dim3A_167 = vector.broadcast %broadcast_in_dim3A_166 : f32 to vector<16xf32>
        %broadcast_in_dim3A_168 = arith.constant 0.000000e+00 : f32
        %broadcast_in_dim3A_169 = vector.broadcast %broadcast_in_dim3A_168 : f32 to vector<16xf32>
        %add3A_170 = arith.constant 0 : i32
        %add3A_171 = vector.broadcast %add3A_170 : i32 to vector<16xi32>
        %add3A_172 = arith.addi %add3A_164, %add3A_171 : vector<16xi32>
        %gather3A = tpu.vector_load_idx %arg9[%add3A_172] : memref<41472xf32, #tpu.memory_space<vmem>>[vector<16xi32>], vector<16xf32>,
        %min3A = arith.constant 8.000000e+01 : f32
        %min3A_173 = vector.broadcast %min3A : f32 to vector<16xf32>
        %min3A_174 = arith.minimumf %gather3A, %min3A_173 : vector<16xf32>
        %exp3A = math.exp %min3A_174 : vector<16xf32>
        %add3A_175 = arith.addf %broadcast_in_dim3A_165, %exp3A : vector<16xf32>
        %add3A_176 = arith.constant 1 : i32
        %add3A_177 = vector.broadcast %add3A_176 : i32 to vector<16xi32>
        %add3A_178 = arith.addi %add3A_164, %add3A_177 : vector<16xi32>
        %gather3A_179 = tpu.vector_load_idx %arg9[%add3A_178] : memref<41472xf32, #tpu.memory_space<vmem>>[vector<16xi32>], vector<16xf32>,
        %min3A_180 = arith.constant 8.000000e+01 : f32
        %min3A_181 = vector.broadcast %min3A_180 : f32 to vector<16xf32>
        %min3A_182 = arith.minimumf %gather3A_179, %min3A_181 : vector<16xf32>
        %exp3A_183 = math.exp %min3A_182 : vector<16xf32>
        %add3A_184 = arith.addf %broadcast_in_dim3A_167, %exp3A_183 : vector<16xf32>
        %add3A_185 = arith.constant 2 : i32
        %add3A_186 = vector.broadcast %add3A_185 : i32 to vector<16xi32>
        %add3A_187 = arith.addi %add3A_164, %add3A_186 : vector<16xi32>
        %gather3A_188 = tpu.vector_load_idx %arg9[%add3A_187] : memref<41472xf32, #tpu.memory_space<vmem>>[vector<16xi32>], vector<16xf32>,
        %min3A_189 = arith.constant 8.000000e+01 : f32
        %min3A_190 = vector.broadcast %min3A_189 : f32 to vector<16xf32>
        %min3A_191 = arith.minimumf %gather3A_188, %min3A_190 : vector<16xf32>
        %exp3A_192 = math.exp %min3A_191 : vector<16xf32>
        %add3A_193 = arith.addf %broadcast_in_dim3A_169, %exp3A_192 : vector<16xf32>
        %add3A_194 = arith.constant 3 : i32
        %add3A_195 = vector.broadcast %add3A_194 : i32 to vector<16xi32>
        %add3A_196 = arith.addi %add3A_164, %add3A_195 : vector<16xi32>
        %gather3A_197 = tpu.vector_load_idx %arg9[%add3A_196] : memref<41472xf32, #tpu.memory_space<vmem>>[vector<16xi32>], vector<16xf32>,
        %min3A_198 = arith.constant 8.000000e+01 : f32
        %min3A_199 = vector.broadcast %min3A_198 : f32 to vector<16xf32>
        %min3A_200 = arith.minimumf %gather3A_197, %min3A_199 : vector<16xf32>
        %exp3A_201 = math.exp %min3A_200 : vector<16xf32>
        %add3A_202 = arith.addf %add3A_175, %exp3A_201 : vector<16xf32>
        %add3A_203 = arith.constant 4 : i32
        %add3A_204 = vector.broadcast %add3A_203 : i32 to vector<16xi32>
        %add3A_205 = arith.addi %add3A_164, %add3A_204 : vector<16xi32>
        %gather3A_206 = tpu.vector_load_idx %arg9[%add3A_205] : memref<41472xf32, #tpu.memory_space<vmem>>[vector<16xi32>], vector<16xf32>,
        %min3A_207 = arith.constant 8.000000e+01 : f32
        %min3A_208 = vector.broadcast %min3A_207 : f32 to vector<16xf32>
        %min3A_209 = arith.minimumf %gather3A_206, %min3A_208 : vector<16xf32>
        %exp3A_210 = math.exp %min3A_209 : vector<16xf32>
        %add3A_211 = arith.addf %add3A_184, %exp3A_210 : vector<16xf32>
        %add3A_212 = arith.constant 5 : i32
        %add3A_213 = vector.broadcast %add3A_212 : i32 to vector<16xi32>
        %add3A_214 = arith.addi %add3A_164, %add3A_213 : vector<16xi32>
        %gather3A_215 = tpu.vector_load_idx %arg9[%add3A_214] : memref<41472xf32, #tpu.memory_space<vmem>>[vector<16xi32>], vector<16xf32>,
        %min3A_216 = arith.constant 8.000000e+01 : f32
        %min3A_217 = vector.broadcast %min3A_216 : f32 to vector<16xf32>
        %min3A_218 = arith.minimumf %gather3A_215, %min3A_217 : vector<16xf32>
        %exp3A_219 = math.exp %min3A_218 : vector<16xf32>
        %add3A_220 = arith.addf %add3A_193, %exp3A_219 : vector<16xf32>
        %add3A_221 = arith.constant 6 : i32
        %add3A_222 = vector.broadcast %add3A_221 : i32 to vector<16xi32>
        %add3A_223 = arith.addi %add3A_164, %add3A_222 : vector<16xi32>
        %gather3A_224 = tpu.vector_load_idx %arg9[%add3A_223] : memref<41472xf32, #tpu.memory_space<vmem>>[vector<16xi32>], vector<16xf32>,
        %min3A_225 = arith.constant 8.000000e+01 : f32
        %min3A_226 = vector.broadcast %min3A_225 : f32 to vector<16xf32>
        %min3A_227 = arith.minimumf %gather3A_224, %min3A_226 : vector<16xf32>
        %exp3A_228 = math.exp %min3A_227 : vector<16xf32>
        %add3A_229 = arith.addf %add3A_202, %exp3A_228 : vector<16xf32>
        %add3A_230 = arith.constant 7 : i32
        %add3A_231 = vector.broadcast %add3A_230 : i32 to vector<16xi32>
        %add3A_232 = arith.addi %add3A_164, %add3A_231 : vector<16xi32>
        %gather3A_233 = tpu.vector_load_idx %arg9[%add3A_232] : memref<41472xf32, #tpu.memory_space<vmem>>[vector<16xi32>], vector<16xf32>,
        %min3A_234 = arith.constant 8.000000e+01 : f32
        %min3A_235 = vector.broadcast %min3A_234 : f32 to vector<16xf32>
        %min3A_236 = arith.minimumf %gather3A_233, %min3A_235 : vector<16xf32>
        %exp3A_237 = math.exp %min3A_236 : vector<16xf32>
        %add3A_238 = arith.addf %add3A_211, %exp3A_237 : vector<16xf32>
        %add3A_239 = arith.constant 8 : i32
        %add3A_240 = vector.broadcast %add3A_239 : i32 to vector<16xi32>
        %add3A_241 = arith.addi %add3A_164, %add3A_240 : vector<16xi32>
        %gather3A_242 = tpu.vector_load_idx %arg9[%add3A_241] : memref<41472xf32, #tpu.memory_space<vmem>>[vector<16xi32>], vector<16xf32>,
        %min3A_243 = arith.constant 8.000000e+01 : f32
        %min3A_244 = vector.broadcast %min3A_243 : f32 to vector<16xf32>
        %min3A_245 = arith.minimumf %gather3A_242, %min3A_244 : vector<16xf32>
        %exp3A_246 = math.exp %min3A_245 : vector<16xf32>
        %add3A_247 = arith.addf %add3A_220, %exp3A_246 : vector<16xf32>
        %add3A_248 = arith.constant 9 : i32
        %add3A_249 = vector.broadcast %add3A_248 : i32 to vector<16xi32>
        %add3A_250 = arith.addi %add3A_164, %add3A_249 : vector<16xi32>
        %gather3A_251 = tpu.vector_load_idx %arg9[%add3A_250] : memref<41472xf32, #tpu.memory_space<vmem>>[vector<16xi32>], vector<16xf32>,
        %min3A_252 = arith.constant 8.000000e+01 : f32
        %min3A_253 = vector.broadcast %min3A_252 : f32 to vector<16xf32>
        %min3A_254 = arith.minimumf %gather3A_251, %min3A_253 : vector<16xf32>
        %exp3A_255 = math.exp %min3A_254 : vector<16xf32>
        %add3A_256 = arith.addf %add3A_229, %exp3A_255 : vector<16xf32>
        %add3A_257 = arith.constant 10 : i32
        %add3A_258 = vector.broadcast %add3A_257 : i32 to vector<16xi32>
        %add3A_259 = arith.addi %add3A_164, %add3A_258 : vector<16xi32>
        %gather3A_260 = tpu.vector_load_idx %arg9[%add3A_259] : memref<41472xf32, #tpu.memory_space<vmem>>[vector<16xi32>], vector<16xf32>,
        %min3A_261 = arith.constant 8.000000e+01 : f32
        %min3A_262 = vector.broadcast %min3A_261 : f32 to vector<16xf32>
        %min3A_263 = arith.minimumf %gather3A_260, %min3A_262 : vector<16xf32>
        %exp3A_264 = math.exp %min3A_263 : vector<16xf32>
        %add3A_265 = arith.addf %add3A_238, %exp3A_264 : vector<16xf32>
        %add3A_266 = arith.constant 11 : i32
        %add3A_267 = vector.broadcast %add3A_266 : i32 to vector<16xi32>
        %add3A_268 = arith.addi %add3A_164, %add3A_267 : vector<16xi32>
        %gather3A_269 = tpu.vector_load_idx %arg9[%add3A_268] : memref<41472xf32, #tpu.memory_space<vmem>>[vector<16xi32>], vector<16xf32>,
        %min3A_270 = arith.constant 8.000000e+01 : f32
        %min3A_271 = vector.broadcast %min3A_270 : f32 to vector<16xf32>
        %min3A_272 = arith.minimumf %gather3A_269, %min3A_271 : vector<16xf32>
        %exp3A_273 = math.exp %min3A_272 : vector<16xf32>
        %add3A_274 = arith.addf %add3A_247, %exp3A_273 : vector<16xf32>
        %add3A_275 = arith.constant 12 : i32
        %add3A_276 = vector.broadcast %add3A_275 : i32 to vector<16xi32>
        %add3A_277 = arith.addi %add3A_164, %add3A_276 : vector<16xi32>
        %gather3A_278 = tpu.vector_load_idx %arg9[%add3A_277] : memref<41472xf32, #tpu.memory_space<vmem>>[vector<16xi32>], vector<16xf32>,
        %min3A_279 = arith.constant 8.000000e+01 : f32
        %min3A_280 = vector.broadcast %min3A_279 : f32 to vector<16xf32>
        %min3A_281 = arith.minimumf %gather3A_278, %min3A_280 : vector<16xf32>
        %exp3A_282 = math.exp %min3A_281 : vector<16xf32>
        %add3A_283 = arith.addf %add3A_256, %exp3A_282 : vector<16xf32>
        %add3A_284 = arith.constant 13 : i32
        %add3A_285 = vector.broadcast %add3A_284 : i32 to vector<16xi32>
        %add3A_286 = arith.addi %add3A_164, %add3A_285 : vector<16xi32>
        %gather3A_287 = tpu.vector_load_idx %arg9[%add3A_286] : memref<41472xf32, #tpu.memory_space<vmem>>[vector<16xi32>], vector<16xf32>,
        %min3A_288 = arith.constant 8.000000e+01 : f32
        %min3A_289 = vector.broadcast %min3A_288 : f32 to vector<16xf32>
        %min3A_290 = arith.minimumf %gather3A_287, %min3A_289 : vector<16xf32>
        %exp3A_291 = math.exp %min3A_290 : vector<16xf32>
        %add3A_292 = arith.addf %add3A_265, %exp3A_291 : vector<16xf32>
        %add3A_293 = arith.constant 14 : i32
        %add3A_294 = vector.broadcast %add3A_293 : i32 to vector<16xi32>
        %add3A_295 = arith.addi %add3A_164, %add3A_294 : vector<16xi32>
        %gather3A_296 = tpu.vector_load_idx %arg9[%add3A_295] : memref<41472xf32, #tpu.memory_space<vmem>>[vector<16xi32>], vector<16xf32>,
        %min3A_297 = arith.constant 8.000000e+01 : f32
        %min3A_298 = vector.broadcast %min3A_297 : f32 to vector<16xf32>
        %min3A_299 = arith.minimumf %gather3A_296, %min3A_298 : vector<16xf32>
        %exp3A_300 = math.exp %min3A_299 : vector<16xf32>
        %add3A_301 = arith.addf %add3A_274, %exp3A_300 : vector<16xf32>
        %add3A_302 = arith.constant 15 : i32
        %add3A_303 = vector.broadcast %add3A_302 : i32 to vector<16xi32>
        %add3A_304 = arith.addi %add3A_164, %add3A_303 : vector<16xi32>
        %gather3A_305 = tpu.vector_load_idx %arg9[%add3A_304] : memref<41472xf32, #tpu.memory_space<vmem>>[vector<16xi32>], vector<16xf32>,
        %min3A_306 = arith.constant 8.000000e+01 : f32
        %min3A_307 = vector.broadcast %min3A_306 : f32 to vector<16xf32>
        %min3A_308 = arith.minimumf %gather3A_305, %min3A_307 : vector<16xf32>
        %exp3A_309 = math.exp %min3A_308 : vector<16xf32>
        %add3A_310 = arith.addf %add3A_283, %exp3A_309 : vector<16xf32>
        %add3A_311 = arith.constant 16 : i32
        %add3A_312 = vector.broadcast %add3A_311 : i32 to vector<16xi32>
        %add3A_313 = arith.addi %add3A_164, %add3A_312 : vector<16xi32>
        %gather3A_314 = tpu.vector_load_idx %arg9[%add3A_313] : memref<41472xf32, #tpu.memory_space<vmem>>[vector<16xi32>], vector<16xf32>,
        %min3A_315 = arith.constant 8.000000e+01 : f32
        %min3A_316 = vector.broadcast %min3A_315 : f32 to vector<16xf32>
        %min3A_317 = arith.minimumf %gather3A_314, %min3A_316 : vector<16xf32>
        %exp3A_318 = math.exp %min3A_317 : vector<16xf32>
        %add3A_319 = arith.addf %add3A_292, %exp3A_318 : vector<16xf32>
        %add3A_320 = arith.constant 17 : i32
        %add3A_321 = vector.broadcast %add3A_320 : i32 to vector<16xi32>
        %add3A_322 = arith.addi %add3A_164, %add3A_321 : vector<16xi32>
        %gather3A_323 = tpu.vector_load_idx %arg9[%add3A_322] : memref<41472xf32, #tpu.memory_space<vmem>>[vector<16xi32>], vector<16xf32>,
        %min3A_324 = arith.constant 8.000000e+01 : f32
        %min3A_325 = vector.broadcast %min3A_324 : f32 to vector<16xf32>
        %min3A_326 = arith.minimumf %gather3A_323, %min3A_325 : vector<16xf32>
        %exp3A_327 = math.exp %min3A_326 : vector<16xf32>
        %add3A_328 = arith.addf %add3A_301, %exp3A_327 : vector<16xf32>
        %add3A_329 = arith.constant 18 : i32
        %add3A_330 = vector.broadcast %add3A_329 : i32 to vector<16xi32>
        %add3A_331 = arith.addi %add3A_164, %add3A_330 : vector<16xi32>
        %gather3A_332 = tpu.vector_load_idx %arg9[%add3A_331] : memref<41472xf32, #tpu.memory_space<vmem>>[vector<16xi32>], vector<16xf32>,
        %min3A_333 = arith.constant 8.000000e+01 : f32
        %min3A_334 = vector.broadcast %min3A_333 : f32 to vector<16xf32>
        %min3A_335 = arith.minimumf %gather3A_332, %min3A_334 : vector<16xf32>
        %exp3A_336 = math.exp %min3A_335 : vector<16xf32>
        %add3A_337 = arith.addf %add3A_310, %exp3A_336 : vector<16xf32>
        %add3A_338 = arith.constant 19 : i32
        %add3A_339 = vector.broadcast %add3A_338 : i32 to vector<16xi32>
        %add3A_340 = arith.addi %add3A_164, %add3A_339 : vector<16xi32>
        %gather3A_341 = tpu.vector_load_idx %arg9[%add3A_340] : memref<41472xf32, #tpu.memory_space<vmem>>[vector<16xi32>], vector<16xf32>,
        %min3A_342 = arith.constant 8.000000e+01 : f32
        %min3A_343 = vector.broadcast %min3A_342 : f32 to vector<16xf32>
        %min3A_344 = arith.minimumf %gather3A_341, %min3A_343 : vector<16xf32>
        %exp3A_345 = math.exp %min3A_344 : vector<16xf32>
        %add3A_346 = arith.addf %add3A_319, %exp3A_345 : vector<16xf32>
        %add3A_347 = arith.constant 20 : i32
        %add3A_348 = vector.broadcast %add3A_347 : i32 to vector<16xi32>
        %add3A_349 = arith.addi %add3A_164, %add3A_348 : vector<16xi32>
        %gather3A_350 = tpu.vector_load_idx %arg9[%add3A_349] : memref<41472xf32, #tpu.memory_space<vmem>>[vector<16xi32>], vector<16xf32>,
        %min3A_351 = arith.constant 8.000000e+01 : f32
        %min3A_352 = vector.broadcast %min3A_351 : f32 to vector<16xf32>
        %min3A_353 = arith.minimumf %gather3A_350, %min3A_352 : vector<16xf32>
        %exp3A_354 = math.exp %min3A_353 : vector<16xf32>
        %add3A_355 = arith.addf %add3A_328, %exp3A_354 : vector<16xf32>
        %add3A_356 = arith.constant 21 : i32
        %add3A_357 = vector.broadcast %add3A_356 : i32 to vector<16xi32>
        %add3A_358 = arith.addi %add3A_164, %add3A_357 : vector<16xi32>
        %gather3A_359 = tpu.vector_load_idx %arg9[%add3A_358] : memref<41472xf32, #tpu.memory_space<vmem>>[vector<16xi32>], vector<16xf32>,
        %min3A_360 = arith.constant 8.000000e+01 : f32
        %min3A_361 = vector.broadcast %min3A_360 : f32 to vector<16xf32>
        %min3A_362 = arith.minimumf %gather3A_359, %min3A_361 : vector<16xf32>
        %exp3A_363 = math.exp %min3A_362 : vector<16xf32>
        %add3A_364 = arith.addf %add3A_337, %exp3A_363 : vector<16xf32>
        %add3A_365 = arith.constant 22 : i32
        %add3A_366 = vector.broadcast %add3A_365 : i32 to vector<16xi32>
        %add3A_367 = arith.addi %add3A_164, %add3A_366 : vector<16xi32>
        %gather3A_368 = tpu.vector_load_idx %arg9[%add3A_367] : memref<41472xf32, #tpu.memory_space<vmem>>[vector<16xi32>], vector<16xf32>,
        %min3A_369 = arith.constant 8.000000e+01 : f32
        %min3A_370 = vector.broadcast %min3A_369 : f32 to vector<16xf32>
        %min3A_371 = arith.minimumf %gather3A_368, %min3A_370 : vector<16xf32>
        %exp3A_372 = math.exp %min3A_371 : vector<16xf32>
        %add3A_373 = arith.addf %add3A_346, %exp3A_372 : vector<16xf32>
        %add3A_374 = arith.constant 23 : i32
        %add3A_375 = vector.broadcast %add3A_374 : i32 to vector<16xi32>
        %add3A_376 = arith.addi %add3A_164, %add3A_375 : vector<16xi32>
        %gather3A_377 = tpu.vector_load_idx %arg9[%add3A_376] : memref<41472xf32, #tpu.memory_space<vmem>>[vector<16xi32>], vector<16xf32>,
        %min3A_378 = arith.constant 8.000000e+01 : f32
        %min3A_379 = vector.broadcast %min3A_378 : f32 to vector<16xf32>
        %min3A_380 = arith.minimumf %gather3A_377, %min3A_379 : vector<16xf32>
        %exp3A_381 = math.exp %min3A_380 : vector<16xf32>
        %add3A_382 = arith.addf %add3A_355, %exp3A_381 : vector<16xf32>
        %add3A_383 = arith.constant 24 : i32
        %add3A_384 = vector.broadcast %add3A_383 : i32 to vector<16xi32>
        %add3A_385 = arith.addi %add3A_164, %add3A_384 : vector<16xi32>
        %gather3A_386 = tpu.vector_load_idx %arg9[%add3A_385] : memref<41472xf32, #tpu.memory_space<vmem>>[vector<16xi32>], vector<16xf32>,
        %min3A_387 = arith.constant 8.000000e+01 : f32
        %min3A_388 = vector.broadcast %min3A_387 : f32 to vector<16xf32>
        %min3A_389 = arith.minimumf %gather3A_386, %min3A_388 : vector<16xf32>
        %exp3A_390 = math.exp %min3A_389 : vector<16xf32>
        %add3A_391 = arith.addf %add3A_364, %exp3A_390 : vector<16xf32>
        %add3A_392 = arith.constant 25 : i32
        %add3A_393 = vector.broadcast %add3A_392 : i32 to vector<16xi32>
        %add3A_394 = arith.addi %add3A_164, %add3A_393 : vector<16xi32>
        %gather3A_395 = tpu.vector_load_idx %arg9[%add3A_394] : memref<41472xf32, #tpu.memory_space<vmem>>[vector<16xi32>], vector<16xf32>,
        %min3A_396 = arith.constant 8.000000e+01 : f32
        %min3A_397 = vector.broadcast %min3A_396 : f32 to vector<16xf32>
        %min3A_398 = arith.minimumf %gather3A_395, %min3A_397 : vector<16xf32>
        %exp3A_399 = math.exp %min3A_398 : vector<16xf32>
        %add3A_400 = arith.addf %add3A_373, %exp3A_399 : vector<16xf32>
        %add3A_401 = arith.constant 26 : i32
        %add3A_402 = vector.broadcast %add3A_401 : i32 to vector<16xi32>
        %add3A_403 = arith.addi %add3A_164, %add3A_402 : vector<16xi32>
        %gather3A_404 = tpu.vector_load_idx %arg9[%add3A_403] : memref<41472xf32, #tpu.memory_space<vmem>>[vector<16xi32>], vector<16xf32>,
        %min3A_405 = arith.constant 8.000000e+01 : f32
        %min3A_406 = vector.broadcast %min3A_405 : f32 to vector<16xf32>
        %min3A_407 = arith.minimumf %gather3A_404, %min3A_406 : vector<16xf32>
        %exp3A_408 = math.exp %min3A_407 : vector<16xf32>
        %add3A_409 = arith.addf %add3A_382, %exp3A_408 : vector<16xf32>
        %add3A_410 = arith.constant 27 : i32
        %add3A_411 = vector.broadcast %add3A_410 : i32 to vector<16xi32>
        %add3A_412 = arith.addi %add3A_164, %add3A_411 : vector<16xi32>
        %gather3A_413 = tpu.vector_load_idx %arg9[%add3A_412] : memref<41472xf32, #tpu.memory_space<vmem>>[vector<16xi32>], vector<16xf32>,
        %min3A_414 = arith.constant 8.000000e+01 : f32
        %min3A_415 = vector.broadcast %min3A_414 : f32 to vector<16xf32>
        %min3A_416 = arith.minimumf %gather3A_413, %min3A_415 : vector<16xf32>
        %exp3A_417 = math.exp %min3A_416 : vector<16xf32>
        %add3A_418 = arith.addf %add3A_391, %exp3A_417 : vector<16xf32>
        %add3A_419 = arith.constant 28 : i32
        %add3A_420 = vector.broadcast %add3A_419 : i32 to vector<16xi32>
        %add3A_421 = arith.addi %add3A_164, %add3A_420 : vector<16xi32>
        %gather3A_422 = tpu.vector_load_idx %arg9[%add3A_421] : memref<41472xf32, #tpu.memory_space<vmem>>[vector<16xi32>], vector<16xf32>,
        %min3A_423 = arith.constant 8.000000e+01 : f32
        %min3A_424 = vector.broadcast %min3A_423 : f32 to vector<16xf32>
        %min3A_425 = arith.minimumf %gather3A_422, %min3A_424 : vector<16xf32>
        %exp3A_426 = math.exp %min3A_425 : vector<16xf32>
        %add3A_427 = arith.addf %add3A_400, %exp3A_426 : vector<16xf32>
        %add3A_428 = arith.constant 29 : i32
        %add3A_429 = vector.broadcast %add3A_428 : i32 to vector<16xi32>
        %add3A_430 = arith.addi %add3A_164, %add3A_429 : vector<16xi32>
        %gather3A_431 = tpu.vector_load_idx %arg9[%add3A_430] : memref<41472xf32, #tpu.memory_space<vmem>>[vector<16xi32>], vector<16xf32>,
        %min3A_432 = arith.constant 8.000000e+01 : f32
        %min3A_433 = vector.broadcast %min3A_432 : f32 to vector<16xf32>
        %min3A_434 = arith.minimumf %gather3A_431, %min3A_433 : vector<16xf32>
        %exp3A_435 = math.exp %min3A_434 : vector<16xf32>
        %add3A_436 = arith.addf %add3A_409, %exp3A_435 : vector<16xf32>
        %add3A_437 = arith.constant 30 : i32
        %add3A_438 = vector.broadcast %add3A_437 : i32 to vector<16xi32>
        %add3A_439 = arith.addi %add3A_164, %add3A_438 : vector<16xi32>
        %gather3A_440 = tpu.vector_load_idx %arg9[%add3A_439] : memref<41472xf32, #tpu.memory_space<vmem>>[vector<16xi32>], vector<16xf32>,
        %min3A_441 = arith.constant 8.000000e+01 : f32
        %min3A_442 = vector.broadcast %min3A_441 : f32 to vector<16xf32>
        %min3A_443 = arith.minimumf %gather3A_440, %min3A_442 : vector<16xf32>
        %exp3A_444 = math.exp %min3A_443 : vector<16xf32>
        %add3A_445 = arith.addf %add3A_418, %exp3A_444 : vector<16xf32>
        %add3A_446 = arith.constant 31 : i32
        %add3A_447 = vector.broadcast %add3A_446 : i32 to vector<16xi32>
        %add3A_448 = arith.addi %add3A_164, %add3A_447 : vector<16xi32>
        %gather3A_449 = tpu.vector_load_idx %arg9[%add3A_448] : memref<41472xf32, #tpu.memory_space<vmem>>[vector<16xi32>], vector<16xf32>,
        %min3A_450 = arith.constant 8.000000e+01 : f32
        %min3A_451 = vector.broadcast %min3A_450 : f32 to vector<16xf32>
        %min3A_452 = arith.minimumf %gather3A_449, %min3A_451 : vector<16xf32>
        %exp3A_453 = math.exp %min3A_452 : vector<16xf32>
        %add3A_454 = arith.addf %add3A_427, %exp3A_453 : vector<16xf32>
        %add3A_455 = arith.constant 32 : i32
        %add3A_456 = vector.broadcast %add3A_455 : i32 to vector<16xi32>
        %add3A_457 = arith.addi %add3A_164, %add3A_456 : vector<16xi32>
        %gather3A_458 = tpu.vector_load_idx %arg9[%add3A_457] : memref<41472xf32, #tpu.memory_space<vmem>>[vector<16xi32>], vector<16xf32>,
        %min3A_459 = arith.constant 8.000000e+01 : f32
        %min3A_460 = vector.broadcast %min3A_459 : f32 to vector<16xf32>
        %min3A_461 = arith.minimumf %gather3A_458, %min3A_460 : vector<16xf32>
        %exp3A_462 = math.exp %min3A_461 : vector<16xf32>
        %add3A_463 = arith.addf %add3A_436, %exp3A_462 : vector<16xf32>
        %add3A_464 = arith.constant 33 : i32
        %add3A_465 = vector.broadcast %add3A_464 : i32 to vector<16xi32>
        %add3A_466 = arith.addi %add3A_164, %add3A_465 : vector<16xi32>
        %gather3A_467 = tpu.vector_load_idx %arg9[%add3A_466] : memref<41472xf32, #tpu.memory_space<vmem>>[vector<16xi32>], vector<16xf32>,
        %min3A_468 = arith.constant 8.000000e+01 : f32
        %min3A_469 = vector.broadcast %min3A_468 : f32 to vector<16xf32>
        %min3A_470 = arith.minimumf %gather3A_467, %min3A_469 : vector<16xf32>
        %exp3A_471 = math.exp %min3A_470 : vector<16xf32>
        %add3A_472 = arith.addf %add3A_445, %exp3A_471 : vector<16xf32>
        %add3A_473 = arith.constant 34 : i32
        %add3A_474 = vector.broadcast %add3A_473 : i32 to vector<16xi32>
        %add3A_475 = arith.addi %add3A_164, %add3A_474 : vector<16xi32>
        %gather3A_476 = tpu.vector_load_idx %arg9[%add3A_475] : memref<41472xf32, #tpu.memory_space<vmem>>[vector<16xi32>], vector<16xf32>,
        %min3A_477 = arith.constant 8.000000e+01 : f32
        %min3A_478 = vector.broadcast %min3A_477 : f32 to vector<16xf32>
        %min3A_479 = arith.minimumf %gather3A_476, %min3A_478 : vector<16xf32>
        %exp3A_480 = math.exp %min3A_479 : vector<16xf32>
        %add3A_481 = arith.addf %add3A_454, %exp3A_480 : vector<16xf32>
        %add3A_482 = arith.constant 35 : i32
        %add3A_483 = vector.broadcast %add3A_482 : i32 to vector<16xi32>
        %add3A_484 = arith.addi %add3A_164, %add3A_483 : vector<16xi32>
        %gather3A_485 = tpu.vector_load_idx %arg9[%add3A_484] : memref<41472xf32, #tpu.memory_space<vmem>>[vector<16xi32>], vector<16xf32>,
        %min3A_486 = arith.constant 8.000000e+01 : f32
        %min3A_487 = vector.broadcast %min3A_486 : f32 to vector<16xf32>
        %min3A_488 = arith.minimumf %gather3A_485, %min3A_487 : vector<16xf32>
        %exp3A_489 = math.exp %min3A_488 : vector<16xf32>
        %add3A_490 = arith.addf %add3A_463, %exp3A_489 : vector<16xf32>
        %add3A_491 = arith.constant 36 : i32
        %add3A_492 = vector.broadcast %add3A_491 : i32 to vector<16xi32>
        %add3A_493 = arith.addi %add3A_164, %add3A_492 : vector<16xi32>
        %gather3A_494 = tpu.vector_load_idx %arg9[%add3A_493] : memref<41472xf32, #tpu.memory_space<vmem>>[vector<16xi32>], vector<16xf32>,
        %min3A_495 = arith.constant 8.000000e+01 : f32
        %min3A_496 = vector.broadcast %min3A_495 : f32 to vector<16xf32>
        %min3A_497 = arith.minimumf %gather3A_494, %min3A_496 : vector<16xf32>
        %exp3A_498 = math.exp %min3A_497 : vector<16xf32>
        %add3A_499 = arith.addf %add3A_472, %exp3A_498 : vector<16xf32>
        %add3A_500 = arith.constant 37 : i32
        %add3A_501 = vector.broadcast %add3A_500 : i32 to vector<16xi32>
        %add3A_502 = arith.addi %add3A_164, %add3A_501 : vector<16xi32>
        %gather3A_503 = tpu.vector_load_idx %arg9[%add3A_502] : memref<41472xf32, #tpu.memory_space<vmem>>[vector<16xi32>], vector<16xf32>,
        %min3A_504 = arith.constant 8.000000e+01 : f32
        %min3A_505 = vector.broadcast %min3A_504 : f32 to vector<16xf32>
        %min3A_506 = arith.minimumf %gather3A_503, %min3A_505 : vector<16xf32>
        %exp3A_507 = math.exp %min3A_506 : vector<16xf32>
        %add3A_508 = arith.addf %add3A_481, %exp3A_507 : vector<16xf32>
        %add3A_509 = arith.constant 38 : i32
        %add3A_510 = vector.broadcast %add3A_509 : i32 to vector<16xi32>
        %add3A_511 = arith.addi %add3A_164, %add3A_510 : vector<16xi32>
        %gather3A_512 = tpu.vector_load_idx %arg9[%add3A_511] : memref<41472xf32, #tpu.memory_space<vmem>>[vector<16xi32>], vector<16xf32>,
        %min3A_513 = arith.constant 8.000000e+01 : f32
        %min3A_514 = vector.broadcast %min3A_513 : f32 to vector<16xf32>
        %min3A_515 = arith.minimumf %gather3A_512, %min3A_514 : vector<16xf32>
        %exp3A_516 = math.exp %min3A_515 : vector<16xf32>
        %add3A_517 = arith.addf %add3A_490, %exp3A_516 : vector<16xf32>
        %add3A_518 = arith.constant 39 : i32
        %add3A_519 = vector.broadcast %add3A_518 : i32 to vector<16xi32>
        %add3A_520 = arith.addi %add3A_164, %add3A_519 : vector<16xi32>
        %gather3A_521 = tpu.vector_load_idx %arg9[%add3A_520] : memref<41472xf32, #tpu.memory_space<vmem>>[vector<16xi32>], vector<16xf32>,
        %min3A_522 = arith.constant 8.000000e+01 : f32
        %min3A_523 = vector.broadcast %min3A_522 : f32 to vector<16xf32>
        %min3A_524 = arith.minimumf %gather3A_521, %min3A_523 : vector<16xf32>
        %exp3A_525 = math.exp %min3A_524 : vector<16xf32>
        %add3A_526 = arith.addf %add3A_499, %exp3A_525 : vector<16xf32>
        %add3A_527 = arith.constant 40 : i32
        %add3A_528 = vector.broadcast %add3A_527 : i32 to vector<16xi32>
        %add3A_529 = arith.addi %add3A_164, %add3A_528 : vector<16xi32>
        %gather3A_530 = tpu.vector_load_idx %arg9[%add3A_529] : memref<41472xf32, #tpu.memory_space<vmem>>[vector<16xi32>], vector<16xf32>,
        %min3A_531 = arith.constant 8.000000e+01 : f32
        %min3A_532 = vector.broadcast %min3A_531 : f32 to vector<16xf32>
        %min3A_533 = arith.minimumf %gather3A_530, %min3A_532 : vector<16xf32>
        %exp3A_534 = math.exp %min3A_533 : vector<16xf32>
        %add3A_535 = arith.addf %add3A_508, %exp3A_534 : vector<16xf32>
        %add3A_536 = arith.constant 41 : i32
        %add3A_537 = vector.broadcast %add3A_536 : i32 to vector<16xi32>
        %add3A_538 = arith.addi %add3A_164, %add3A_537 : vector<16xi32>
        %gather3A_539 = tpu.vector_load_idx %arg9[%add3A_538] : memref<41472xf32, #tpu.memory_space<vmem>>[vector<16xi32>], vector<16xf32>,
        %min3A_540 = arith.constant 8.000000e+01 : f32
        %min3A_541 = vector.broadcast %min3A_540 : f32 to vector<16xf32>
        %min3A_542 = arith.minimumf %gather3A_539, %min3A_541 : vector<16xf32>
        %exp3A_543 = math.exp %min3A_542 : vector<16xf32>
        %add3A_544 = arith.addf %add3A_517, %exp3A_543 : vector<16xf32>
        %add3A_545 = arith.constant 42 : i32
        %add3A_546 = vector.broadcast %add3A_545 : i32 to vector<16xi32>
        %add3A_547 = arith.addi %add3A_164, %add3A_546 : vector<16xi32>
        %gather3A_548 = tpu.vector_load_idx %arg9[%add3A_547] : memref<41472xf32, #tpu.memory_space<vmem>>[vector<16xi32>], vector<16xf32>,
        %min3A_549 = arith.constant 8.000000e+01 : f32
        %min3A_550 = vector.broadcast %min3A_549 : f32 to vector<16xf32>
        %min3A_551 = arith.minimumf %gather3A_548, %min3A_550 : vector<16xf32>
        %exp3A_552 = math.exp %min3A_551 : vector<16xf32>
        %add3A_553 = arith.addf %add3A_526, %exp3A_552 : vector<16xf32>
        %add3A_554 = arith.constant 43 : i32
        %add3A_555 = vector.broadcast %add3A_554 : i32 to vector<16xi32>
        %add3A_556 = arith.addi %add3A_164, %add3A_555 : vector<16xi32>
        %gather3A_557 = tpu.vector_load_idx %arg9[%add3A_556] : memref<41472xf32, #tpu.memory_space<vmem>>[vector<16xi32>], vector<16xf32>,
        %min3A_558 = arith.constant 8.000000e+01 : f32
        %min3A_559 = vector.broadcast %min3A_558 : f32 to vector<16xf32>
        %min3A_560 = arith.minimumf %gather3A_557, %min3A_559 : vector<16xf32>
        %exp3A_561 = math.exp %min3A_560 : vector<16xf32>
        %add3A_562 = arith.addf %add3A_535, %exp3A_561 : vector<16xf32>
        %add3A_563 = arith.constant 44 : i32
        %add3A_564 = vector.broadcast %add3A_563 : i32 to vector<16xi32>
        %add3A_565 = arith.addi %add3A_164, %add3A_564 : vector<16xi32>
        %gather3A_566 = tpu.vector_load_idx %arg9[%add3A_565] : memref<41472xf32, #tpu.memory_space<vmem>>[vector<16xi32>], vector<16xf32>,
        %min3A_567 = arith.constant 8.000000e+01 : f32
        %min3A_568 = vector.broadcast %min3A_567 : f32 to vector<16xf32>
        %min3A_569 = arith.minimumf %gather3A_566, %min3A_568 : vector<16xf32>
        %exp3A_570 = math.exp %min3A_569 : vector<16xf32>
        %add3A_571 = arith.addf %add3A_544, %exp3A_570 : vector<16xf32>
        %add3A_572 = arith.constant 45 : i32
        %add3A_573 = vector.broadcast %add3A_572 : i32 to vector<16xi32>
        %add3A_574 = arith.addi %add3A_164, %add3A_573 : vector<16xi32>
        %gather3A_575 = tpu.vector_load_idx %arg9[%add3A_574] : memref<41472xf32, #tpu.memory_space<vmem>>[vector<16xi32>], vector<16xf32>,
        %min3A_576 = arith.constant 8.000000e+01 : f32
        %min3A_577 = vector.broadcast %min3A_576 : f32 to vector<16xf32>
        %min3A_578 = arith.minimumf %gather3A_575, %min3A_577 : vector<16xf32>
        %exp3A_579 = math.exp %min3A_578 : vector<16xf32>
        %add3A_580 = arith.addf %add3A_553, %exp3A_579 : vector<16xf32>
        %add3A_581 = arith.constant 46 : i32
        %add3A_582 = vector.broadcast %add3A_581 : i32 to vector<16xi32>
        %add3A_583 = arith.addi %add3A_164, %add3A_582 : vector<16xi32>
        %gather3A_584 = tpu.vector_load_idx %arg9[%add3A_583] : memref<41472xf32, #tpu.memory_space<vmem>>[vector<16xi32>], vector<16xf32>,
        %min3A_585 = arith.constant 8.000000e+01 : f32
        %min3A_586 = vector.broadcast %min3A_585 : f32 to vector<16xf32>
        %min3A_587 = arith.minimumf %gather3A_584, %min3A_586 : vector<16xf32>
        %exp3A_588 = math.exp %min3A_587 : vector<16xf32>
        %add3A_589 = arith.addf %add3A_562, %exp3A_588 : vector<16xf32>
        %add3A_590 = arith.constant 47 : i32
        %add3A_591 = vector.broadcast %add3A_590 : i32 to vector<16xi32>
        %add3A_592 = arith.addi %add3A_164, %add3A_591 : vector<16xi32>
        %gather3A_593 = tpu.vector_load_idx %arg9[%add3A_592] : memref<41472xf32, #tpu.memory_space<vmem>>[vector<16xi32>], vector<16xf32>,
        %min3A_594 = arith.constant 8.000000e+01 : f32
        %min3A_595 = vector.broadcast %min3A_594 : f32 to vector<16xf32>
        %min3A_596 = arith.minimumf %gather3A_593, %min3A_595 : vector<16xf32>
        %exp3A_597 = math.exp %min3A_596 : vector<16xf32>
        %add3A_598 = arith.addf %add3A_571, %exp3A_597 : vector<16xf32>
        %add3A_599 = arith.constant 48 : i32
        %add3A_600 = vector.broadcast %add3A_599 : i32 to vector<16xi32>
        %add3A_601 = arith.addi %add3A_164, %add3A_600 : vector<16xi32>
        %gather3A_602 = tpu.vector_load_idx %arg9[%add3A_601] : memref<41472xf32, #tpu.memory_space<vmem>>[vector<16xi32>], vector<16xf32>,
        %min3A_603 = arith.constant 8.000000e+01 : f32
        %min3A_604 = vector.broadcast %min3A_603 : f32 to vector<16xf32>
        %min3A_605 = arith.minimumf %gather3A_602, %min3A_604 : vector<16xf32>
        %exp3A_606 = math.exp %min3A_605 : vector<16xf32>
        %add3A_607 = arith.addf %add3A_580, %exp3A_606 : vector<16xf32>
        %add3A_608 = arith.constant 49 : i32
        %add3A_609 = vector.broadcast %add3A_608 : i32 to vector<16xi32>
        %add3A_610 = arith.addi %add3A_164, %add3A_609 : vector<16xi32>
        %gather3A_611 = tpu.vector_load_idx %arg9[%add3A_610] : memref<41472xf32, #tpu.memory_space<vmem>>[vector<16xi32>], vector<16xf32>,
        %min3A_612 = arith.constant 8.000000e+01 : f32
        %min3A_613 = vector.broadcast %min3A_612 : f32 to vector<16xf32>
        %min3A_614 = arith.minimumf %gather3A_611, %min3A_613 : vector<16xf32>
        %exp3A_615 = math.exp %min3A_614 : vector<16xf32>
        %add3A_616 = arith.addf %add3A_589, %exp3A_615 : vector<16xf32>
        %add3A_617 = arith.constant 50 : i32
        %add3A_618 = vector.broadcast %add3A_617 : i32 to vector<16xi32>
        %add3A_619 = arith.addi %add3A_164, %add3A_618 : vector<16xi32>
        %gather3A_620 = tpu.vector_load_idx %arg9[%add3A_619] : memref<41472xf32, #tpu.memory_space<vmem>>[vector<16xi32>], vector<16xf32>,
        %min3A_621 = arith.constant 8.000000e+01 : f32
        %min3A_622 = vector.broadcast %min3A_621 : f32 to vector<16xf32>
        %min3A_623 = arith.minimumf %gather3A_620, %min3A_622 : vector<16xf32>
        %exp3A_624 = math.exp %min3A_623 : vector<16xf32>
        %add3A_625 = arith.addf %add3A_598, %exp3A_624 : vector<16xf32>
        %add3A_626 = arith.constant 51 : i32
        %add3A_627 = vector.broadcast %add3A_626 : i32 to vector<16xi32>
        %add3A_628 = arith.addi %add3A_164, %add3A_627 : vector<16xi32>
        %gather3A_629 = tpu.vector_load_idx %arg9[%add3A_628] : memref<41472xf32, #tpu.memory_space<vmem>>[vector<16xi32>], vector<16xf32>,
        %min3A_630 = arith.constant 8.000000e+01 : f32
        %min3A_631 = vector.broadcast %min3A_630 : f32 to vector<16xf32>
        %min3A_632 = arith.minimumf %gather3A_629, %min3A_631 : vector<16xf32>
        %exp3A_633 = math.exp %min3A_632 : vector<16xf32>
        %add3A_634 = arith.addf %add3A_607, %exp3A_633 : vector<16xf32>
        %add3A_635 = arith.constant 52 : i32
        %add3A_636 = vector.broadcast %add3A_635 : i32 to vector<16xi32>
        %add3A_637 = arith.addi %add3A_164, %add3A_636 : vector<16xi32>
        %gather3A_638 = tpu.vector_load_idx %arg9[%add3A_637] : memref<41472xf32, #tpu.memory_space<vmem>>[vector<16xi32>], vector<16xf32>,
        %min3A_639 = arith.constant 8.000000e+01 : f32
        %min3A_640 = vector.broadcast %min3A_639 : f32 to vector<16xf32>
        %min3A_641 = arith.minimumf %gather3A_638, %min3A_640 : vector<16xf32>
        %exp3A_642 = math.exp %min3A_641 : vector<16xf32>
        %add3A_643 = arith.addf %add3A_616, %exp3A_642 : vector<16xf32>
        %add3A_644 = arith.constant 53 : i32
        %add3A_645 = vector.broadcast %add3A_644 : i32 to vector<16xi32>
        %add3A_646 = arith.addi %add3A_164, %add3A_645 : vector<16xi32>
        %gather3A_647 = tpu.vector_load_idx %arg9[%add3A_646] : memref<41472xf32, #tpu.memory_space<vmem>>[vector<16xi32>], vector<16xf32>,
        %min3A_648 = arith.constant 8.000000e+01 : f32
        %min3A_649 = vector.broadcast %min3A_648 : f32 to vector<16xf32>
        %min3A_650 = arith.minimumf %gather3A_647, %min3A_649 : vector<16xf32>
        %exp3A_651 = math.exp %min3A_650 : vector<16xf32>
        %add3A_652 = arith.addf %add3A_625, %exp3A_651 : vector<16xf32>
        %add3A_653 = arith.constant 54 : i32
        %add3A_654 = vector.broadcast %add3A_653 : i32 to vector<16xi32>
        %add3A_655 = arith.addi %add3A_164, %add3A_654 : vector<16xi32>
        %gather3A_656 = tpu.vector_load_idx %arg9[%add3A_655] : memref<41472xf32, #tpu.memory_space<vmem>>[vector<16xi32>], vector<16xf32>,
        %min3A_657 = arith.constant 8.000000e+01 : f32
        %min3A_658 = vector.broadcast %min3A_657 : f32 to vector<16xf32>
        %min3A_659 = arith.minimumf %gather3A_656, %min3A_658 : vector<16xf32>
        %exp3A_660 = math.exp %min3A_659 : vector<16xf32>
        %add3A_661 = arith.addf %add3A_634, %exp3A_660 : vector<16xf32>
        %add3A_662 = arith.constant 55 : i32
        %add3A_663 = vector.broadcast %add3A_662 : i32 to vector<16xi32>
        %add3A_664 = arith.addi %add3A_164, %add3A_663 : vector<16xi32>
        %gather3A_665 = tpu.vector_load_idx %arg9[%add3A_664] : memref<41472xf32, #tpu.memory_space<vmem>>[vector<16xi32>], vector<16xf32>,
        %min3A_666 = arith.constant 8.000000e+01 : f32
        %min3A_667 = vector.broadcast %min3A_666 : f32 to vector<16xf32>
        %min3A_668 = arith.minimumf %gather3A_665, %min3A_667 : vector<16xf32>
        %exp3A_669 = math.exp %min3A_668 : vector<16xf32>
        %add3A_670 = arith.addf %add3A_643, %exp3A_669 : vector<16xf32>
        %add3A_671 = arith.constant 56 : i32
        %add3A_672 = vector.broadcast %add3A_671 : i32 to vector<16xi32>
        %add3A_673 = arith.addi %add3A_164, %add3A_672 : vector<16xi32>
        %gather3A_674 = tpu.vector_load_idx %arg9[%add3A_673] : memref<41472xf32, #tpu.memory_space<vmem>>[vector<16xi32>], vector<16xf32>,
        %min3A_675 = arith.constant 8.000000e+01 : f32
        %min3A_676 = vector.broadcast %min3A_675 : f32 to vector<16xf32>
        %min3A_677 = arith.minimumf %gather3A_674, %min3A_676 : vector<16xf32>
        %exp3A_678 = math.exp %min3A_677 : vector<16xf32>
        %add3A_679 = arith.addf %add3A_652, %exp3A_678 : vector<16xf32>
        %add3A_680 = arith.constant 57 : i32
        %add3A_681 = vector.broadcast %add3A_680 : i32 to vector<16xi32>
        %add3A_682 = arith.addi %add3A_164, %add3A_681 : vector<16xi32>
        %gather3A_683 = tpu.vector_load_idx %arg9[%add3A_682] : memref<41472xf32, #tpu.memory_space<vmem>>[vector<16xi32>], vector<16xf32>,
        %min3A_684 = arith.constant 8.000000e+01 : f32
        %min3A_685 = vector.broadcast %min3A_684 : f32 to vector<16xf32>
        %min3A_686 = arith.minimumf %gather3A_683, %min3A_685 : vector<16xf32>
        %exp3A_687 = math.exp %min3A_686 : vector<16xf32>
        %add3A_688 = arith.addf %add3A_661, %exp3A_687 : vector<16xf32>
        %add3A_689 = arith.constant 58 : i32
        %add3A_690 = vector.broadcast %add3A_689 : i32 to vector<16xi32>
        %add3A_691 = arith.addi %add3A_164, %add3A_690 : vector<16xi32>
        %gather3A_692 = tpu.vector_load_idx %arg9[%add3A_691] : memref<41472xf32, #tpu.memory_space<vmem>>[vector<16xi32>], vector<16xf32>,
        %min3A_693 = arith.constant 8.000000e+01 : f32
        %min3A_694 = vector.broadcast %min3A_693 : f32 to vector<16xf32>
        %min3A_695 = arith.minimumf %gather3A_692, %min3A_694 : vector<16xf32>
        %exp3A_696 = math.exp %min3A_695 : vector<16xf32>
        %add3A_697 = arith.addf %add3A_670, %exp3A_696 : vector<16xf32>
        %add3A_698 = arith.constant 59 : i32
        %add3A_699 = vector.broadcast %add3A_698 : i32 to vector<16xi32>
        %add3A_700 = arith.addi %add3A_164, %add3A_699 : vector<16xi32>
        %gather3A_701 = tpu.vector_load_idx %arg9[%add3A_700] : memref<41472xf32, #tpu.memory_space<vmem>>[vector<16xi32>], vector<16xf32>,
        %min3A_702 = arith.constant 8.000000e+01 : f32
        %min3A_703 = vector.broadcast %min3A_702 : f32 to vector<16xf32>
        %min3A_704 = arith.minimumf %gather3A_701, %min3A_703 : vector<16xf32>
        %exp3A_705 = math.exp %min3A_704 : vector<16xf32>
        %add3A_706 = arith.addf %add3A_679, %exp3A_705 : vector<16xf32>
        %add3A_707 = arith.constant 60 : i32
        %add3A_708 = vector.broadcast %add3A_707 : i32 to vector<16xi32>
        %add3A_709 = arith.addi %add3A_164, %add3A_708 : vector<16xi32>
        %gather3A_710 = tpu.vector_load_idx %arg9[%add3A_709] : memref<41472xf32, #tpu.memory_space<vmem>>[vector<16xi32>], vector<16xf32>,
        %min3A_711 = arith.constant 8.000000e+01 : f32
        %min3A_712 = vector.broadcast %min3A_711 : f32 to vector<16xf32>
        %min3A_713 = arith.minimumf %gather3A_710, %min3A_712 : vector<16xf32>
        %exp3A_714 = math.exp %min3A_713 : vector<16xf32>
        %add3A_715 = arith.addf %add3A_688, %exp3A_714 : vector<16xf32>
        %add3A_716 = arith.constant 61 : i32
        %add3A_717 = vector.broadcast %add3A_716 : i32 to vector<16xi32>
        %add3A_718 = arith.addi %add3A_164, %add3A_717 : vector<16xi32>
        %gather3A_719 = tpu.vector_load_idx %arg9[%add3A_718] : memref<41472xf32, #tpu.memory_space<vmem>>[vector<16xi32>], vector<16xf32>,
        %min3A_720 = arith.constant 8.000000e+01 : f32
        %min3A_721 = vector.broadcast %min3A_720 : f32 to vector<16xf32>
        %min3A_722 = arith.minimumf %gather3A_719, %min3A_721 : vector<16xf32>
        %exp3A_723 = math.exp %min3A_722 : vector<16xf32>
        %add3A_724 = arith.addf %add3A_697, %exp3A_723 : vector<16xf32>
        %add3A_725 = arith.constant 62 : i32
        %add3A_726 = vector.broadcast %add3A_725 : i32 to vector<16xi32>
        %add3A_727 = arith.addi %add3A_164, %add3A_726 : vector<16xi32>
        %gather3A_728 = tpu.vector_load_idx %arg9[%add3A_727] : memref<41472xf32, #tpu.memory_space<vmem>>[vector<16xi32>], vector<16xf32>,
        %min3A_729 = arith.constant 8.000000e+01 : f32
        %min3A_730 = vector.broadcast %min3A_729 : f32 to vector<16xf32>
        %min3A_731 = arith.minimumf %gather3A_728, %min3A_730 : vector<16xf32>
        %exp3A_732 = math.exp %min3A_731 : vector<16xf32>
        %add3A_733 = arith.addf %add3A_706, %exp3A_732 : vector<16xf32>
        %add3A_734 = arith.constant 63 : i32
        %add3A_735 = vector.broadcast %add3A_734 : i32 to vector<16xi32>
        %add3A_736 = arith.addi %add3A_164, %add3A_735 : vector<16xi32>
        %gather3A_737 = tpu.vector_load_idx %arg9[%add3A_736] : memref<41472xf32, #tpu.memory_space<vmem>>[vector<16xi32>], vector<16xf32>,
        %min3A_738 = arith.constant 8.000000e+01 : f32
        %min3A_739 = vector.broadcast %min3A_738 : f32 to vector<16xf32>
        %min3A_740 = arith.minimumf %gather3A_737, %min3A_739 : vector<16xf32>
        %exp3A_741 = math.exp %min3A_740 : vector<16xf32>
        %add3A_742 = arith.addf %add3A_715, %exp3A_741 : vector<16xf32>
        %add3A_743 = arith.constant 64 : i32
        %add3A_744 = vector.broadcast %add3A_743 : i32 to vector<16xi32>
        %add3A_745 = arith.addi %add3A_164, %add3A_744 : vector<16xi32>
        %gather3A_746 = tpu.vector_load_idx %arg9[%add3A_745] : memref<41472xf32, #tpu.memory_space<vmem>>[vector<16xi32>], vector<16xf32>,
        %min3A_747 = arith.constant 8.000000e+01 : f32
        %min3A_748 = vector.broadcast %min3A_747 : f32 to vector<16xf32>
        %min3A_749 = arith.minimumf %gather3A_746, %min3A_748 : vector<16xf32>
        %exp3A_750 = math.exp %min3A_749 : vector<16xf32>
        %add3A_751 = arith.addf %add3A_724, %exp3A_750 : vector<16xf32>
        %add3A_752 = arith.constant 65 : i32
        %add3A_753 = vector.broadcast %add3A_752 : i32 to vector<16xi32>
        %add3A_754 = arith.addi %add3A_164, %add3A_753 : vector<16xi32>
        %gather3A_755 = tpu.vector_load_idx %arg9[%add3A_754] : memref<41472xf32, #tpu.memory_space<vmem>>[vector<16xi32>], vector<16xf32>,
        %min3A_756 = arith.constant 8.000000e+01 : f32
        %min3A_757 = vector.broadcast %min3A_756 : f32 to vector<16xf32>
        %min3A_758 = arith.minimumf %gather3A_755, %min3A_757 : vector<16xf32>
        %exp3A_759 = math.exp %min3A_758 : vector<16xf32>
        %add3A_760 = arith.addf %add3A_733, %exp3A_759 : vector<16xf32>
        %add3A_761 = arith.constant 66 : i32
        %add3A_762 = vector.broadcast %add3A_761 : i32 to vector<16xi32>
        %add3A_763 = arith.addi %add3A_164, %add3A_762 : vector<16xi32>
        %gather3A_764 = tpu.vector_load_idx %arg9[%add3A_763] : memref<41472xf32, #tpu.memory_space<vmem>>[vector<16xi32>], vector<16xf32>,
        %min3A_765 = arith.constant 8.000000e+01 : f32
        %min3A_766 = vector.broadcast %min3A_765 : f32 to vector<16xf32>
        %min3A_767 = arith.minimumf %gather3A_764, %min3A_766 : vector<16xf32>
        %exp3A_768 = math.exp %min3A_767 : vector<16xf32>
        %add3A_769 = arith.addf %add3A_742, %exp3A_768 : vector<16xf32>
        %add3A_770 = arith.constant 67 : i32
        %add3A_771 = vector.broadcast %add3A_770 : i32 to vector<16xi32>
        %add3A_772 = arith.addi %add3A_164, %add3A_771 : vector<16xi32>
        %gather3A_773 = tpu.vector_load_idx %arg9[%add3A_772] : memref<41472xf32, #tpu.memory_space<vmem>>[vector<16xi32>], vector<16xf32>,
        %min3A_774 = arith.constant 8.000000e+01 : f32
        %min3A_775 = vector.broadcast %min3A_774 : f32 to vector<16xf32>
        %min3A_776 = arith.minimumf %gather3A_773, %min3A_775 : vector<16xf32>
        %exp3A_777 = math.exp %min3A_776 : vector<16xf32>
        %add3A_778 = arith.addf %add3A_751, %exp3A_777 : vector<16xf32>
        %add3A_779 = arith.constant 68 : i32
        %add3A_780 = vector.broadcast %add3A_779 : i32 to vector<16xi32>
        %add3A_781 = arith.addi %add3A_164, %add3A_780 : vector<16xi32>
        %gather3A_782 = tpu.vector_load_idx %arg9[%add3A_781] : memref<41472xf32, #tpu.memory_space<vmem>>[vector<16xi32>], vector<16xf32>,
        %min3A_783 = arith.constant 8.000000e+01 : f32
        %min3A_784 = vector.broadcast %min3A_783 : f32 to vector<16xf32>
        %min3A_785 = arith.minimumf %gather3A_782, %min3A_784 : vector<16xf32>
        %exp3A_786 = math.exp %min3A_785 : vector<16xf32>
        %add3A_787 = arith.addf %add3A_760, %exp3A_786 : vector<16xf32>
        %add3A_788 = arith.constant 69 : i32
        %add3A_789 = vector.broadcast %add3A_788 : i32 to vector<16xi32>
        %add3A_790 = arith.addi %add3A_164, %add3A_789 : vector<16xi32>
        %gather3A_791 = tpu.vector_load_idx %arg9[%add3A_790] : memref<41472xf32, #tpu.memory_space<vmem>>[vector<16xi32>], vector<16xf32>,
        %min3A_792 = arith.constant 8.000000e+01 : f32
        %min3A_793 = vector.broadcast %min3A_792 : f32 to vector<16xf32>
        %min3A_794 = arith.minimumf %gather3A_791, %min3A_793 : vector<16xf32>
        %exp3A_795 = math.exp %min3A_794 : vector<16xf32>
        %add3A_796 = arith.addf %add3A_769, %exp3A_795 : vector<16xf32>
        %add3A_797 = arith.constant 70 : i32
        %add3A_798 = vector.broadcast %add3A_797 : i32 to vector<16xi32>
        %add3A_799 = arith.addi %add3A_164, %add3A_798 : vector<16xi32>
        %gather3A_800 = tpu.vector_load_idx %arg9[%add3A_799] : memref<41472xf32, #tpu.memory_space<vmem>>[vector<16xi32>], vector<16xf32>,
        %min3A_801 = arith.constant 8.000000e+01 : f32
        %min3A_802 = vector.broadcast %min3A_801 : f32 to vector<16xf32>
        %min3A_803 = arith.minimumf %gather3A_800, %min3A_802 : vector<16xf32>
        %exp3A_804 = math.exp %min3A_803 : vector<16xf32>
        %add3A_805 = arith.addf %add3A_778, %exp3A_804 : vector<16xf32>
        %add3A_806 = arith.constant 71 : i32
        %add3A_807 = vector.broadcast %add3A_806 : i32 to vector<16xi32>
        %add3A_808 = arith.addi %add3A_164, %add3A_807 : vector<16xi32>
        %gather3A_809 = tpu.vector_load_idx %arg9[%add3A_808] : memref<41472xf32, #tpu.memory_space<vmem>>[vector<16xi32>], vector<16xf32>,
        %min3A_810 = arith.constant 8.000000e+01 : f32
        %min3A_811 = vector.broadcast %min3A_810 : f32 to vector<16xf32>
        %min3A_812 = arith.minimumf %gather3A_809, %min3A_811 : vector<16xf32>
        %exp3A_813 = math.exp %min3A_812 : vector<16xf32>
        %add3A_814 = arith.addf %add3A_787, %exp3A_813 : vector<16xf32>
        %add3A_815 = arith.constant 72 : i32
        %add3A_816 = vector.broadcast %add3A_815 : i32 to vector<16xi32>
        %add3A_817 = arith.addi %add3A_164, %add3A_816 : vector<16xi32>
        %gather3A_818 = tpu.vector_load_idx %arg9[%add3A_817] : memref<41472xf32, #tpu.memory_space<vmem>>[vector<16xi32>], vector<16xf32>,
        %min3A_819 = arith.constant 8.000000e+01 : f32
        %min3A_820 = vector.broadcast %min3A_819 : f32 to vector<16xf32>
        %min3A_821 = arith.minimumf %gather3A_818, %min3A_820 : vector<16xf32>
        %exp3A_822 = math.exp %min3A_821 : vector<16xf32>
        %add3A_823 = arith.addf %add3A_796, %exp3A_822 : vector<16xf32>
        %add3A_824 = arith.constant 73 : i32
        %add3A_825 = vector.broadcast %add3A_824 : i32 to vector<16xi32>
        %add3A_826 = arith.addi %add3A_164, %add3A_825 : vector<16xi32>
        %gather3A_827 = tpu.vector_load_idx %arg9[%add3A_826] : memref<41472xf32, #tpu.memory_space<vmem>>[vector<16xi32>], vector<16xf32>,
        %min3A_828 = arith.constant 8.000000e+01 : f32
        %min3A_829 = vector.broadcast %min3A_828 : f32 to vector<16xf32>
        %min3A_830 = arith.minimumf %gather3A_827, %min3A_829 : vector<16xf32>
        %exp3A_831 = math.exp %min3A_830 : vector<16xf32>
        %add3A_832 = arith.addf %add3A_805, %exp3A_831 : vector<16xf32>
        %add3A_833 = arith.constant 74 : i32
        %add3A_834 = vector.broadcast %add3A_833 : i32 to vector<16xi32>
        %add3A_835 = arith.addi %add3A_164, %add3A_834 : vector<16xi32>
        %gather3A_836 = tpu.vector_load_idx %arg9[%add3A_835] : memref<41472xf32, #tpu.memory_space<vmem>>[vector<16xi32>], vector<16xf32>,
        %min3A_837 = arith.constant 8.000000e+01 : f32
        %min3A_838 = vector.broadcast %min3A_837 : f32 to vector<16xf32>
        %min3A_839 = arith.minimumf %gather3A_836, %min3A_838 : vector<16xf32>
        %exp3A_840 = math.exp %min3A_839 : vector<16xf32>
        %add3A_841 = arith.addf %add3A_814, %exp3A_840 : vector<16xf32>
        %add3A_842 = arith.constant 75 : i32
        %add3A_843 = vector.broadcast %add3A_842 : i32 to vector<16xi32>
        %add3A_844 = arith.addi %add3A_164, %add3A_843 : vector<16xi32>
        %gather3A_845 = tpu.vector_load_idx %arg9[%add3A_844] : memref<41472xf32, #tpu.memory_space<vmem>>[vector<16xi32>], vector<16xf32>,
        %min3A_846 = arith.constant 8.000000e+01 : f32
        %min3A_847 = vector.broadcast %min3A_846 : f32 to vector<16xf32>
        %min3A_848 = arith.minimumf %gather3A_845, %min3A_847 : vector<16xf32>
        %exp3A_849 = math.exp %min3A_848 : vector<16xf32>
        %add3A_850 = arith.addf %add3A_823, %exp3A_849 : vector<16xf32>
        %add3A_851 = arith.constant 76 : i32
        %add3A_852 = vector.broadcast %add3A_851 : i32 to vector<16xi32>
        %add3A_853 = arith.addi %add3A_164, %add3A_852 : vector<16xi32>
        %gather3A_854 = tpu.vector_load_idx %arg9[%add3A_853] : memref<41472xf32, #tpu.memory_space<vmem>>[vector<16xi32>], vector<16xf32>,
        %min3A_855 = arith.constant 8.000000e+01 : f32
        %min3A_856 = vector.broadcast %min3A_855 : f32 to vector<16xf32>
        %min3A_857 = arith.minimumf %gather3A_854, %min3A_856 : vector<16xf32>
        %exp3A_858 = math.exp %min3A_857 : vector<16xf32>
        %add3A_859 = arith.addf %add3A_832, %exp3A_858 : vector<16xf32>
        %add3A_860 = arith.constant 77 : i32
        %add3A_861 = vector.broadcast %add3A_860 : i32 to vector<16xi32>
        %add3A_862 = arith.addi %add3A_164, %add3A_861 : vector<16xi32>
        %gather3A_863 = tpu.vector_load_idx %arg9[%add3A_862] : memref<41472xf32, #tpu.memory_space<vmem>>[vector<16xi32>], vector<16xf32>,
        %min3A_864 = arith.constant 8.000000e+01 : f32
        %min3A_865 = vector.broadcast %min3A_864 : f32 to vector<16xf32>
        %min3A_866 = arith.minimumf %gather3A_863, %min3A_865 : vector<16xf32>
        %exp3A_867 = math.exp %min3A_866 : vector<16xf32>
        %add3A_868 = arith.addf %add3A_841, %exp3A_867 : vector<16xf32>
        %add3A_869 = arith.constant 78 : i32
        %add3A_870 = vector.broadcast %add3A_869 : i32 to vector<16xi32>
        %add3A_871 = arith.addi %add3A_164, %add3A_870 : vector<16xi32>
        %gather3A_872 = tpu.vector_load_idx %arg9[%add3A_871] : memref<41472xf32, #tpu.memory_space<vmem>>[vector<16xi32>], vector<16xf32>,
        %min3A_873 = arith.constant 8.000000e+01 : f32
        %min3A_874 = vector.broadcast %min3A_873 : f32 to vector<16xf32>
        %min3A_875 = arith.minimumf %gather3A_872, %min3A_874 : vector<16xf32>
        %exp3A_876 = math.exp %min3A_875 : vector<16xf32>
        %add3A_877 = arith.addf %add3A_850, %exp3A_876 : vector<16xf32>
        %add3A_878 = arith.constant 79 : i32
        %add3A_879 = vector.broadcast %add3A_878 : i32 to vector<16xi32>
        %add3A_880 = arith.addi %add3A_164, %add3A_879 : vector<16xi32>
        %gather3A_881 = tpu.vector_load_idx %arg9[%add3A_880] : memref<41472xf32, #tpu.memory_space<vmem>>[vector<16xi32>], vector<16xf32>,
        %min3A_882 = arith.constant 8.000000e+01 : f32
        %min3A_883 = vector.broadcast %min3A_882 : f32 to vector<16xf32>
        %min3A_884 = arith.minimumf %gather3A_881, %min3A_883 : vector<16xf32>
        %exp3A_885 = math.exp %min3A_884 : vector<16xf32>
        %add3A_886 = arith.addf %add3A_859, %exp3A_885 : vector<16xf32>
        %add3A_887 = arith.constant 80 : i32
        %add3A_888 = vector.broadcast %add3A_887 : i32 to vector<16xi32>
        %add3A_889 = arith.addi %add3A_164, %add3A_888 : vector<16xi32>
        %gather3A_890 = tpu.vector_load_idx %arg9[%add3A_889] : memref<41472xf32, #tpu.memory_space<vmem>>[vector<16xi32>], vector<16xf32>,
        %min3A_891 = arith.constant 8.000000e+01 : f32
        %min3A_892 = vector.broadcast %min3A_891 : f32 to vector<16xf32>
        %min3A_893 = arith.minimumf %gather3A_890, %min3A_892 : vector<16xf32>
        %exp3A_894 = math.exp %min3A_893 : vector<16xf32>
        %add3A_895 = arith.addf %add3A_868, %exp3A_894 : vector<16xf32>
        %add3A_896 = arith.addf %add3A_877, %add3A_886 : vector<16xf32>
        %add3A_897 = arith.addf %add3A_896, %add3A_895 : vector<16xf32>
        %mul3A_898 = arith.constant 6 : i32
        %mul3A_899 = vector.broadcast %mul3A_898 : i32 to vector<16xi32>
        %mul3A_900 = arith.muli %iota3A, %mul3A_899 : vector<16xi32>
        %mul3A_901 = arith.constant 6 : i32
        %mul3A_902 = arith.muli %mul3A_157, %mul3A_901 : i32
        %add3A_903 = vector.broadcast %mul3A_902 : i32 to vector<16xi32>
        %add3A_904 = arith.addi %mul3A_900, %add3A_903 : vector<16xi32>
        %add3A_905 = arith.constant 4 : i32
        %add3A_906 = vector.broadcast %add3A_905 : i32 to vector<16xi32>
        %add3A_907 = arith.addi %add3A_904, %add3A_906 : vector<16xi32>
        %gather3A_908 = tpu.vector_load_idx %arg13[%add3A_907] : memref<3072xf32, #tpu.memory_space<vmem>>[vector<16xi32>], vector<16xf32>,
        %convert_element_type3A_909 = arith.fptosi %gather3A_908 : vector<16xf32> to vector<16xi32>
        %add3A_910 = arith.addi %add3A_164, %convert_element_type3A_909 : vector<16xi32>
        %gather3A_911 = tpu.vector_load_idx %arg9[%add3A_910] : memref<41472xf32, #tpu.memory_space<vmem>>[vector<16xi32>], vector<16xf32>,
        %broadcast_in_dim3A_912 = arith.constant 0.000000e+00 : f32
        %broadcast_in_dim3A_913 = vector.broadcast %broadcast_in_dim3A_912 : f32 to vector<16xf32>
        %mul3A_914 = arith.constant 4 : i32
        %mul3A_915 = vector.broadcast %mul3A_914 : i32 to vector<16xi32>
        %mul3A_916 = arith.muli %iota3A, %mul3A_915 : vector<16xi32>
        %mul3A_917 = arith.constant 4 : i32
        %mul3A_918 = arith.muli %mul3A_157, %mul3A_917 : i32
        %add3A_919 = vector.broadcast %mul3A_918 : i32 to vector<16xi32>
        %add3A_920 = arith.addi %mul3A_916, %add3A_919 : vector<16xi32>
        %add3A_921 = arith.constant 0 : i32
        %add3A_922 = vector.broadcast %add3A_921 : i32 to vector<16xi32>
        %add3A_923 = arith.addi %add3A_920, %add3A_922 : vector<16xi32>
        %gather3A_924 = tpu.vector_load_idx %arg11[%add3A_923] : memref<2048xf32, #tpu.memory_space<vmem>>[vector<16xi32>], vector<16xf32>,
        %add3A_925 = arith.constant 0 : i32
        %add3A_926 = vector.broadcast %add3A_925 : i32 to vector<16xi32>
        %add3A_927 = arith.addi %add3A_904, %add3A_926 : vector<16xi32>
        %gather3A_928 = tpu.vector_load_idx %arg13[%add3A_927] : memref<3072xf32, #tpu.memory_space<vmem>>[vector<16xi32>], vector<16xf32>,
        %sub3A = arith.subf %gather3A_924, %gather3A_928 : vector<16xf32>
        %abs3A = math.absf %sub3A : vector<16xf32>
        %lt3A_929 = arith.constant 1.000000e+00 : f32
        %lt3A_930 = vector.broadcast %lt3A_929 : f32 to vector<16xf32>
        %lt3A_931 = arith.cmpf olt, %abs3A, %lt3A_930 : vector<16xf32>
        %mul3A_932 = arith.constant 5.000000e-01 : f32
        %mul3A_933 = vector.broadcast %mul3A_932 : f32 to vector<16xf32>
        %mul3A_934 = arith.mulf %mul3A_933, %sub3A : vector<16xf32>
        %mul3A_935 = arith.mulf %mul3A_934, %sub3A : vector<16xf32>
        %sub3A_936 = arith.constant 5.000000e-01 : f32
        %sub3A_937 = vector.broadcast %sub3A_936 : f32 to vector<16xf32>
        %sub3A_938 = arith.subf %abs3A, %sub3A_937 : vector<16xf32>
        %select_n3A = arith.select %lt3A_931, %mul3A_935, %sub3A_938 : vector<16xi1>, vector<16xf32>
        %add3A_939 = arith.addf %broadcast_in_dim3A_913, %select_n3A : vector<16xf32>
        %add3A_940 = arith.constant 1 : i32
        %add3A_941 = vector.broadcast %add3A_940 : i32 to vector<16xi32>
        %add3A_942 = arith.addi %add3A_920, %add3A_941 : vector<16xi32>
        %gather3A_943 = tpu.vector_load_idx %arg11[%add3A_942] : memref<2048xf32, #tpu.memory_space<vmem>>[vector<16xi32>], vector<16xf32>,
        %add3A_944 = arith.constant 1 : i32
        %add3A_945 = vector.broadcast %add3A_944 : i32 to vector<16xi32>
        %add3A_946 = arith.addi %add3A_904, %add3A_945 : vector<16xi32>
        %gather3A_947 = tpu.vector_load_idx %arg13[%add3A_946] : memref<3072xf32, #tpu.memory_space<vmem>>[vector<16xi32>], vector<16xf32>,
        %sub3A_948 = arith.subf %gather3A_943, %gather3A_947 : vector<16xf32>
        %abs3A_949 = math.absf %sub3A_948 : vector<16xf32>
        %lt3A_950 = arith.constant 1.000000e+00 : f32
        %lt3A_951 = vector.broadcast %lt3A_950 : f32 to vector<16xf32>
        %lt3A_952 = arith.cmpf olt, %abs3A_949, %lt3A_951 : vector<16xf32>
        %mul3A_953 = arith.constant 5.000000e-01 : f32
        %mul3A_954 = vector.broadcast %mul3A_953 : f32 to vector<16xf32>
        %mul3A_955 = arith.mulf %mul3A_954, %sub3A_948 : vector<16xf32>
        %mul3A_956 = arith.mulf %mul3A_955, %sub3A_948 : vector<16xf32>
        %sub3A_957 = arith.constant 5.000000e-01 : f32
        %sub3A_958 = vector.broadcast %sub3A_957 : f32 to vector<16xf32>
        %sub3A_959 = arith.subf %abs3A_949, %sub3A_958 : vector<16xf32>
        %select_n3A_960 = arith.select %lt3A_952, %mul3A_956, %sub3A_959 : vector<16xi1>, vector<16xf32>
        %add3A_961 = arith.addf %add3A_939, %select_n3A_960 : vector<16xf32>
        %add3A_962 = arith.constant 2 : i32
        %add3A_963 = vector.broadcast %add3A_962 : i32 to vector<16xi32>
        %add3A_964 = arith.addi %add3A_920, %add3A_963 : vector<16xi32>
        %gather3A_965 = tpu.vector_load_idx %arg11[%add3A_964] : memref<2048xf32, #tpu.memory_space<vmem>>[vector<16xi32>], vector<16xf32>,
        %add3A_966 = arith.constant 2 : i32
        %add3A_967 = vector.broadcast %add3A_966 : i32 to vector<16xi32>
        %add3A_968 = arith.addi %add3A_904, %add3A_967 : vector<16xi32>
        %gather3A_969 = tpu.vector_load_idx %arg13[%add3A_968] : memref<3072xf32, #tpu.memory_space<vmem>>[vector<16xi32>], vector<16xf32>,
        %sub3A_970 = arith.subf %gather3A_965, %gather3A_969 : vector<16xf32>
        %abs3A_971 = math.absf %sub3A_970 : vector<16xf32>
        %lt3A_972 = arith.constant 1.000000e+00 : f32
        %lt3A_973 = vector.broadcast %lt3A_972 : f32 to vector<16xf32>
        %lt3A_974 = arith.cmpf olt, %abs3A_971, %lt3A_973 : vector<16xf32>
        %mul3A_975 = arith.constant 5.000000e-01 : f32
        %mul3A_976 = vector.broadcast %mul3A_975 : f32 to vector<16xf32>
        %mul3A_977 = arith.mulf %mul3A_976, %sub3A_970 : vector<16xf32>
        %mul3A_978 = arith.mulf %mul3A_977, %sub3A_970 : vector<16xf32>
        %sub3A_979 = arith.constant 5.000000e-01 : f32
        %sub3A_980 = vector.broadcast %sub3A_979 : f32 to vector<16xf32>
        %sub3A_981 = arith.subf %abs3A_971, %sub3A_980 : vector<16xf32>
        %select_n3A_982 = arith.select %lt3A_974, %mul3A_978, %sub3A_981 : vector<16xi1>, vector<16xf32>
        %add3A_983 = arith.addf %add3A_961, %select_n3A_982 : vector<16xf32>
        %add3A_984 = arith.constant 3 : i32
        %add3A_985 = vector.broadcast %add3A_984 : i32 to vector<16xi32>
        %add3A_986 = arith.addi %add3A_920, %add3A_985 : vector<16xi32>
        %gather3A_987 = tpu.vector_load_idx %arg11[%add3A_986] : memref<2048xf32, #tpu.memory_space<vmem>>[vector<16xi32>], vector<16xf32>,
        %add3A_988 = arith.constant 3 : i32
        %add3A_989 = vector.broadcast %add3A_988 : i32 to vector<16xi32>
        %add3A_990 = arith.addi %add3A_904, %add3A_989 : vector<16xi32>
        %gather3A_991 = tpu.vector_load_idx %arg13[%add3A_990] : memref<3072xf32, #tpu.memory_space<vmem>>[vector<16xi32>], vector<16xf32>,
        %sub3A_992 = arith.subf %gather3A_987, %gather3A_991 : vector<16xf32>
        %abs3A_993 = math.absf %sub3A_992 : vector<16xf32>
        %lt3A_994 = arith.constant 1.000000e+00 : f32
        %lt3A_995 = vector.broadcast %lt3A_994 : f32 to vector<16xf32>
        %lt3A_996 = arith.cmpf olt, %abs3A_993, %lt3A_995 : vector<16xf32>
        %mul3A_997 = arith.constant 5.000000e-01 : f32
        %mul3A_998 = vector.broadcast %mul3A_997 : f32 to vector<16xf32>
        %mul3A_999 = arith.mulf %mul3A_998, %sub3A_992 : vector<16xf32>
        %mul3A_1000 = arith.mulf %mul3A_999, %sub3A_992 : vector<16xf32>
        %sub3A_1001 = arith.constant 5.000000e-01 : f32
        %sub3A_1002 = vector.broadcast %sub3A_1001 : f32 to vector<16xf32>
        %sub3A_1003 = arith.subf %abs3A_993, %sub3A_1002 : vector<16xf32>
        %select_n3A_1004 = arith.select %lt3A_996, %mul3A_1000, %sub3A_1003 : vector<16xi1>, vector<16xf32>
        %add3A_1005 = arith.addf %add3A_983, %select_n3A_1004 : vector<16xf32>
        %gt3A_1006 = arith.constant 0 : i32
        %gt3A_1007 = vector.broadcast %gt3A_1006 : i32 to vector<16xi32>
        %gt3A_1008 = arith.cmpi sgt, %convert_element_type3A_909, %gt3A_1007 : vector<16xi32>
        %jit3A = arith.constant 0.000000e+00 : f32
        %broadcast_in_dim3A_1009 = vector.broadcast %jit3A : f32 to vector<16xf32>
        %select_n3A_1010 = arith.select %gt3A_1008, %add3A_1005, %broadcast_in_dim3A_1009 : vector<16xi1>, vector<16xf32>
        %swap3A = arith.index_cast %mul3A_157 : i32 to index
        %swap3A_1011 = tpu.vector_load %arg15[%swap3A] {strides = array<i32>} : memref<512xf32, #tpu.memory_space<vmem>>, vector<16xf32>,
        tpu.vector_store %arg15[%swap3A], %add3A_897 {strides = array<i32>} : memref<512xf32, #tpu.memory_space<vmem>>, vector<16xf32>,
        %neg3A = arith.constant 0.000000e+00 : f32
        %neg3A_1012 = vector.broadcast %neg3A : f32 to vector<16xf32>
        %neg3A_1013 = arith.subf %neg3A_1012, %gather3A_911 : vector<16xf32>
        %swap3A_1014 = arith.index_cast %mul3A_157 : i32 to index
        %swap3A_1015 = tpu.vector_load %arg16[%swap3A_1014] {strides = array<i32>} : memref<512xf32, #tpu.memory_space<vmem>>, vector<16xf32>,
        tpu.vector_store %arg16[%swap3A_1014], %neg3A_1013 {strides = array<i32>} : memref<512xf32, #tpu.memory_space<vmem>>, vector<16xf32>,
        %swap3A_1016 = arith.index_cast %mul3A_157 : i32 to index
        %swap3A_1017 = tpu.vector_load %arg17[%swap3A_1016] {strides = array<i32>} : memref<512xf32, #tpu.memory_space<vmem>>, vector<16xf32>,
        tpu.vector_store %arg17[%swap3A_1016], %gather3A_908 {strides = array<i32>} : memref<512xf32, #tpu.memory_space<vmem>>, vector<16xf32>,
        %swap3A_1018 = arith.index_cast %mul3A_157 : i32 to index
        %swap3A_1019 = tpu.vector_load %arg18[%swap3A_1018] {strides = array<i32>} : memref<512xf32, #tpu.memory_space<vmem>>, vector<16xf32>,
        tpu.vector_store %arg18[%swap3A_1018], %select_n3A_1010 {strides = array<i32>} : memref<512xf32, #tpu.memory_space<vmem>>, vector<16xf32>,
      }
      %scan3A_90 = arith.constant 32 : i32
      %mul3A_91 = arith.constant 12288 : i32
      %mul3A_92 = arith.muli %add3A, %mul3A_91 : i32
      %mul3A_93 = arith.constant 512 : i32
      %mul3A_94 = arith.muli %mul3A_46, %mul3A_93 : i32
      %add3A_95 = arith.addi %mul3A_92, %mul3A_94 : i32
      %dma_start3A_96 = tpu.memref_slice %arg5[%add3A_95] : memref<393216xf32, #tpu.memory_space<hbm>> -> memref<512xf32, #tpu.memory_space<hbm>>
      %dma_start3A_97 = tpu.memref_slice %arg5[%add3A_95] : memref<393216xf32, #tpu.memory_space<hbm>> -> memref<512xf32, #tpu.memory_space<hbm>>
      tpu.enqueue_dma source(%arg15 : memref<512xf32, #tpu.memory_space<vmem>>) target(%dma_start3A_97 : memref<512xf32, #tpu.memory_space<hbm>>) target_semaphore(%arg29 : memref<!tpu.dma_semaphore, #tpu.memory_space<semaphore_mem>>)
      %dma_start3A_98 = tpu.memref_slice %arg6[%add3A_95] : memref<393216xf32, #tpu.memory_space<hbm>> -> memref<512xf32, #tpu.memory_space<hbm>>
      %dma_start3A_99 = tpu.memref_slice %arg6[%add3A_95] : memref<393216xf32, #tpu.memory_space<hbm>> -> memref<512xf32, #tpu.memory_space<hbm>>
      tpu.enqueue_dma source(%arg16 : memref<512xf32, #tpu.memory_space<vmem>>) target(%dma_start3A_99 : memref<512xf32, #tpu.memory_space<hbm>>) target_semaphore(%arg29 : memref<!tpu.dma_semaphore, #tpu.memory_space<semaphore_mem>>)
      %dma_start3A_100 = tpu.memref_slice %arg7[%add3A_95] : memref<393216xf32, #tpu.memory_space<hbm>> -> memref<512xf32, #tpu.memory_space<hbm>>
      %dma_start3A_101 = tpu.memref_slice %arg7[%add3A_95] : memref<393216xf32, #tpu.memory_space<hbm>> -> memref<512xf32, #tpu.memory_space<hbm>>
      tpu.enqueue_dma source(%arg17 : memref<512xf32, #tpu.memory_space<vmem>>) target(%dma_start3A_101 : memref<512xf32, #tpu.memory_space<hbm>>) target_semaphore(%arg29 : memref<!tpu.dma_semaphore, #tpu.memory_space<semaphore_mem>>)
      %dma_start3A_102 = tpu.memref_slice %arg8[%add3A_95] : memref<393216xf32, #tpu.memory_space<hbm>> -> memref<512xf32, #tpu.memory_space<hbm>>
      %dma_start3A_103 = tpu.memref_slice %arg8[%add3A_95] : memref<393216xf32, #tpu.memory_space<hbm>> -> memref<512xf32, #tpu.memory_space<hbm>>
      tpu.enqueue_dma source(%arg18 : memref<512xf32, #tpu.memory_space<vmem>>) target(%dma_start3A_103 : memref<512xf32, #tpu.memory_space<hbm>>) target_semaphore(%arg29 : memref<!tpu.dma_semaphore, #tpu.memory_space<semaphore_mem>>)
      %lt3A = arith.constant 11 : i32
      %lt3A_104 = arith.cmpi slt, %scan3A_44, %lt3A : i32
      %convert_element_type3A_105 = arith.extui %lt3A_104 : i1 to i32
      %cond3A_106 = arith.constant 0 : i32
      %cond3A_107 = arith.cmpi ne, %convert_element_type3A_105, %cond3A_106 : i32
      scf.if %cond3A_107 {
        %add3A_155 = arith.constant 2 : i32
        %add3A_156 = arith.addi %mul3A_46, %add3A_155 : i32
        %mul3A_157 = arith.constant 12288 : i32
        %mul3A_158 = arith.muli %add3A, %mul3A_157 : i32
        %mul3A_159 = arith.constant 512 : i32
        %mul3A_160 = arith.muli %add3A_156, %mul3A_159 : i32
        %add3A_161 = arith.addi %mul3A_158, %mul3A_160 : i32
        %mul3A_162 = arith.constant 81 : i32
        %mul3A_163 = arith.muli %add3A_161, %mul3A_162 : i32
        %mul3A_164 = arith.constant 4 : i32
        %mul3A_165 = arith.muli %add3A_161, %mul3A_164 : i32
        %mul3A_166 = arith.constant 6 : i32
        %mul3A_167 = arith.muli %add3A_161, %mul3A_166 : i32
        %dma_start3A_168 = tpu.memref_slice %arg2[%mul3A_163] : memref<31850496xf32, #tpu.memory_space<hbm>> -> memref<41472xf32, #tpu.memory_space<hbm>>
        %dma_start3A_169 = tpu.memref_slice %arg2[%mul3A_163] : memref<31850496xf32, #tpu.memory_space<hbm>> -> memref<41472xf32, #tpu.memory_space<hbm>>
        tpu.enqueue_dma source(%dma_start3A_169 : memref<41472xf32, #tpu.memory_space<hbm>>) target(%arg9 : memref<41472xf32, #tpu.memory_space<vmem>>) target_semaphore(%arg23 : memref<!tpu.dma_semaphore, #tpu.memory_space<semaphore_mem>>)
        %dma_start3A_170 = tpu.memref_slice %arg3[%mul3A_165] : memref<1572864xf32, #tpu.memory_space<hbm>> -> memref<2048xf32, #tpu.memory_space<hbm>>
        %dma_start3A_171 = tpu.memref_slice %arg3[%mul3A_165] : memref<1572864xf32, #tpu.memory_space<hbm>> -> memref<2048xf32, #tpu.memory_space<hbm>>
        tpu.enqueue_dma source(%dma_start3A_171 : memref<2048xf32, #tpu.memory_space<hbm>>) target(%arg11 : memref<2048xf32, #tpu.memory_space<vmem>>) target_semaphore(%arg25 : memref<!tpu.dma_semaphore, #tpu.memory_space<semaphore_mem>>)
        %dma_start3A_172 = tpu.memref_slice %arg4[%mul3A_167] : memref<2359296xf32, #tpu.memory_space<hbm>> -> memref<3072xf32, #tpu.memory_space<hbm>>
        %dma_start3A_173 = tpu.memref_slice %arg4[%mul3A_167] : memref<2359296xf32, #tpu.memory_space<hbm>> -> memref<3072xf32, #tpu.memory_space<hbm>>
        tpu.enqueue_dma source(%dma_start3A_173 : memref<3072xf32, #tpu.memory_space<hbm>>) target(%arg13 : memref<3072xf32, #tpu.memory_space<vmem>>) target_semaphore(%arg27 : memref<!tpu.dma_semaphore, #tpu.memory_space<semaphore_mem>>)
      } else {
      }
      %add3A_108 = arith.constant 1 : i32
      %add3A_109 = arith.addi %mul3A_46, %add3A_108 : i32
      %mul3A_110 = arith.constant 12288 : i32
      %mul3A_111 = arith.muli %add3A, %mul3A_110 : i32
      %mul3A_112 = arith.constant 512 : i32
      %mul3A_113 = arith.muli %add3A_109, %mul3A_112 : i32
      %add3A_114 = arith.addi %mul3A_111, %mul3A_113 : i32
      %mul3A_115 = arith.constant 81 : i32
      %mul3A_116 = arith.muli %add3A_114, %mul3A_115 : i32
      %mul3A_117 = arith.constant 4 : i32
      %mul3A_118 = arith.muli %add3A_114, %mul3A_117 : i32
      %mul3A_119 = arith.constant 6 : i32
      %mul3A_120 = arith.muli %add3A_114, %mul3A_119 : i32
      %dma_wait3A_121 = tpu.memref_slice %arg2[%mul3A_116] : memref<31850496xf32, #tpu.memory_space<hbm>> -> memref<41472xf32, #tpu.memory_space<hbm>>
      %dma_wait3A_122 = tpu.memref_slice %arg2[%mul3A_116] : memref<31850496xf32, #tpu.memory_space<hbm>> -> memref<41472xf32, #tpu.memory_space<hbm>>
      tpu.wait_dma2 semaphore(%arg24 : memref<!tpu.dma_semaphore, #tpu.memory_space<semaphore_mem>>) src(%dma_wait3A_122 : memref<41472xf32, #tpu.memory_space<hbm>>) dst(%arg10 : memref<41472xf32, #tpu.memory_space<vmem>>)
      %dma_wait3A_123 = tpu.memref_slice %arg3[%mul3A_118] : memref<1572864xf32, #tpu.memory_space<hbm>> -> memref<2048xf32, #tpu.memory_space<hbm>>
      %dma_wait3A_124 = tpu.memref_slice %arg3[%mul3A_118] : memref<1572864xf32, #tpu.memory_space<hbm>> -> memref<2048xf32, #tpu.memory_space<hbm>>
      tpu.wait_dma2 semaphore(%arg26 : memref<!tpu.dma_semaphore, #tpu.memory_space<semaphore_mem>>) src(%dma_wait3A_124 : memref<2048xf32, #tpu.memory_space<hbm>>) dst(%arg12 : memref<2048xf32, #tpu.memory_space<vmem>>)
      %dma_wait3A_125 = tpu.memref_slice %arg4[%mul3A_120] : memref<2359296xf32, #tpu.memory_space<hbm>> -> memref<3072xf32, #tpu.memory_space<hbm>>
      %dma_wait3A_126 = tpu.memref_slice %arg4[%mul3A_120] : memref<2359296xf32, #tpu.memory_space<hbm>> -> memref<3072xf32, #tpu.memory_space<hbm>>
      tpu.wait_dma2 semaphore(%arg28 : memref<!tpu.dma_semaphore, #tpu.memory_space<semaphore_mem>>) src(%dma_wait3A_126 : memref<3072xf32, #tpu.memory_space<hbm>>) dst(%arg14 : memref<3072xf32, #tpu.memory_space<vmem>>)
      %gt3A_127 = arith.constant 0 : i32
      %gt3A_128 = arith.cmpi sgt, %scan3A_44, %gt3A_127 : i32
      %convert_element_type3A_129 = arith.extui %gt3A_128 : i1 to i32
      %cond3A_130 = arith.constant 0 : i32
      %cond3A_131 = arith.cmpi ne, %convert_element_type3A_129, %cond3A_130 : i32
      scf.if %cond3A_131 {
        %sub3A = arith.constant 1 : i32
        %sub3A_155 = arith.subi %mul3A_46, %sub3A : i32
        %mul3A_156 = arith.constant 12288 : i32
        %mul3A_157 = arith.muli %add3A, %mul3A_156 : i32
        %mul3A_158 = arith.constant 512 : i32
        %mul3A_159 = arith.muli %sub3A_155, %mul3A_158 : i32
        %add3A_160 = arith.addi %mul3A_157, %mul3A_159 : i32
        %dma_wait3A_161 = tpu.memref_slice %arg5[%add3A_160] : memref<393216xf32, #tpu.memory_space<hbm>> -> memref<512xf32, #tpu.memory_space<hbm>>
        %dma_wait3A_162 = tpu.memref_slice %arg5[%add3A_160] : memref<393216xf32, #tpu.memory_space<hbm>> -> memref<512xf32, #tpu.memory_space<hbm>>
        tpu.wait_dma2 semaphore(%arg30 : memref<!tpu.dma_semaphore, #tpu.memory_space<semaphore_mem>>) src(%arg19 : memref<512xf32, #tpu.memory_space<vmem>>) dst(%dma_wait3A_162 : memref<512xf32, #tpu.memory_space<hbm>>)
        %dma_wait3A_163 = tpu.memref_slice %arg6[%add3A_160] : memref<393216xf32, #tpu.memory_space<hbm>> -> memref<512xf32, #tpu.memory_space<hbm>>
        %dma_wait3A_164 = tpu.memref_slice %arg6[%add3A_160] : memref<393216xf32, #tpu.memory_space<hbm>> -> memref<512xf32, #tpu.memory_space<hbm>>
        tpu.wait_dma2 semaphore(%arg30 : memref<!tpu.dma_semaphore, #tpu.memory_space<semaphore_mem>>) src(%arg20 : memref<512xf32, #tpu.memory_space<vmem>>) dst(%dma_wait3A_164 : memref<512xf32, #tpu.memory_space<hbm>>)
        %dma_wait3A_165 = tpu.memref_slice %arg7[%add3A_160] : memref<393216xf32, #tpu.memory_space<hbm>> -> memref<512xf32, #tpu.memory_space<hbm>>
        %dma_wait3A_166 = tpu.memref_slice %arg7[%add3A_160] : memref<393216xf32, #tpu.memory_space<hbm>> -> memref<512xf32, #tpu.memory_space<hbm>>
        tpu.wait_dma2 semaphore(%arg30 : memref<!tpu.dma_semaphore, #tpu.memory_space<semaphore_mem>>) src(%arg21 : memref<512xf32, #tpu.memory_space<vmem>>) dst(%dma_wait3A_166 : memref<512xf32, #tpu.memory_space<hbm>>)
        %dma_wait3A_167 = tpu.memref_slice %arg8[%add3A_160] : memref<393216xf32, #tpu.memory_space<hbm>> -> memref<512xf32, #tpu.memory_space<hbm>>
        %dma_wait3A_168 = tpu.memref_slice %arg8[%add3A_160] : memref<393216xf32, #tpu.memory_space<hbm>> -> memref<512xf32, #tpu.memory_space<hbm>>
        tpu.wait_dma2 semaphore(%arg30 : memref<!tpu.dma_semaphore, #tpu.memory_space<semaphore_mem>>) src(%arg22 : memref<512xf32, #tpu.memory_space<vmem>>) dst(%dma_wait3A_168 : memref<512xf32, #tpu.memory_space<hbm>>)
      } else {
      }
      %add3A_132 = arith.constant 1 : i32
      %add3A_133 = arith.addi %mul3A_46, %add3A_132 : i32
      %scan3A_134 = arith.constant 0 : i32
      %scan3A_135 = arith.constant 0 : i32
      %scan3A_136 = arith.constant 32 : i32
      %scan3A_137 = arith.addi %scan3A_135, %scan3A_136 : i32
      %scan3A_138 = arith.constant 1 : i32
      scf.for %scan3A_155 = %scan3A_135 to %scan3A_137 step %scan3A_138  : i32 {
        %mul3A_156 = arith.constant 16 : i32
        %mul3A_157 = arith.muli %scan3A_155, %mul3A_156 : i32
        %mul3A_158 = arith.constant 81 : i32
        %mul3A_159 = vector.broadcast %mul3A_158 : i32 to vector<16xi32>
        %mul3A_160 = arith.muli %iota3A, %mul3A_159 : vector<16xi32>
        %mul3A_161 = arith.constant 81 : i32
        %mul3A_162 = arith.muli %mul3A_157, %mul3A_161 : i32
        %add3A_163 = vector.broadcast %mul3A_162 : i32 to vector<16xi32>
        %add3A_164 = arith.addi %mul3A_160, %add3A_163 : vector<16xi32>
        %broadcast_in_dim3A = arith.constant 0.000000e+00 : f32
        %broadcast_in_dim3A_165 = vector.broadcast %broadcast_in_dim3A : f32 to vector<16xf32>
        %broadcast_in_dim3A_166 = arith.constant 0.000000e+00 : f32
        %broadcast_in_dim3A_167 = vector.broadcast %broadcast_in_dim3A_166 : f32 to vector<16xf32>
        %broadcast_in_dim3A_168 = arith.constant 0.000000e+00 : f32
        %broadcast_in_dim3A_169 = vector.broadcast %broadcast_in_dim3A_168 : f32 to vector<16xf32>
        %add3A_170 = arith.constant 0 : i32
        %add3A_171 = vector.broadcast %add3A_170 : i32 to vector<16xi32>
        %add3A_172 = arith.addi %add3A_164, %add3A_171 : vector<16xi32>
        %gather3A = tpu.vector_load_idx %arg10[%add3A_172] : memref<41472xf32, #tpu.memory_space<vmem>>[vector<16xi32>], vector<16xf32>,
        %min3A = arith.constant 8.000000e+01 : f32
        %min3A_173 = vector.broadcast %min3A : f32 to vector<16xf32>
        %min3A_174 = arith.minimumf %gather3A, %min3A_173 : vector<16xf32>
        %exp3A = math.exp %min3A_174 : vector<16xf32>
        %add3A_175 = arith.addf %broadcast_in_dim3A_165, %exp3A : vector<16xf32>
        %add3A_176 = arith.constant 1 : i32
        %add3A_177 = vector.broadcast %add3A_176 : i32 to vector<16xi32>
        %add3A_178 = arith.addi %add3A_164, %add3A_177 : vector<16xi32>
        %gather3A_179 = tpu.vector_load_idx %arg10[%add3A_178] : memref<41472xf32, #tpu.memory_space<vmem>>[vector<16xi32>], vector<16xf32>,
        %min3A_180 = arith.constant 8.000000e+01 : f32
        %min3A_181 = vector.broadcast %min3A_180 : f32 to vector<16xf32>
        %min3A_182 = arith.minimumf %gather3A_179, %min3A_181 : vector<16xf32>
        %exp3A_183 = math.exp %min3A_182 : vector<16xf32>
        %add3A_184 = arith.addf %broadcast_in_dim3A_167, %exp3A_183 : vector<16xf32>
        %add3A_185 = arith.constant 2 : i32
        %add3A_186 = vector.broadcast %add3A_185 : i32 to vector<16xi32>
        %add3A_187 = arith.addi %add3A_164, %add3A_186 : vector<16xi32>
        %gather3A_188 = tpu.vector_load_idx %arg10[%add3A_187] : memref<41472xf32, #tpu.memory_space<vmem>>[vector<16xi32>], vector<16xf32>,
        %min3A_189 = arith.constant 8.000000e+01 : f32
        %min3A_190 = vector.broadcast %min3A_189 : f32 to vector<16xf32>
        %min3A_191 = arith.minimumf %gather3A_188, %min3A_190 : vector<16xf32>
        %exp3A_192 = math.exp %min3A_191 : vector<16xf32>
        %add3A_193 = arith.addf %broadcast_in_dim3A_169, %exp3A_192 : vector<16xf32>
        %add3A_194 = arith.constant 3 : i32
        %add3A_195 = vector.broadcast %add3A_194 : i32 to vector<16xi32>
        %add3A_196 = arith.addi %add3A_164, %add3A_195 : vector<16xi32>
        %gather3A_197 = tpu.vector_load_idx %arg10[%add3A_196] : memref<41472xf32, #tpu.memory_space<vmem>>[vector<16xi32>], vector<16xf32>,
        %min3A_198 = arith.constant 8.000000e+01 : f32
        %min3A_199 = vector.broadcast %min3A_198 : f32 to vector<16xf32>
        %min3A_200 = arith.minimumf %gather3A_197, %min3A_199 : vector<16xf32>
        %exp3A_201 = math.exp %min3A_200 : vector<16xf32>
        %add3A_202 = arith.addf %add3A_175, %exp3A_201 : vector<16xf32>
        %add3A_203 = arith.constant 4 : i32
        %add3A_204 = vector.broadcast %add3A_203 : i32 to vector<16xi32>
        %add3A_205 = arith.addi %add3A_164, %add3A_204 : vector<16xi32>
        %gather3A_206 = tpu.vector_load_idx %arg10[%add3A_205] : memref<41472xf32, #tpu.memory_space<vmem>>[vector<16xi32>], vector<16xf32>,
        %min3A_207 = arith.constant 8.000000e+01 : f32
        %min3A_208 = vector.broadcast %min3A_207 : f32 to vector<16xf32>
        %min3A_209 = arith.minimumf %gather3A_206, %min3A_208 : vector<16xf32>
        %exp3A_210 = math.exp %min3A_209 : vector<16xf32>
        %add3A_211 = arith.addf %add3A_184, %exp3A_210 : vector<16xf32>
        %add3A_212 = arith.constant 5 : i32
        %add3A_213 = vector.broadcast %add3A_212 : i32 to vector<16xi32>
        %add3A_214 = arith.addi %add3A_164, %add3A_213 : vector<16xi32>
        %gather3A_215 = tpu.vector_load_idx %arg10[%add3A_214] : memref<41472xf32, #tpu.memory_space<vmem>>[vector<16xi32>], vector<16xf32>,
        %min3A_216 = arith.constant 8.000000e+01 : f32
        %min3A_217 = vector.broadcast %min3A_216 : f32 to vector<16xf32>
        %min3A_218 = arith.minimumf %gather3A_215, %min3A_217 : vector<16xf32>
        %exp3A_219 = math.exp %min3A_218 : vector<16xf32>
        %add3A_220 = arith.addf %add3A_193, %exp3A_219 : vector<16xf32>
        %add3A_221 = arith.constant 6 : i32
        %add3A_222 = vector.broadcast %add3A_221 : i32 to vector<16xi32>
        %add3A_223 = arith.addi %add3A_164, %add3A_222 : vector<16xi32>
        %gather3A_224 = tpu.vector_load_idx %arg10[%add3A_223] : memref<41472xf32, #tpu.memory_space<vmem>>[vector<16xi32>], vector<16xf32>,
        %min3A_225 = arith.constant 8.000000e+01 : f32
        %min3A_226 = vector.broadcast %min3A_225 : f32 to vector<16xf32>
        %min3A_227 = arith.minimumf %gather3A_224, %min3A_226 : vector<16xf32>
        %exp3A_228 = math.exp %min3A_227 : vector<16xf32>
        %add3A_229 = arith.addf %add3A_202, %exp3A_228 : vector<16xf32>
        %add3A_230 = arith.constant 7 : i32
        %add3A_231 = vector.broadcast %add3A_230 : i32 to vector<16xi32>
        %add3A_232 = arith.addi %add3A_164, %add3A_231 : vector<16xi32>
        %gather3A_233 = tpu.vector_load_idx %arg10[%add3A_232] : memref<41472xf32, #tpu.memory_space<vmem>>[vector<16xi32>], vector<16xf32>,
        %min3A_234 = arith.constant 8.000000e+01 : f32
        %min3A_235 = vector.broadcast %min3A_234 : f32 to vector<16xf32>
        %min3A_236 = arith.minimumf %gather3A_233, %min3A_235 : vector<16xf32>
        %exp3A_237 = math.exp %min3A_236 : vector<16xf32>
        %add3A_238 = arith.addf %add3A_211, %exp3A_237 : vector<16xf32>
        %add3A_239 = arith.constant 8 : i32
        %add3A_240 = vector.broadcast %add3A_239 : i32 to vector<16xi32>
        %add3A_241 = arith.addi %add3A_164, %add3A_240 : vector<16xi32>
        %gather3A_242 = tpu.vector_load_idx %arg10[%add3A_241] : memref<41472xf32, #tpu.memory_space<vmem>>[vector<16xi32>], vector<16xf32>,
        %min3A_243 = arith.constant 8.000000e+01 : f32
        %min3A_244 = vector.broadcast %min3A_243 : f32 to vector<16xf32>
        %min3A_245 = arith.minimumf %gather3A_242, %min3A_244 : vector<16xf32>
        %exp3A_246 = math.exp %min3A_245 : vector<16xf32>
        %add3A_247 = arith.addf %add3A_220, %exp3A_246 : vector<16xf32>
        %add3A_248 = arith.constant 9 : i32
        %add3A_249 = vector.broadcast %add3A_248 : i32 to vector<16xi32>
        %add3A_250 = arith.addi %add3A_164, %add3A_249 : vector<16xi32>
        %gather3A_251 = tpu.vector_load_idx %arg10[%add3A_250] : memref<41472xf32, #tpu.memory_space<vmem>>[vector<16xi32>], vector<16xf32>,
        %min3A_252 = arith.constant 8.000000e+01 : f32
        %min3A_253 = vector.broadcast %min3A_252 : f32 to vector<16xf32>
        %min3A_254 = arith.minimumf %gather3A_251, %min3A_253 : vector<16xf32>
        %exp3A_255 = math.exp %min3A_254 : vector<16xf32>
        %add3A_256 = arith.addf %add3A_229, %exp3A_255 : vector<16xf32>
        %add3A_257 = arith.constant 10 : i32
        %add3A_258 = vector.broadcast %add3A_257 : i32 to vector<16xi32>
        %add3A_259 = arith.addi %add3A_164, %add3A_258 : vector<16xi32>
        %gather3A_260 = tpu.vector_load_idx %arg10[%add3A_259] : memref<41472xf32, #tpu.memory_space<vmem>>[vector<16xi32>], vector<16xf32>,
        %min3A_261 = arith.constant 8.000000e+01 : f32
        %min3A_262 = vector.broadcast %min3A_261 : f32 to vector<16xf32>
        %min3A_263 = arith.minimumf %gather3A_260, %min3A_262 : vector<16xf32>
        %exp3A_264 = math.exp %min3A_263 : vector<16xf32>
        %add3A_265 = arith.addf %add3A_238, %exp3A_264 : vector<16xf32>
        %add3A_266 = arith.constant 11 : i32
        %add3A_267 = vector.broadcast %add3A_266 : i32 to vector<16xi32>
        %add3A_268 = arith.addi %add3A_164, %add3A_267 : vector<16xi32>
        %gather3A_269 = tpu.vector_load_idx %arg10[%add3A_268] : memref<41472xf32, #tpu.memory_space<vmem>>[vector<16xi32>], vector<16xf32>,
        %min3A_270 = arith.constant 8.000000e+01 : f32
        %min3A_271 = vector.broadcast %min3A_270 : f32 to vector<16xf32>
        %min3A_272 = arith.minimumf %gather3A_269, %min3A_271 : vector<16xf32>
        %exp3A_273 = math.exp %min3A_272 : vector<16xf32>
        %add3A_274 = arith.addf %add3A_247, %exp3A_273 : vector<16xf32>
        %add3A_275 = arith.constant 12 : i32
        %add3A_276 = vector.broadcast %add3A_275 : i32 to vector<16xi32>
        %add3A_277 = arith.addi %add3A_164, %add3A_276 : vector<16xi32>
        %gather3A_278 = tpu.vector_load_idx %arg10[%add3A_277] : memref<41472xf32, #tpu.memory_space<vmem>>[vector<16xi32>], vector<16xf32>,
        %min3A_279 = arith.constant 8.000000e+01 : f32
        %min3A_280 = vector.broadcast %min3A_279 : f32 to vector<16xf32>
        %min3A_281 = arith.minimumf %gather3A_278, %min3A_280 : vector<16xf32>
        %exp3A_282 = math.exp %min3A_281 : vector<16xf32>
        %add3A_283 = arith.addf %add3A_256, %exp3A_282 : vector<16xf32>
        %add3A_284 = arith.constant 13 : i32
        %add3A_285 = vector.broadcast %add3A_284 : i32 to vector<16xi32>
        %add3A_286 = arith.addi %add3A_164, %add3A_285 : vector<16xi32>
        %gather3A_287 = tpu.vector_load_idx %arg10[%add3A_286] : memref<41472xf32, #tpu.memory_space<vmem>>[vector<16xi32>], vector<16xf32>,
        %min3A_288 = arith.constant 8.000000e+01 : f32
        %min3A_289 = vector.broadcast %min3A_288 : f32 to vector<16xf32>
        %min3A_290 = arith.minimumf %gather3A_287, %min3A_289 : vector<16xf32>
        %exp3A_291 = math.exp %min3A_290 : vector<16xf32>
        %add3A_292 = arith.addf %add3A_265, %exp3A_291 : vector<16xf32>
        %add3A_293 = arith.constant 14 : i32
        %add3A_294 = vector.broadcast %add3A_293 : i32 to vector<16xi32>
        %add3A_295 = arith.addi %add3A_164, %add3A_294 : vector<16xi32>
        %gather3A_296 = tpu.vector_load_idx %arg10[%add3A_295] : memref<41472xf32, #tpu.memory_space<vmem>>[vector<16xi32>], vector<16xf32>,
        %min3A_297 = arith.constant 8.000000e+01 : f32
        %min3A_298 = vector.broadcast %min3A_297 : f32 to vector<16xf32>
        %min3A_299 = arith.minimumf %gather3A_296, %min3A_298 : vector<16xf32>
        %exp3A_300 = math.exp %min3A_299 : vector<16xf32>
        %add3A_301 = arith.addf %add3A_274, %exp3A_300 : vector<16xf32>
        %add3A_302 = arith.constant 15 : i32
        %add3A_303 = vector.broadcast %add3A_302 : i32 to vector<16xi32>
        %add3A_304 = arith.addi %add3A_164, %add3A_303 : vector<16xi32>
        %gather3A_305 = tpu.vector_load_idx %arg10[%add3A_304] : memref<41472xf32, #tpu.memory_space<vmem>>[vector<16xi32>], vector<16xf32>,
        %min3A_306 = arith.constant 8.000000e+01 : f32
        %min3A_307 = vector.broadcast %min3A_306 : f32 to vector<16xf32>
        %min3A_308 = arith.minimumf %gather3A_305, %min3A_307 : vector<16xf32>
        %exp3A_309 = math.exp %min3A_308 : vector<16xf32>
        %add3A_310 = arith.addf %add3A_283, %exp3A_309 : vector<16xf32>
        %add3A_311 = arith.constant 16 : i32
        %add3A_312 = vector.broadcast %add3A_311 : i32 to vector<16xi32>
        %add3A_313 = arith.addi %add3A_164, %add3A_312 : vector<16xi32>
        %gather3A_314 = tpu.vector_load_idx %arg10[%add3A_313] : memref<41472xf32, #tpu.memory_space<vmem>>[vector<16xi32>], vector<16xf32>,
        %min3A_315 = arith.constant 8.000000e+01 : f32
        %min3A_316 = vector.broadcast %min3A_315 : f32 to vector<16xf32>
        %min3A_317 = arith.minimumf %gather3A_314, %min3A_316 : vector<16xf32>
        %exp3A_318 = math.exp %min3A_317 : vector<16xf32>
        %add3A_319 = arith.addf %add3A_292, %exp3A_318 : vector<16xf32>
        %add3A_320 = arith.constant 17 : i32
        %add3A_321 = vector.broadcast %add3A_320 : i32 to vector<16xi32>
        %add3A_322 = arith.addi %add3A_164, %add3A_321 : vector<16xi32>
        %gather3A_323 = tpu.vector_load_idx %arg10[%add3A_322] : memref<41472xf32, #tpu.memory_space<vmem>>[vector<16xi32>], vector<16xf32>,
        %min3A_324 = arith.constant 8.000000e+01 : f32
        %min3A_325 = vector.broadcast %min3A_324 : f32 to vector<16xf32>
        %min3A_326 = arith.minimumf %gather3A_323, %min3A_325 : vector<16xf32>
        %exp3A_327 = math.exp %min3A_326 : vector<16xf32>
        %add3A_328 = arith.addf %add3A_301, %exp3A_327 : vector<16xf32>
        %add3A_329 = arith.constant 18 : i32
        %add3A_330 = vector.broadcast %add3A_329 : i32 to vector<16xi32>
        %add3A_331 = arith.addi %add3A_164, %add3A_330 : vector<16xi32>
        %gather3A_332 = tpu.vector_load_idx %arg10[%add3A_331] : memref<41472xf32, #tpu.memory_space<vmem>>[vector<16xi32>], vector<16xf32>,
        %min3A_333 = arith.constant 8.000000e+01 : f32
        %min3A_334 = vector.broadcast %min3A_333 : f32 to vector<16xf32>
        %min3A_335 = arith.minimumf %gather3A_332, %min3A_334 : vector<16xf32>
        %exp3A_336 = math.exp %min3A_335 : vector<16xf32>
        %add3A_337 = arith.addf %add3A_310, %exp3A_336 : vector<16xf32>
        %add3A_338 = arith.constant 19 : i32
        %add3A_339 = vector.broadcast %add3A_338 : i32 to vector<16xi32>
        %add3A_340 = arith.addi %add3A_164, %add3A_339 : vector<16xi32>
        %gather3A_341 = tpu.vector_load_idx %arg10[%add3A_340] : memref<41472xf32, #tpu.memory_space<vmem>>[vector<16xi32>], vector<16xf32>,
        %min3A_342 = arith.constant 8.000000e+01 : f32
        %min3A_343 = vector.broadcast %min3A_342 : f32 to vector<16xf32>
        %min3A_344 = arith.minimumf %gather3A_341, %min3A_343 : vector<16xf32>
        %exp3A_345 = math.exp %min3A_344 : vector<16xf32>
        %add3A_346 = arith.addf %add3A_319, %exp3A_345 : vector<16xf32>
        %add3A_347 = arith.constant 20 : i32
        %add3A_348 = vector.broadcast %add3A_347 : i32 to vector<16xi32>
        %add3A_349 = arith.addi %add3A_164, %add3A_348 : vector<16xi32>
        %gather3A_350 = tpu.vector_load_idx %arg10[%add3A_349] : memref<41472xf32, #tpu.memory_space<vmem>>[vector<16xi32>], vector<16xf32>,
        %min3A_351 = arith.constant 8.000000e+01 : f32
        %min3A_352 = vector.broadcast %min3A_351 : f32 to vector<16xf32>
        %min3A_353 = arith.minimumf %gather3A_350, %min3A_352 : vector<16xf32>
        %exp3A_354 = math.exp %min3A_353 : vector<16xf32>
        %add3A_355 = arith.addf %add3A_328, %exp3A_354 : vector<16xf32>
        %add3A_356 = arith.constant 21 : i32
        %add3A_357 = vector.broadcast %add3A_356 : i32 to vector<16xi32>
        %add3A_358 = arith.addi %add3A_164, %add3A_357 : vector<16xi32>
        %gather3A_359 = tpu.vector_load_idx %arg10[%add3A_358] : memref<41472xf32, #tpu.memory_space<vmem>>[vector<16xi32>], vector<16xf32>,
        %min3A_360 = arith.constant 8.000000e+01 : f32
        %min3A_361 = vector.broadcast %min3A_360 : f32 to vector<16xf32>
        %min3A_362 = arith.minimumf %gather3A_359, %min3A_361 : vector<16xf32>
        %exp3A_363 = math.exp %min3A_362 : vector<16xf32>
        %add3A_364 = arith.addf %add3A_337, %exp3A_363 : vector<16xf32>
        %add3A_365 = arith.constant 22 : i32
        %add3A_366 = vector.broadcast %add3A_365 : i32 to vector<16xi32>
        %add3A_367 = arith.addi %add3A_164, %add3A_366 : vector<16xi32>
        %gather3A_368 = tpu.vector_load_idx %arg10[%add3A_367] : memref<41472xf32, #tpu.memory_space<vmem>>[vector<16xi32>], vector<16xf32>,
        %min3A_369 = arith.constant 8.000000e+01 : f32
        %min3A_370 = vector.broadcast %min3A_369 : f32 to vector<16xf32>
        %min3A_371 = arith.minimumf %gather3A_368, %min3A_370 : vector<16xf32>
        %exp3A_372 = math.exp %min3A_371 : vector<16xf32>
        %add3A_373 = arith.addf %add3A_346, %exp3A_372 : vector<16xf32>
        %add3A_374 = arith.constant 23 : i32
        %add3A_375 = vector.broadcast %add3A_374 : i32 to vector<16xi32>
        %add3A_376 = arith.addi %add3A_164, %add3A_375 : vector<16xi32>
        %gather3A_377 = tpu.vector_load_idx %arg10[%add3A_376] : memref<41472xf32, #tpu.memory_space<vmem>>[vector<16xi32>], vector<16xf32>,
        %min3A_378 = arith.constant 8.000000e+01 : f32
        %min3A_379 = vector.broadcast %min3A_378 : f32 to vector<16xf32>
        %min3A_380 = arith.minimumf %gather3A_377, %min3A_379 : vector<16xf32>
        %exp3A_381 = math.exp %min3A_380 : vector<16xf32>
        %add3A_382 = arith.addf %add3A_355, %exp3A_381 : vector<16xf32>
        %add3A_383 = arith.constant 24 : i32
        %add3A_384 = vector.broadcast %add3A_383 : i32 to vector<16xi32>
        %add3A_385 = arith.addi %add3A_164, %add3A_384 : vector<16xi32>
        %gather3A_386 = tpu.vector_load_idx %arg10[%add3A_385] : memref<41472xf32, #tpu.memory_space<vmem>>[vector<16xi32>], vector<16xf32>,
        %min3A_387 = arith.constant 8.000000e+01 : f32
        %min3A_388 = vector.broadcast %min3A_387 : f32 to vector<16xf32>
        %min3A_389 = arith.minimumf %gather3A_386, %min3A_388 : vector<16xf32>
        %exp3A_390 = math.exp %min3A_389 : vector<16xf32>
        %add3A_391 = arith.addf %add3A_364, %exp3A_390 : vector<16xf32>
        %add3A_392 = arith.constant 25 : i32
        %add3A_393 = vector.broadcast %add3A_392 : i32 to vector<16xi32>
        %add3A_394 = arith.addi %add3A_164, %add3A_393 : vector<16xi32>
        %gather3A_395 = tpu.vector_load_idx %arg10[%add3A_394] : memref<41472xf32, #tpu.memory_space<vmem>>[vector<16xi32>], vector<16xf32>,
        %min3A_396 = arith.constant 8.000000e+01 : f32
        %min3A_397 = vector.broadcast %min3A_396 : f32 to vector<16xf32>
        %min3A_398 = arith.minimumf %gather3A_395, %min3A_397 : vector<16xf32>
        %exp3A_399 = math.exp %min3A_398 : vector<16xf32>
        %add3A_400 = arith.addf %add3A_373, %exp3A_399 : vector<16xf32>
        %add3A_401 = arith.constant 26 : i32
        %add3A_402 = vector.broadcast %add3A_401 : i32 to vector<16xi32>
        %add3A_403 = arith.addi %add3A_164, %add3A_402 : vector<16xi32>
        %gather3A_404 = tpu.vector_load_idx %arg10[%add3A_403] : memref<41472xf32, #tpu.memory_space<vmem>>[vector<16xi32>], vector<16xf32>,
        %min3A_405 = arith.constant 8.000000e+01 : f32
        %min3A_406 = vector.broadcast %min3A_405 : f32 to vector<16xf32>
        %min3A_407 = arith.minimumf %gather3A_404, %min3A_406 : vector<16xf32>
        %exp3A_408 = math.exp %min3A_407 : vector<16xf32>
        %add3A_409 = arith.addf %add3A_382, %exp3A_408 : vector<16xf32>
        %add3A_410 = arith.constant 27 : i32
        %add3A_411 = vector.broadcast %add3A_410 : i32 to vector<16xi32>
        %add3A_412 = arith.addi %add3A_164, %add3A_411 : vector<16xi32>
        %gather3A_413 = tpu.vector_load_idx %arg10[%add3A_412] : memref<41472xf32, #tpu.memory_space<vmem>>[vector<16xi32>], vector<16xf32>,
        %min3A_414 = arith.constant 8.000000e+01 : f32
        %min3A_415 = vector.broadcast %min3A_414 : f32 to vector<16xf32>
        %min3A_416 = arith.minimumf %gather3A_413, %min3A_415 : vector<16xf32>
        %exp3A_417 = math.exp %min3A_416 : vector<16xf32>
        %add3A_418 = arith.addf %add3A_391, %exp3A_417 : vector<16xf32>
        %add3A_419 = arith.constant 28 : i32
        %add3A_420 = vector.broadcast %add3A_419 : i32 to vector<16xi32>
        %add3A_421 = arith.addi %add3A_164, %add3A_420 : vector<16xi32>
        %gather3A_422 = tpu.vector_load_idx %arg10[%add3A_421] : memref<41472xf32, #tpu.memory_space<vmem>>[vector<16xi32>], vector<16xf32>,
        %min3A_423 = arith.constant 8.000000e+01 : f32
        %min3A_424 = vector.broadcast %min3A_423 : f32 to vector<16xf32>
        %min3A_425 = arith.minimumf %gather3A_422, %min3A_424 : vector<16xf32>
        %exp3A_426 = math.exp %min3A_425 : vector<16xf32>
        %add3A_427 = arith.addf %add3A_400, %exp3A_426 : vector<16xf32>
        %add3A_428 = arith.constant 29 : i32
        %add3A_429 = vector.broadcast %add3A_428 : i32 to vector<16xi32>
        %add3A_430 = arith.addi %add3A_164, %add3A_429 : vector<16xi32>
        %gather3A_431 = tpu.vector_load_idx %arg10[%add3A_430] : memref<41472xf32, #tpu.memory_space<vmem>>[vector<16xi32>], vector<16xf32>,
        %min3A_432 = arith.constant 8.000000e+01 : f32
        %min3A_433 = vector.broadcast %min3A_432 : f32 to vector<16xf32>
        %min3A_434 = arith.minimumf %gather3A_431, %min3A_433 : vector<16xf32>
        %exp3A_435 = math.exp %min3A_434 : vector<16xf32>
        %add3A_436 = arith.addf %add3A_409, %exp3A_435 : vector<16xf32>
        %add3A_437 = arith.constant 30 : i32
        %add3A_438 = vector.broadcast %add3A_437 : i32 to vector<16xi32>
        %add3A_439 = arith.addi %add3A_164, %add3A_438 : vector<16xi32>
        %gather3A_440 = tpu.vector_load_idx %arg10[%add3A_439] : memref<41472xf32, #tpu.memory_space<vmem>>[vector<16xi32>], vector<16xf32>,
        %min3A_441 = arith.constant 8.000000e+01 : f32
        %min3A_442 = vector.broadcast %min3A_441 : f32 to vector<16xf32>
        %min3A_443 = arith.minimumf %gather3A_440, %min3A_442 : vector<16xf32>
        %exp3A_444 = math.exp %min3A_443 : vector<16xf32>
        %add3A_445 = arith.addf %add3A_418, %exp3A_444 : vector<16xf32>
        %add3A_446 = arith.constant 31 : i32
        %add3A_447 = vector.broadcast %add3A_446 : i32 to vector<16xi32>
        %add3A_448 = arith.addi %add3A_164, %add3A_447 : vector<16xi32>
        %gather3A_449 = tpu.vector_load_idx %arg10[%add3A_448] : memref<41472xf32, #tpu.memory_space<vmem>>[vector<16xi32>], vector<16xf32>,
        %min3A_450 = arith.constant 8.000000e+01 : f32
        %min3A_451 = vector.broadcast %min3A_450 : f32 to vector<16xf32>
        %min3A_452 = arith.minimumf %gather3A_449, %min3A_451 : vector<16xf32>
        %exp3A_453 = math.exp %min3A_452 : vector<16xf32>
        %add3A_454 = arith.addf %add3A_427, %exp3A_453 : vector<16xf32>
        %add3A_455 = arith.constant 32 : i32
        %add3A_456 = vector.broadcast %add3A_455 : i32 to vector<16xi32>
        %add3A_457 = arith.addi %add3A_164, %add3A_456 : vector<16xi32>
        %gather3A_458 = tpu.vector_load_idx %arg10[%add3A_457] : memref<41472xf32, #tpu.memory_space<vmem>>[vector<16xi32>], vector<16xf32>,
        %min3A_459 = arith.constant 8.000000e+01 : f32
        %min3A_460 = vector.broadcast %min3A_459 : f32 to vector<16xf32>
        %min3A_461 = arith.minimumf %gather3A_458, %min3A_460 : vector<16xf32>
        %exp3A_462 = math.exp %min3A_461 : vector<16xf32>
        %add3A_463 = arith.addf %add3A_436, %exp3A_462 : vector<16xf32>
        %add3A_464 = arith.constant 33 : i32
        %add3A_465 = vector.broadcast %add3A_464 : i32 to vector<16xi32>
        %add3A_466 = arith.addi %add3A_164, %add3A_465 : vector<16xi32>
        %gather3A_467 = tpu.vector_load_idx %arg10[%add3A_466] : memref<41472xf32, #tpu.memory_space<vmem>>[vector<16xi32>], vector<16xf32>,
        %min3A_468 = arith.constant 8.000000e+01 : f32
        %min3A_469 = vector.broadcast %min3A_468 : f32 to vector<16xf32>
        %min3A_470 = arith.minimumf %gather3A_467, %min3A_469 : vector<16xf32>
        %exp3A_471 = math.exp %min3A_470 : vector<16xf32>
        %add3A_472 = arith.addf %add3A_445, %exp3A_471 : vector<16xf32>
        %add3A_473 = arith.constant 34 : i32
        %add3A_474 = vector.broadcast %add3A_473 : i32 to vector<16xi32>
        %add3A_475 = arith.addi %add3A_164, %add3A_474 : vector<16xi32>
        %gather3A_476 = tpu.vector_load_idx %arg10[%add3A_475] : memref<41472xf32, #tpu.memory_space<vmem>>[vector<16xi32>], vector<16xf32>,
        %min3A_477 = arith.constant 8.000000e+01 : f32
        %min3A_478 = vector.broadcast %min3A_477 : f32 to vector<16xf32>
        %min3A_479 = arith.minimumf %gather3A_476, %min3A_478 : vector<16xf32>
        %exp3A_480 = math.exp %min3A_479 : vector<16xf32>
        %add3A_481 = arith.addf %add3A_454, %exp3A_480 : vector<16xf32>
        %add3A_482 = arith.constant 35 : i32
        %add3A_483 = vector.broadcast %add3A_482 : i32 to vector<16xi32>
        %add3A_484 = arith.addi %add3A_164, %add3A_483 : vector<16xi32>
        %gather3A_485 = tpu.vector_load_idx %arg10[%add3A_484] : memref<41472xf32, #tpu.memory_space<vmem>>[vector<16xi32>], vector<16xf32>,
        %min3A_486 = arith.constant 8.000000e+01 : f32
        %min3A_487 = vector.broadcast %min3A_486 : f32 to vector<16xf32>
        %min3A_488 = arith.minimumf %gather3A_485, %min3A_487 : vector<16xf32>
        %exp3A_489 = math.exp %min3A_488 : vector<16xf32>
        %add3A_490 = arith.addf %add3A_463, %exp3A_489 : vector<16xf32>
        %add3A_491 = arith.constant 36 : i32
        %add3A_492 = vector.broadcast %add3A_491 : i32 to vector<16xi32>
        %add3A_493 = arith.addi %add3A_164, %add3A_492 : vector<16xi32>
        %gather3A_494 = tpu.vector_load_idx %arg10[%add3A_493] : memref<41472xf32, #tpu.memory_space<vmem>>[vector<16xi32>], vector<16xf32>,
        %min3A_495 = arith.constant 8.000000e+01 : f32
        %min3A_496 = vector.broadcast %min3A_495 : f32 to vector<16xf32>
        %min3A_497 = arith.minimumf %gather3A_494, %min3A_496 : vector<16xf32>
        %exp3A_498 = math.exp %min3A_497 : vector<16xf32>
        %add3A_499 = arith.addf %add3A_472, %exp3A_498 : vector<16xf32>
        %add3A_500 = arith.constant 37 : i32
        %add3A_501 = vector.broadcast %add3A_500 : i32 to vector<16xi32>
        %add3A_502 = arith.addi %add3A_164, %add3A_501 : vector<16xi32>
        %gather3A_503 = tpu.vector_load_idx %arg10[%add3A_502] : memref<41472xf32, #tpu.memory_space<vmem>>[vector<16xi32>], vector<16xf32>,
        %min3A_504 = arith.constant 8.000000e+01 : f32
        %min3A_505 = vector.broadcast %min3A_504 : f32 to vector<16xf32>
        %min3A_506 = arith.minimumf %gather3A_503, %min3A_505 : vector<16xf32>
        %exp3A_507 = math.exp %min3A_506 : vector<16xf32>
        %add3A_508 = arith.addf %add3A_481, %exp3A_507 : vector<16xf32>
        %add3A_509 = arith.constant 38 : i32
        %add3A_510 = vector.broadcast %add3A_509 : i32 to vector<16xi32>
        %add3A_511 = arith.addi %add3A_164, %add3A_510 : vector<16xi32>
        %gather3A_512 = tpu.vector_load_idx %arg10[%add3A_511] : memref<41472xf32, #tpu.memory_space<vmem>>[vector<16xi32>], vector<16xf32>,
        %min3A_513 = arith.constant 8.000000e+01 : f32
        %min3A_514 = vector.broadcast %min3A_513 : f32 to vector<16xf32>
        %min3A_515 = arith.minimumf %gather3A_512, %min3A_514 : vector<16xf32>
        %exp3A_516 = math.exp %min3A_515 : vector<16xf32>
        %add3A_517 = arith.addf %add3A_490, %exp3A_516 : vector<16xf32>
        %add3A_518 = arith.constant 39 : i32
        %add3A_519 = vector.broadcast %add3A_518 : i32 to vector<16xi32>
        %add3A_520 = arith.addi %add3A_164, %add3A_519 : vector<16xi32>
        %gather3A_521 = tpu.vector_load_idx %arg10[%add3A_520] : memref<41472xf32, #tpu.memory_space<vmem>>[vector<16xi32>], vector<16xf32>,
        %min3A_522 = arith.constant 8.000000e+01 : f32
        %min3A_523 = vector.broadcast %min3A_522 : f32 to vector<16xf32>
        %min3A_524 = arith.minimumf %gather3A_521, %min3A_523 : vector<16xf32>
        %exp3A_525 = math.exp %min3A_524 : vector<16xf32>
        %add3A_526 = arith.addf %add3A_499, %exp3A_525 : vector<16xf32>
        %add3A_527 = arith.constant 40 : i32
        %add3A_528 = vector.broadcast %add3A_527 : i32 to vector<16xi32>
        %add3A_529 = arith.addi %add3A_164, %add3A_528 : vector<16xi32>
        %gather3A_530 = tpu.vector_load_idx %arg10[%add3A_529] : memref<41472xf32, #tpu.memory_space<vmem>>[vector<16xi32>], vector<16xf32>,
        %min3A_531 = arith.constant 8.000000e+01 : f32
        %min3A_532 = vector.broadcast %min3A_531 : f32 to vector<16xf32>
        %min3A_533 = arith.minimumf %gather3A_530, %min3A_532 : vector<16xf32>
        %exp3A_534 = math.exp %min3A_533 : vector<16xf32>
        %add3A_535 = arith.addf %add3A_508, %exp3A_534 : vector<16xf32>
        %add3A_536 = arith.constant 41 : i32
        %add3A_537 = vector.broadcast %add3A_536 : i32 to vector<16xi32>
        %add3A_538 = arith.addi %add3A_164, %add3A_537 : vector<16xi32>
        %gather3A_539 = tpu.vector_load_idx %arg10[%add3A_538] : memref<41472xf32, #tpu.memory_space<vmem>>[vector<16xi32>], vector<16xf32>,
        %min3A_540 = arith.constant 8.000000e+01 : f32
        %min3A_541 = vector.broadcast %min3A_540 : f32 to vector<16xf32>
        %min3A_542 = arith.minimumf %gather3A_539, %min3A_541 : vector<16xf32>
        %exp3A_543 = math.exp %min3A_542 : vector<16xf32>
        %add3A_544 = arith.addf %add3A_517, %exp3A_543 : vector<16xf32>
        %add3A_545 = arith.constant 42 : i32
        %add3A_546 = vector.broadcast %add3A_545 : i32 to vector<16xi32>
        %add3A_547 = arith.addi %add3A_164, %add3A_546 : vector<16xi32>
        %gather3A_548 = tpu.vector_load_idx %arg10[%add3A_547] : memref<41472xf32, #tpu.memory_space<vmem>>[vector<16xi32>], vector<16xf32>,
        %min3A_549 = arith.constant 8.000000e+01 : f32
        %min3A_550 = vector.broadcast %min3A_549 : f32 to vector<16xf32>
        %min3A_551 = arith.minimumf %gather3A_548, %min3A_550 : vector<16xf32>
        %exp3A_552 = math.exp %min3A_551 : vector<16xf32>
        %add3A_553 = arith.addf %add3A_526, %exp3A_552 : vector<16xf32>
        %add3A_554 = arith.constant 43 : i32
        %add3A_555 = vector.broadcast %add3A_554 : i32 to vector<16xi32>
        %add3A_556 = arith.addi %add3A_164, %add3A_555 : vector<16xi32>
        %gather3A_557 = tpu.vector_load_idx %arg10[%add3A_556] : memref<41472xf32, #tpu.memory_space<vmem>>[vector<16xi32>], vector<16xf32>,
        %min3A_558 = arith.constant 8.000000e+01 : f32
        %min3A_559 = vector.broadcast %min3A_558 : f32 to vector<16xf32>
        %min3A_560 = arith.minimumf %gather3A_557, %min3A_559 : vector<16xf32>
        %exp3A_561 = math.exp %min3A_560 : vector<16xf32>
        %add3A_562 = arith.addf %add3A_535, %exp3A_561 : vector<16xf32>
        %add3A_563 = arith.constant 44 : i32
        %add3A_564 = vector.broadcast %add3A_563 : i32 to vector<16xi32>
        %add3A_565 = arith.addi %add3A_164, %add3A_564 : vector<16xi32>
        %gather3A_566 = tpu.vector_load_idx %arg10[%add3A_565] : memref<41472xf32, #tpu.memory_space<vmem>>[vector<16xi32>], vector<16xf32>,
        %min3A_567 = arith.constant 8.000000e+01 : f32
        %min3A_568 = vector.broadcast %min3A_567 : f32 to vector<16xf32>
        %min3A_569 = arith.minimumf %gather3A_566, %min3A_568 : vector<16xf32>
        %exp3A_570 = math.exp %min3A_569 : vector<16xf32>
        %add3A_571 = arith.addf %add3A_544, %exp3A_570 : vector<16xf32>
        %add3A_572 = arith.constant 45 : i32
        %add3A_573 = vector.broadcast %add3A_572 : i32 to vector<16xi32>
        %add3A_574 = arith.addi %add3A_164, %add3A_573 : vector<16xi32>
        %gather3A_575 = tpu.vector_load_idx %arg10[%add3A_574] : memref<41472xf32, #tpu.memory_space<vmem>>[vector<16xi32>], vector<16xf32>,
        %min3A_576 = arith.constant 8.000000e+01 : f32
        %min3A_577 = vector.broadcast %min3A_576 : f32 to vector<16xf32>
        %min3A_578 = arith.minimumf %gather3A_575, %min3A_577 : vector<16xf32>
        %exp3A_579 = math.exp %min3A_578 : vector<16xf32>
        %add3A_580 = arith.addf %add3A_553, %exp3A_579 : vector<16xf32>
        %add3A_581 = arith.constant 46 : i32
        %add3A_582 = vector.broadcast %add3A_581 : i32 to vector<16xi32>
        %add3A_583 = arith.addi %add3A_164, %add3A_582 : vector<16xi32>
        %gather3A_584 = tpu.vector_load_idx %arg10[%add3A_583] : memref<41472xf32, #tpu.memory_space<vmem>>[vector<16xi32>], vector<16xf32>,
        %min3A_585 = arith.constant 8.000000e+01 : f32
        %min3A_586 = vector.broadcast %min3A_585 : f32 to vector<16xf32>
        %min3A_587 = arith.minimumf %gather3A_584, %min3A_586 : vector<16xf32>
        %exp3A_588 = math.exp %min3A_587 : vector<16xf32>
        %add3A_589 = arith.addf %add3A_562, %exp3A_588 : vector<16xf32>
        %add3A_590 = arith.constant 47 : i32
        %add3A_591 = vector.broadcast %add3A_590 : i32 to vector<16xi32>
        %add3A_592 = arith.addi %add3A_164, %add3A_591 : vector<16xi32>
        %gather3A_593 = tpu.vector_load_idx %arg10[%add3A_592] : memref<41472xf32, #tpu.memory_space<vmem>>[vector<16xi32>], vector<16xf32>,
        %min3A_594 = arith.constant 8.000000e+01 : f32
        %min3A_595 = vector.broadcast %min3A_594 : f32 to vector<16xf32>
        %min3A_596 = arith.minimumf %gather3A_593, %min3A_595 : vector<16xf32>
        %exp3A_597 = math.exp %min3A_596 : vector<16xf32>
        %add3A_598 = arith.addf %add3A_571, %exp3A_597 : vector<16xf32>
        %add3A_599 = arith.constant 48 : i32
        %add3A_600 = vector.broadcast %add3A_599 : i32 to vector<16xi32>
        %add3A_601 = arith.addi %add3A_164, %add3A_600 : vector<16xi32>
        %gather3A_602 = tpu.vector_load_idx %arg10[%add3A_601] : memref<41472xf32, #tpu.memory_space<vmem>>[vector<16xi32>], vector<16xf32>,
        %min3A_603 = arith.constant 8.000000e+01 : f32
        %min3A_604 = vector.broadcast %min3A_603 : f32 to vector<16xf32>
        %min3A_605 = arith.minimumf %gather3A_602, %min3A_604 : vector<16xf32>
        %exp3A_606 = math.exp %min3A_605 : vector<16xf32>
        %add3A_607 = arith.addf %add3A_580, %exp3A_606 : vector<16xf32>
        %add3A_608 = arith.constant 49 : i32
        %add3A_609 = vector.broadcast %add3A_608 : i32 to vector<16xi32>
        %add3A_610 = arith.addi %add3A_164, %add3A_609 : vector<16xi32>
        %gather3A_611 = tpu.vector_load_idx %arg10[%add3A_610] : memref<41472xf32, #tpu.memory_space<vmem>>[vector<16xi32>], vector<16xf32>,
        %min3A_612 = arith.constant 8.000000e+01 : f32
        %min3A_613 = vector.broadcast %min3A_612 : f32 to vector<16xf32>
        %min3A_614 = arith.minimumf %gather3A_611, %min3A_613 : vector<16xf32>
        %exp3A_615 = math.exp %min3A_614 : vector<16xf32>
        %add3A_616 = arith.addf %add3A_589, %exp3A_615 : vector<16xf32>
        %add3A_617 = arith.constant 50 : i32
        %add3A_618 = vector.broadcast %add3A_617 : i32 to vector<16xi32>
        %add3A_619 = arith.addi %add3A_164, %add3A_618 : vector<16xi32>
        %gather3A_620 = tpu.vector_load_idx %arg10[%add3A_619] : memref<41472xf32, #tpu.memory_space<vmem>>[vector<16xi32>], vector<16xf32>,
        %min3A_621 = arith.constant 8.000000e+01 : f32
        %min3A_622 = vector.broadcast %min3A_621 : f32 to vector<16xf32>
        %min3A_623 = arith.minimumf %gather3A_620, %min3A_622 : vector<16xf32>
        %exp3A_624 = math.exp %min3A_623 : vector<16xf32>
        %add3A_625 = arith.addf %add3A_598, %exp3A_624 : vector<16xf32>
        %add3A_626 = arith.constant 51 : i32
        %add3A_627 = vector.broadcast %add3A_626 : i32 to vector<16xi32>
        %add3A_628 = arith.addi %add3A_164, %add3A_627 : vector<16xi32>
        %gather3A_629 = tpu.vector_load_idx %arg10[%add3A_628] : memref<41472xf32, #tpu.memory_space<vmem>>[vector<16xi32>], vector<16xf32>,
        %min3A_630 = arith.constant 8.000000e+01 : f32
        %min3A_631 = vector.broadcast %min3A_630 : f32 to vector<16xf32>
        %min3A_632 = arith.minimumf %gather3A_629, %min3A_631 : vector<16xf32>
        %exp3A_633 = math.exp %min3A_632 : vector<16xf32>
        %add3A_634 = arith.addf %add3A_607, %exp3A_633 : vector<16xf32>
        %add3A_635 = arith.constant 52 : i32
        %add3A_636 = vector.broadcast %add3A_635 : i32 to vector<16xi32>
        %add3A_637 = arith.addi %add3A_164, %add3A_636 : vector<16xi32>
        %gather3A_638 = tpu.vector_load_idx %arg10[%add3A_637] : memref<41472xf32, #tpu.memory_space<vmem>>[vector<16xi32>], vector<16xf32>,
        %min3A_639 = arith.constant 8.000000e+01 : f32
        %min3A_640 = vector.broadcast %min3A_639 : f32 to vector<16xf32>
        %min3A_641 = arith.minimumf %gather3A_638, %min3A_640 : vector<16xf32>
        %exp3A_642 = math.exp %min3A_641 : vector<16xf32>
        %add3A_643 = arith.addf %add3A_616, %exp3A_642 : vector<16xf32>
        %add3A_644 = arith.constant 53 : i32
        %add3A_645 = vector.broadcast %add3A_644 : i32 to vector<16xi32>
        %add3A_646 = arith.addi %add3A_164, %add3A_645 : vector<16xi32>
        %gather3A_647 = tpu.vector_load_idx %arg10[%add3A_646] : memref<41472xf32, #tpu.memory_space<vmem>>[vector<16xi32>], vector<16xf32>,
        %min3A_648 = arith.constant 8.000000e+01 : f32
        %min3A_649 = vector.broadcast %min3A_648 : f32 to vector<16xf32>
        %min3A_650 = arith.minimumf %gather3A_647, %min3A_649 : vector<16xf32>
        %exp3A_651 = math.exp %min3A_650 : vector<16xf32>
        %add3A_652 = arith.addf %add3A_625, %exp3A_651 : vector<16xf32>
        %add3A_653 = arith.constant 54 : i32
        %add3A_654 = vector.broadcast %add3A_653 : i32 to vector<16xi32>
        %add3A_655 = arith.addi %add3A_164, %add3A_654 : vector<16xi32>
        %gather3A_656 = tpu.vector_load_idx %arg10[%add3A_655] : memref<41472xf32, #tpu.memory_space<vmem>>[vector<16xi32>], vector<16xf32>,
        %min3A_657 = arith.constant 8.000000e+01 : f32
        %min3A_658 = vector.broadcast %min3A_657 : f32 to vector<16xf32>
        %min3A_659 = arith.minimumf %gather3A_656, %min3A_658 : vector<16xf32>
        %exp3A_660 = math.exp %min3A_659 : vector<16xf32>
        %add3A_661 = arith.addf %add3A_634, %exp3A_660 : vector<16xf32>
        %add3A_662 = arith.constant 55 : i32
        %add3A_663 = vector.broadcast %add3A_662 : i32 to vector<16xi32>
        %add3A_664 = arith.addi %add3A_164, %add3A_663 : vector<16xi32>
        %gather3A_665 = tpu.vector_load_idx %arg10[%add3A_664] : memref<41472xf32, #tpu.memory_space<vmem>>[vector<16xi32>], vector<16xf32>,
        %min3A_666 = arith.constant 8.000000e+01 : f32
        %min3A_667 = vector.broadcast %min3A_666 : f32 to vector<16xf32>
        %min3A_668 = arith.minimumf %gather3A_665, %min3A_667 : vector<16xf32>
        %exp3A_669 = math.exp %min3A_668 : vector<16xf32>
        %add3A_670 = arith.addf %add3A_643, %exp3A_669 : vector<16xf32>
        %add3A_671 = arith.constant 56 : i32
        %add3A_672 = vector.broadcast %add3A_671 : i32 to vector<16xi32>
        %add3A_673 = arith.addi %add3A_164, %add3A_672 : vector<16xi32>
        %gather3A_674 = tpu.vector_load_idx %arg10[%add3A_673] : memref<41472xf32, #tpu.memory_space<vmem>>[vector<16xi32>], vector<16xf32>,
        %min3A_675 = arith.constant 8.000000e+01 : f32
        %min3A_676 = vector.broadcast %min3A_675 : f32 to vector<16xf32>
        %min3A_677 = arith.minimumf %gather3A_674, %min3A_676 : vector<16xf32>
        %exp3A_678 = math.exp %min3A_677 : vector<16xf32>
        %add3A_679 = arith.addf %add3A_652, %exp3A_678 : vector<16xf32>
        %add3A_680 = arith.constant 57 : i32
        %add3A_681 = vector.broadcast %add3A_680 : i32 to vector<16xi32>
        %add3A_682 = arith.addi %add3A_164, %add3A_681 : vector<16xi32>
        %gather3A_683 = tpu.vector_load_idx %arg10[%add3A_682] : memref<41472xf32, #tpu.memory_space<vmem>>[vector<16xi32>], vector<16xf32>,
        %min3A_684 = arith.constant 8.000000e+01 : f32
        %min3A_685 = vector.broadcast %min3A_684 : f32 to vector<16xf32>
        %min3A_686 = arith.minimumf %gather3A_683, %min3A_685 : vector<16xf32>
        %exp3A_687 = math.exp %min3A_686 : vector<16xf32>
        %add3A_688 = arith.addf %add3A_661, %exp3A_687 : vector<16xf32>
        %add3A_689 = arith.constant 58 : i32
        %add3A_690 = vector.broadcast %add3A_689 : i32 to vector<16xi32>
        %add3A_691 = arith.addi %add3A_164, %add3A_690 : vector<16xi32>
        %gather3A_692 = tpu.vector_load_idx %arg10[%add3A_691] : memref<41472xf32, #tpu.memory_space<vmem>>[vector<16xi32>], vector<16xf32>,
        %min3A_693 = arith.constant 8.000000e+01 : f32
        %min3A_694 = vector.broadcast %min3A_693 : f32 to vector<16xf32>
        %min3A_695 = arith.minimumf %gather3A_692, %min3A_694 : vector<16xf32>
        %exp3A_696 = math.exp %min3A_695 : vector<16xf32>
        %add3A_697 = arith.addf %add3A_670, %exp3A_696 : vector<16xf32>
        %add3A_698 = arith.constant 59 : i32
        %add3A_699 = vector.broadcast %add3A_698 : i32 to vector<16xi32>
        %add3A_700 = arith.addi %add3A_164, %add3A_699 : vector<16xi32>
        %gather3A_701 = tpu.vector_load_idx %arg10[%add3A_700] : memref<41472xf32, #tpu.memory_space<vmem>>[vector<16xi32>], vector<16xf32>,
        %min3A_702 = arith.constant 8.000000e+01 : f32
        %min3A_703 = vector.broadcast %min3A_702 : f32 to vector<16xf32>
        %min3A_704 = arith.minimumf %gather3A_701, %min3A_703 : vector<16xf32>
        %exp3A_705 = math.exp %min3A_704 : vector<16xf32>
        %add3A_706 = arith.addf %add3A_679, %exp3A_705 : vector<16xf32>
        %add3A_707 = arith.constant 60 : i32
        %add3A_708 = vector.broadcast %add3A_707 : i32 to vector<16xi32>
        %add3A_709 = arith.addi %add3A_164, %add3A_708 : vector<16xi32>
        %gather3A_710 = tpu.vector_load_idx %arg10[%add3A_709] : memref<41472xf32, #tpu.memory_space<vmem>>[vector<16xi32>], vector<16xf32>,
        %min3A_711 = arith.constant 8.000000e+01 : f32
        %min3A_712 = vector.broadcast %min3A_711 : f32 to vector<16xf32>
        %min3A_713 = arith.minimumf %gather3A_710, %min3A_712 : vector<16xf32>
        %exp3A_714 = math.exp %min3A_713 : vector<16xf32>
        %add3A_715 = arith.addf %add3A_688, %exp3A_714 : vector<16xf32>
        %add3A_716 = arith.constant 61 : i32
        %add3A_717 = vector.broadcast %add3A_716 : i32 to vector<16xi32>
        %add3A_718 = arith.addi %add3A_164, %add3A_717 : vector<16xi32>
        %gather3A_719 = tpu.vector_load_idx %arg10[%add3A_718] : memref<41472xf32, #tpu.memory_space<vmem>>[vector<16xi32>], vector<16xf32>,
        %min3A_720 = arith.constant 8.000000e+01 : f32
        %min3A_721 = vector.broadcast %min3A_720 : f32 to vector<16xf32>
        %min3A_722 = arith.minimumf %gather3A_719, %min3A_721 : vector<16xf32>
        %exp3A_723 = math.exp %min3A_722 : vector<16xf32>
        %add3A_724 = arith.addf %add3A_697, %exp3A_723 : vector<16xf32>
        %add3A_725 = arith.constant 62 : i32
        %add3A_726 = vector.broadcast %add3A_725 : i32 to vector<16xi32>
        %add3A_727 = arith.addi %add3A_164, %add3A_726 : vector<16xi32>
        %gather3A_728 = tpu.vector_load_idx %arg10[%add3A_727] : memref<41472xf32, #tpu.memory_space<vmem>>[vector<16xi32>], vector<16xf32>,
        %min3A_729 = arith.constant 8.000000e+01 : f32
        %min3A_730 = vector.broadcast %min3A_729 : f32 to vector<16xf32>
        %min3A_731 = arith.minimumf %gather3A_728, %min3A_730 : vector<16xf32>
        %exp3A_732 = math.exp %min3A_731 : vector<16xf32>
        %add3A_733 = arith.addf %add3A_706, %exp3A_732 : vector<16xf32>
        %add3A_734 = arith.constant 63 : i32
        %add3A_735 = vector.broadcast %add3A_734 : i32 to vector<16xi32>
        %add3A_736 = arith.addi %add3A_164, %add3A_735 : vector<16xi32>
        %gather3A_737 = tpu.vector_load_idx %arg10[%add3A_736] : memref<41472xf32, #tpu.memory_space<vmem>>[vector<16xi32>], vector<16xf32>,
        %min3A_738 = arith.constant 8.000000e+01 : f32
        %min3A_739 = vector.broadcast %min3A_738 : f32 to vector<16xf32>
        %min3A_740 = arith.minimumf %gather3A_737, %min3A_739 : vector<16xf32>
        %exp3A_741 = math.exp %min3A_740 : vector<16xf32>
        %add3A_742 = arith.addf %add3A_715, %exp3A_741 : vector<16xf32>
        %add3A_743 = arith.constant 64 : i32
        %add3A_744 = vector.broadcast %add3A_743 : i32 to vector<16xi32>
        %add3A_745 = arith.addi %add3A_164, %add3A_744 : vector<16xi32>
        %gather3A_746 = tpu.vector_load_idx %arg10[%add3A_745] : memref<41472xf32, #tpu.memory_space<vmem>>[vector<16xi32>], vector<16xf32>,
        %min3A_747 = arith.constant 8.000000e+01 : f32
        %min3A_748 = vector.broadcast %min3A_747 : f32 to vector<16xf32>
        %min3A_749 = arith.minimumf %gather3A_746, %min3A_748 : vector<16xf32>
        %exp3A_750 = math.exp %min3A_749 : vector<16xf32>
        %add3A_751 = arith.addf %add3A_724, %exp3A_750 : vector<16xf32>
        %add3A_752 = arith.constant 65 : i32
        %add3A_753 = vector.broadcast %add3A_752 : i32 to vector<16xi32>
        %add3A_754 = arith.addi %add3A_164, %add3A_753 : vector<16xi32>
        %gather3A_755 = tpu.vector_load_idx %arg10[%add3A_754] : memref<41472xf32, #tpu.memory_space<vmem>>[vector<16xi32>], vector<16xf32>,
        %min3A_756 = arith.constant 8.000000e+01 : f32
        %min3A_757 = vector.broadcast %min3A_756 : f32 to vector<16xf32>
        %min3A_758 = arith.minimumf %gather3A_755, %min3A_757 : vector<16xf32>
        %exp3A_759 = math.exp %min3A_758 : vector<16xf32>
        %add3A_760 = arith.addf %add3A_733, %exp3A_759 : vector<16xf32>
        %add3A_761 = arith.constant 66 : i32
        %add3A_762 = vector.broadcast %add3A_761 : i32 to vector<16xi32>
        %add3A_763 = arith.addi %add3A_164, %add3A_762 : vector<16xi32>
        %gather3A_764 = tpu.vector_load_idx %arg10[%add3A_763] : memref<41472xf32, #tpu.memory_space<vmem>>[vector<16xi32>], vector<16xf32>,
        %min3A_765 = arith.constant 8.000000e+01 : f32
        %min3A_766 = vector.broadcast %min3A_765 : f32 to vector<16xf32>
        %min3A_767 = arith.minimumf %gather3A_764, %min3A_766 : vector<16xf32>
        %exp3A_768 = math.exp %min3A_767 : vector<16xf32>
        %add3A_769 = arith.addf %add3A_742, %exp3A_768 : vector<16xf32>
        %add3A_770 = arith.constant 67 : i32
        %add3A_771 = vector.broadcast %add3A_770 : i32 to vector<16xi32>
        %add3A_772 = arith.addi %add3A_164, %add3A_771 : vector<16xi32>
        %gather3A_773 = tpu.vector_load_idx %arg10[%add3A_772] : memref<41472xf32, #tpu.memory_space<vmem>>[vector<16xi32>], vector<16xf32>,
        %min3A_774 = arith.constant 8.000000e+01 : f32
        %min3A_775 = vector.broadcast %min3A_774 : f32 to vector<16xf32>
        %min3A_776 = arith.minimumf %gather3A_773, %min3A_775 : vector<16xf32>
        %exp3A_777 = math.exp %min3A_776 : vector<16xf32>
        %add3A_778 = arith.addf %add3A_751, %exp3A_777 : vector<16xf32>
        %add3A_779 = arith.constant 68 : i32
        %add3A_780 = vector.broadcast %add3A_779 : i32 to vector<16xi32>
        %add3A_781 = arith.addi %add3A_164, %add3A_780 : vector<16xi32>
        %gather3A_782 = tpu.vector_load_idx %arg10[%add3A_781] : memref<41472xf32, #tpu.memory_space<vmem>>[vector<16xi32>], vector<16xf32>,
        %min3A_783 = arith.constant 8.000000e+01 : f32
        %min3A_784 = vector.broadcast %min3A_783 : f32 to vector<16xf32>
        %min3A_785 = arith.minimumf %gather3A_782, %min3A_784 : vector<16xf32>
        %exp3A_786 = math.exp %min3A_785 : vector<16xf32>
        %add3A_787 = arith.addf %add3A_760, %exp3A_786 : vector<16xf32>
        %add3A_788 = arith.constant 69 : i32
        %add3A_789 = vector.broadcast %add3A_788 : i32 to vector<16xi32>
        %add3A_790 = arith.addi %add3A_164, %add3A_789 : vector<16xi32>
        %gather3A_791 = tpu.vector_load_idx %arg10[%add3A_790] : memref<41472xf32, #tpu.memory_space<vmem>>[vector<16xi32>], vector<16xf32>,
        %min3A_792 = arith.constant 8.000000e+01 : f32
        %min3A_793 = vector.broadcast %min3A_792 : f32 to vector<16xf32>
        %min3A_794 = arith.minimumf %gather3A_791, %min3A_793 : vector<16xf32>
        %exp3A_795 = math.exp %min3A_794 : vector<16xf32>
        %add3A_796 = arith.addf %add3A_769, %exp3A_795 : vector<16xf32>
        %add3A_797 = arith.constant 70 : i32
        %add3A_798 = vector.broadcast %add3A_797 : i32 to vector<16xi32>
        %add3A_799 = arith.addi %add3A_164, %add3A_798 : vector<16xi32>
        %gather3A_800 = tpu.vector_load_idx %arg10[%add3A_799] : memref<41472xf32, #tpu.memory_space<vmem>>[vector<16xi32>], vector<16xf32>,
        %min3A_801 = arith.constant 8.000000e+01 : f32
        %min3A_802 = vector.broadcast %min3A_801 : f32 to vector<16xf32>
        %min3A_803 = arith.minimumf %gather3A_800, %min3A_802 : vector<16xf32>
        %exp3A_804 = math.exp %min3A_803 : vector<16xf32>
        %add3A_805 = arith.addf %add3A_778, %exp3A_804 : vector<16xf32>
        %add3A_806 = arith.constant 71 : i32
        %add3A_807 = vector.broadcast %add3A_806 : i32 to vector<16xi32>
        %add3A_808 = arith.addi %add3A_164, %add3A_807 : vector<16xi32>
        %gather3A_809 = tpu.vector_load_idx %arg10[%add3A_808] : memref<41472xf32, #tpu.memory_space<vmem>>[vector<16xi32>], vector<16xf32>,
        %min3A_810 = arith.constant 8.000000e+01 : f32
        %min3A_811 = vector.broadcast %min3A_810 : f32 to vector<16xf32>
        %min3A_812 = arith.minimumf %gather3A_809, %min3A_811 : vector<16xf32>
        %exp3A_813 = math.exp %min3A_812 : vector<16xf32>
        %add3A_814 = arith.addf %add3A_787, %exp3A_813 : vector<16xf32>
        %add3A_815 = arith.constant 72 : i32
        %add3A_816 = vector.broadcast %add3A_815 : i32 to vector<16xi32>
        %add3A_817 = arith.addi %add3A_164, %add3A_816 : vector<16xi32>
        %gather3A_818 = tpu.vector_load_idx %arg10[%add3A_817] : memref<41472xf32, #tpu.memory_space<vmem>>[vector<16xi32>], vector<16xf32>,
        %min3A_819 = arith.constant 8.000000e+01 : f32
        %min3A_820 = vector.broadcast %min3A_819 : f32 to vector<16xf32>
        %min3A_821 = arith.minimumf %gather3A_818, %min3A_820 : vector<16xf32>
        %exp3A_822 = math.exp %min3A_821 : vector<16xf32>
        %add3A_823 = arith.addf %add3A_796, %exp3A_822 : vector<16xf32>
        %add3A_824 = arith.constant 73 : i32
        %add3A_825 = vector.broadcast %add3A_824 : i32 to vector<16xi32>
        %add3A_826 = arith.addi %add3A_164, %add3A_825 : vector<16xi32>
        %gather3A_827 = tpu.vector_load_idx %arg10[%add3A_826] : memref<41472xf32, #tpu.memory_space<vmem>>[vector<16xi32>], vector<16xf32>,
        %min3A_828 = arith.constant 8.000000e+01 : f32
        %min3A_829 = vector.broadcast %min3A_828 : f32 to vector<16xf32>
        %min3A_830 = arith.minimumf %gather3A_827, %min3A_829 : vector<16xf32>
        %exp3A_831 = math.exp %min3A_830 : vector<16xf32>
        %add3A_832 = arith.addf %add3A_805, %exp3A_831 : vector<16xf32>
        %add3A_833 = arith.constant 74 : i32
        %add3A_834 = vector.broadcast %add3A_833 : i32 to vector<16xi32>
        %add3A_835 = arith.addi %add3A_164, %add3A_834 : vector<16xi32>
        %gather3A_836 = tpu.vector_load_idx %arg10[%add3A_835] : memref<41472xf32, #tpu.memory_space<vmem>>[vector<16xi32>], vector<16xf32>,
        %min3A_837 = arith.constant 8.000000e+01 : f32
        %min3A_838 = vector.broadcast %min3A_837 : f32 to vector<16xf32>
        %min3A_839 = arith.minimumf %gather3A_836, %min3A_838 : vector<16xf32>
        %exp3A_840 = math.exp %min3A_839 : vector<16xf32>
        %add3A_841 = arith.addf %add3A_814, %exp3A_840 : vector<16xf32>
        %add3A_842 = arith.constant 75 : i32
        %add3A_843 = vector.broadcast %add3A_842 : i32 to vector<16xi32>
        %add3A_844 = arith.addi %add3A_164, %add3A_843 : vector<16xi32>
        %gather3A_845 = tpu.vector_load_idx %arg10[%add3A_844] : memref<41472xf32, #tpu.memory_space<vmem>>[vector<16xi32>], vector<16xf32>,
        %min3A_846 = arith.constant 8.000000e+01 : f32
        %min3A_847 = vector.broadcast %min3A_846 : f32 to vector<16xf32>
        %min3A_848 = arith.minimumf %gather3A_845, %min3A_847 : vector<16xf32>
        %exp3A_849 = math.exp %min3A_848 : vector<16xf32>
        %add3A_850 = arith.addf %add3A_823, %exp3A_849 : vector<16xf32>
        %add3A_851 = arith.constant 76 : i32
        %add3A_852 = vector.broadcast %add3A_851 : i32 to vector<16xi32>
        %add3A_853 = arith.addi %add3A_164, %add3A_852 : vector<16xi32>
        %gather3A_854 = tpu.vector_load_idx %arg10[%add3A_853] : memref<41472xf32, #tpu.memory_space<vmem>>[vector<16xi32>], vector<16xf32>,
        %min3A_855 = arith.constant 8.000000e+01 : f32
        %min3A_856 = vector.broadcast %min3A_855 : f32 to vector<16xf32>
        %min3A_857 = arith.minimumf %gather3A_854, %min3A_856 : vector<16xf32>
        %exp3A_858 = math.exp %min3A_857 : vector<16xf32>
        %add3A_859 = arith.addf %add3A_832, %exp3A_858 : vector<16xf32>
        %add3A_860 = arith.constant 77 : i32
        %add3A_861 = vector.broadcast %add3A_860 : i32 to vector<16xi32>
        %add3A_862 = arith.addi %add3A_164, %add3A_861 : vector<16xi32>
        %gather3A_863 = tpu.vector_load_idx %arg10[%add3A_862] : memref<41472xf32, #tpu.memory_space<vmem>>[vector<16xi32>], vector<16xf32>,
        %min3A_864 = arith.constant 8.000000e+01 : f32
        %min3A_865 = vector.broadcast %min3A_864 : f32 to vector<16xf32>
        %min3A_866 = arith.minimumf %gather3A_863, %min3A_865 : vector<16xf32>
        %exp3A_867 = math.exp %min3A_866 : vector<16xf32>
        %add3A_868 = arith.addf %add3A_841, %exp3A_867 : vector<16xf32>
        %add3A_869 = arith.constant 78 : i32
        %add3A_870 = vector.broadcast %add3A_869 : i32 to vector<16xi32>
        %add3A_871 = arith.addi %add3A_164, %add3A_870 : vector<16xi32>
        %gather3A_872 = tpu.vector_load_idx %arg10[%add3A_871] : memref<41472xf32, #tpu.memory_space<vmem>>[vector<16xi32>], vector<16xf32>,
        %min3A_873 = arith.constant 8.000000e+01 : f32
        %min3A_874 = vector.broadcast %min3A_873 : f32 to vector<16xf32>
        %min3A_875 = arith.minimumf %gather3A_872, %min3A_874 : vector<16xf32>
        %exp3A_876 = math.exp %min3A_875 : vector<16xf32>
        %add3A_877 = arith.addf %add3A_850, %exp3A_876 : vector<16xf32>
        %add3A_878 = arith.constant 79 : i32
        %add3A_879 = vector.broadcast %add3A_878 : i32 to vector<16xi32>
        %add3A_880 = arith.addi %add3A_164, %add3A_879 : vector<16xi32>
        %gather3A_881 = tpu.vector_load_idx %arg10[%add3A_880] : memref<41472xf32, #tpu.memory_space<vmem>>[vector<16xi32>], vector<16xf32>,
        %min3A_882 = arith.constant 8.000000e+01 : f32
        %min3A_883 = vector.broadcast %min3A_882 : f32 to vector<16xf32>
        %min3A_884 = arith.minimumf %gather3A_881, %min3A_883 : vector<16xf32>
        %exp3A_885 = math.exp %min3A_884 : vector<16xf32>
        %add3A_886 = arith.addf %add3A_859, %exp3A_885 : vector<16xf32>
        %add3A_887 = arith.constant 80 : i32
        %add3A_888 = vector.broadcast %add3A_887 : i32 to vector<16xi32>
        %add3A_889 = arith.addi %add3A_164, %add3A_888 : vector<16xi32>
        %gather3A_890 = tpu.vector_load_idx %arg10[%add3A_889] : memref<41472xf32, #tpu.memory_space<vmem>>[vector<16xi32>], vector<16xf32>,
        %min3A_891 = arith.constant 8.000000e+01 : f32
        %min3A_892 = vector.broadcast %min3A_891 : f32 to vector<16xf32>
        %min3A_893 = arith.minimumf %gather3A_890, %min3A_892 : vector<16xf32>
        %exp3A_894 = math.exp %min3A_893 : vector<16xf32>
        %add3A_895 = arith.addf %add3A_868, %exp3A_894 : vector<16xf32>
        %add3A_896 = arith.addf %add3A_877, %add3A_886 : vector<16xf32>
        %add3A_897 = arith.addf %add3A_896, %add3A_895 : vector<16xf32>
        %mul3A_898 = arith.constant 6 : i32
        %mul3A_899 = vector.broadcast %mul3A_898 : i32 to vector<16xi32>
        %mul3A_900 = arith.muli %iota3A, %mul3A_899 : vector<16xi32>
        %mul3A_901 = arith.constant 6 : i32
        %mul3A_902 = arith.muli %mul3A_157, %mul3A_901 : i32
        %add3A_903 = vector.broadcast %mul3A_902 : i32 to vector<16xi32>
        %add3A_904 = arith.addi %mul3A_900, %add3A_903 : vector<16xi32>
        %add3A_905 = arith.constant 4 : i32
        %add3A_906 = vector.broadcast %add3A_905 : i32 to vector<16xi32>
        %add3A_907 = arith.addi %add3A_904, %add3A_906 : vector<16xi32>
        %gather3A_908 = tpu.vector_load_idx %arg14[%add3A_907] : memref<3072xf32, #tpu.memory_space<vmem>>[vector<16xi32>], vector<16xf32>,
        %convert_element_type3A_909 = arith.fptosi %gather3A_908 : vector<16xf32> to vector<16xi32>
        %add3A_910 = arith.addi %add3A_164, %convert_element_type3A_909 : vector<16xi32>
        %gather3A_911 = tpu.vector_load_idx %arg10[%add3A_910] : memref<41472xf32, #tpu.memory_space<vmem>>[vector<16xi32>], vector<16xf32>,
        %broadcast_in_dim3A_912 = arith.constant 0.000000e+00 : f32
        %broadcast_in_dim3A_913 = vector.broadcast %broadcast_in_dim3A_912 : f32 to vector<16xf32>
        %mul3A_914 = arith.constant 4 : i32
        %mul3A_915 = vector.broadcast %mul3A_914 : i32 to vector<16xi32>
        %mul3A_916 = arith.muli %iota3A, %mul3A_915 : vector<16xi32>
        %mul3A_917 = arith.constant 4 : i32
        %mul3A_918 = arith.muli %mul3A_157, %mul3A_917 : i32
        %add3A_919 = vector.broadcast %mul3A_918 : i32 to vector<16xi32>
        %add3A_920 = arith.addi %mul3A_916, %add3A_919 : vector<16xi32>
        %add3A_921 = arith.constant 0 : i32
        %add3A_922 = vector.broadcast %add3A_921 : i32 to vector<16xi32>
        %add3A_923 = arith.addi %add3A_920, %add3A_922 : vector<16xi32>
        %gather3A_924 = tpu.vector_load_idx %arg12[%add3A_923] : memref<2048xf32, #tpu.memory_space<vmem>>[vector<16xi32>], vector<16xf32>,
        %add3A_925 = arith.constant 0 : i32
        %add3A_926 = vector.broadcast %add3A_925 : i32 to vector<16xi32>
        %add3A_927 = arith.addi %add3A_904, %add3A_926 : vector<16xi32>
        %gather3A_928 = tpu.vector_load_idx %arg14[%add3A_927] : memref<3072xf32, #tpu.memory_space<vmem>>[vector<16xi32>], vector<16xf32>,
        %sub3A = arith.subf %gather3A_924, %gather3A_928 : vector<16xf32>
        %abs3A = math.absf %sub3A : vector<16xf32>
        %lt3A_929 = arith.constant 1.000000e+00 : f32
        %lt3A_930 = vector.broadcast %lt3A_929 : f32 to vector<16xf32>
        %lt3A_931 = arith.cmpf olt, %abs3A, %lt3A_930 : vector<16xf32>
        %mul3A_932 = arith.constant 5.000000e-01 : f32
        %mul3A_933 = vector.broadcast %mul3A_932 : f32 to vector<16xf32>
        %mul3A_934 = arith.mulf %mul3A_933, %sub3A : vector<16xf32>
        %mul3A_935 = arith.mulf %mul3A_934, %sub3A : vector<16xf32>
        %sub3A_936 = arith.constant 5.000000e-01 : f32
        %sub3A_937 = vector.broadcast %sub3A_936 : f32 to vector<16xf32>
        %sub3A_938 = arith.subf %abs3A, %sub3A_937 : vector<16xf32>
        %select_n3A = arith.select %lt3A_931, %mul3A_935, %sub3A_938 : vector<16xi1>, vector<16xf32>
        %add3A_939 = arith.addf %broadcast_in_dim3A_913, %select_n3A : vector<16xf32>
        %add3A_940 = arith.constant 1 : i32
        %add3A_941 = vector.broadcast %add3A_940 : i32 to vector<16xi32>
        %add3A_942 = arith.addi %add3A_920, %add3A_941 : vector<16xi32>
        %gather3A_943 = tpu.vector_load_idx %arg12[%add3A_942] : memref<2048xf32, #tpu.memory_space<vmem>>[vector<16xi32>], vector<16xf32>,
        %add3A_944 = arith.constant 1 : i32
        %add3A_945 = vector.broadcast %add3A_944 : i32 to vector<16xi32>
        %add3A_946 = arith.addi %add3A_904, %add3A_945 : vector<16xi32>
        %gather3A_947 = tpu.vector_load_idx %arg14[%add3A_946] : memref<3072xf32, #tpu.memory_space<vmem>>[vector<16xi32>], vector<16xf32>,
        %sub3A_948 = arith.subf %gather3A_943, %gather3A_947 : vector<16xf32>
        %abs3A_949 = math.absf %sub3A_948 : vector<16xf32>
        %lt3A_950 = arith.constant 1.000000e+00 : f32
        %lt3A_951 = vector.broadcast %lt3A_950 : f32 to vector<16xf32>
        %lt3A_952 = arith.cmpf olt, %abs3A_949, %lt3A_951 : vector<16xf32>
        %mul3A_953 = arith.constant 5.000000e-01 : f32
        %mul3A_954 = vector.broadcast %mul3A_953 : f32 to vector<16xf32>
        %mul3A_955 = arith.mulf %mul3A_954, %sub3A_948 : vector<16xf32>
        %mul3A_956 = arith.mulf %mul3A_955, %sub3A_948 : vector<16xf32>
        %sub3A_957 = arith.constant 5.000000e-01 : f32
        %sub3A_958 = vector.broadcast %sub3A_957 : f32 to vector<16xf32>
        %sub3A_959 = arith.subf %abs3A_949, %sub3A_958 : vector<16xf32>
        %select_n3A_960 = arith.select %lt3A_952, %mul3A_956, %sub3A_959 : vector<16xi1>, vector<16xf32>
        %add3A_961 = arith.addf %add3A_939, %select_n3A_960 : vector<16xf32>
        %add3A_962 = arith.constant 2 : i32
        %add3A_963 = vector.broadcast %add3A_962 : i32 to vector<16xi32>
        %add3A_964 = arith.addi %add3A_920, %add3A_963 : vector<16xi32>
        %gather3A_965 = tpu.vector_load_idx %arg12[%add3A_964] : memref<2048xf32, #tpu.memory_space<vmem>>[vector<16xi32>], vector<16xf32>,
        %add3A_966 = arith.constant 2 : i32
        %add3A_967 = vector.broadcast %add3A_966 : i32 to vector<16xi32>
        %add3A_968 = arith.addi %add3A_904, %add3A_967 : vector<16xi32>
        %gather3A_969 = tpu.vector_load_idx %arg14[%add3A_968] : memref<3072xf32, #tpu.memory_space<vmem>>[vector<16xi32>], vector<16xf32>,
        %sub3A_970 = arith.subf %gather3A_965, %gather3A_969 : vector<16xf32>
        %abs3A_971 = math.absf %sub3A_970 : vector<16xf32>
        %lt3A_972 = arith.constant 1.000000e+00 : f32
        %lt3A_973 = vector.broadcast %lt3A_972 : f32 to vector<16xf32>
        %lt3A_974 = arith.cmpf olt, %abs3A_971, %lt3A_973 : vector<16xf32>
        %mul3A_975 = arith.constant 5.000000e-01 : f32
        %mul3A_976 = vector.broadcast %mul3A_975 : f32 to vector<16xf32>
        %mul3A_977 = arith.mulf %mul3A_976, %sub3A_970 : vector<16xf32>
        %mul3A_978 = arith.mulf %mul3A_977, %sub3A_970 : vector<16xf32>
        %sub3A_979 = arith.constant 5.000000e-01 : f32
        %sub3A_980 = vector.broadcast %sub3A_979 : f32 to vector<16xf32>
        %sub3A_981 = arith.subf %abs3A_971, %sub3A_980 : vector<16xf32>
        %select_n3A_982 = arith.select %lt3A_974, %mul3A_978, %sub3A_981 : vector<16xi1>, vector<16xf32>
        %add3A_983 = arith.addf %add3A_961, %select_n3A_982 : vector<16xf32>
        %add3A_984 = arith.constant 3 : i32
        %add3A_985 = vector.broadcast %add3A_984 : i32 to vector<16xi32>
        %add3A_986 = arith.addi %add3A_920, %add3A_985 : vector<16xi32>
        %gather3A_987 = tpu.vector_load_idx %arg12[%add3A_986] : memref<2048xf32, #tpu.memory_space<vmem>>[vector<16xi32>], vector<16xf32>,
        %add3A_988 = arith.constant 3 : i32
        %add3A_989 = vector.broadcast %add3A_988 : i32 to vector<16xi32>
        %add3A_990 = arith.addi %add3A_904, %add3A_989 : vector<16xi32>
        %gather3A_991 = tpu.vector_load_idx %arg14[%add3A_990] : memref<3072xf32, #tpu.memory_space<vmem>>[vector<16xi32>], vector<16xf32>,
        %sub3A_992 = arith.subf %gather3A_987, %gather3A_991 : vector<16xf32>
        %abs3A_993 = math.absf %sub3A_992 : vector<16xf32>
        %lt3A_994 = arith.constant 1.000000e+00 : f32
        %lt3A_995 = vector.broadcast %lt3A_994 : f32 to vector<16xf32>
        %lt3A_996 = arith.cmpf olt, %abs3A_993, %lt3A_995 : vector<16xf32>
        %mul3A_997 = arith.constant 5.000000e-01 : f32
        %mul3A_998 = vector.broadcast %mul3A_997 : f32 to vector<16xf32>
        %mul3A_999 = arith.mulf %mul3A_998, %sub3A_992 : vector<16xf32>
        %mul3A_1000 = arith.mulf %mul3A_999, %sub3A_992 : vector<16xf32>
        %sub3A_1001 = arith.constant 5.000000e-01 : f32
        %sub3A_1002 = vector.broadcast %sub3A_1001 : f32 to vector<16xf32>
        %sub3A_1003 = arith.subf %abs3A_993, %sub3A_1002 : vector<16xf32>
        %select_n3A_1004 = arith.select %lt3A_996, %mul3A_1000, %sub3A_1003 : vector<16xi1>, vector<16xf32>
        %add3A_1005 = arith.addf %add3A_983, %select_n3A_1004 : vector<16xf32>
        %gt3A_1006 = arith.constant 0 : i32
        %gt3A_1007 = vector.broadcast %gt3A_1006 : i32 to vector<16xi32>
        %gt3A_1008 = arith.cmpi sgt, %convert_element_type3A_909, %gt3A_1007 : vector<16xi32>
        %jit3A = arith.constant 0.000000e+00 : f32
        %broadcast_in_dim3A_1009 = vector.broadcast %jit3A : f32 to vector<16xf32>
        %select_n3A_1010 = arith.select %gt3A_1008, %add3A_1005, %broadcast_in_dim3A_1009 : vector<16xi1>, vector<16xf32>
        %swap3A = arith.index_cast %mul3A_157 : i32 to index
        %swap3A_1011 = tpu.vector_load %arg19[%swap3A] {strides = array<i32>} : memref<512xf32, #tpu.memory_space<vmem>>, vector<16xf32>,
        tpu.vector_store %arg19[%swap3A], %add3A_897 {strides = array<i32>} : memref<512xf32, #tpu.memory_space<vmem>>, vector<16xf32>,
        %neg3A = arith.constant 0.000000e+00 : f32
        %neg3A_1012 = vector.broadcast %neg3A : f32 to vector<16xf32>
        %neg3A_1013 = arith.subf %neg3A_1012, %gather3A_911 : vector<16xf32>
        %swap3A_1014 = arith.index_cast %mul3A_157 : i32 to index
        %swap3A_1015 = tpu.vector_load %arg20[%swap3A_1014] {strides = array<i32>} : memref<512xf32, #tpu.memory_space<vmem>>, vector<16xf32>,
        tpu.vector_store %arg20[%swap3A_1014], %neg3A_1013 {strides = array<i32>} : memref<512xf32, #tpu.memory_space<vmem>>, vector<16xf32>,
        %swap3A_1016 = arith.index_cast %mul3A_157 : i32 to index
        %swap3A_1017 = tpu.vector_load %arg21[%swap3A_1016] {strides = array<i32>} : memref<512xf32, #tpu.memory_space<vmem>>, vector<16xf32>,
        tpu.vector_store %arg21[%swap3A_1016], %gather3A_908 {strides = array<i32>} : memref<512xf32, #tpu.memory_space<vmem>>, vector<16xf32>,
        %swap3A_1018 = arith.index_cast %mul3A_157 : i32 to index
        %swap3A_1019 = tpu.vector_load %arg22[%swap3A_1018] {strides = array<i32>} : memref<512xf32, #tpu.memory_space<vmem>>, vector<16xf32>,
        tpu.vector_store %arg22[%swap3A_1018], %select_n3A_1010 {strides = array<i32>} : memref<512xf32, #tpu.memory_space<vmem>>, vector<16xf32>,
      }
      %scan3A_139 = arith.constant 32 : i32
      %add3A_140 = arith.constant 1 : i32
      %add3A_141 = arith.addi %mul3A_46, %add3A_140 : i32
      %mul3A_142 = arith.constant 12288 : i32
      %mul3A_143 = arith.muli %add3A, %mul3A_142 : i32
      %mul3A_144 = arith.constant 512 : i32
      %mul3A_145 = arith.muli %add3A_141, %mul3A_144 : i32
      %add3A_146 = arith.addi %mul3A_143, %mul3A_145 : i32
      %dma_start3A_147 = tpu.memref_slice %arg5[%add3A_146] : memref<393216xf32, #tpu.memory_space<hbm>> -> memref<512xf32, #tpu.memory_space<hbm>>
      %dma_start3A_148 = tpu.memref_slice %arg5[%add3A_146] : memref<393216xf32, #tpu.memory_space<hbm>> -> memref<512xf32, #tpu.memory_space<hbm>>
      tpu.enqueue_dma source(%arg19 : memref<512xf32, #tpu.memory_space<vmem>>) target(%dma_start3A_148 : memref<512xf32, #tpu.memory_space<hbm>>) target_semaphore(%arg30 : memref<!tpu.dma_semaphore, #tpu.memory_space<semaphore_mem>>)
      %dma_start3A_149 = tpu.memref_slice %arg6[%add3A_146] : memref<393216xf32, #tpu.memory_space<hbm>> -> memref<512xf32, #tpu.memory_space<hbm>>
      %dma_start3A_150 = tpu.memref_slice %arg6[%add3A_146] : memref<393216xf32, #tpu.memory_space<hbm>> -> memref<512xf32, #tpu.memory_space<hbm>>
      tpu.enqueue_dma source(%arg20 : memref<512xf32, #tpu.memory_space<vmem>>) target(%dma_start3A_150 : memref<512xf32, #tpu.memory_space<hbm>>) target_semaphore(%arg30 : memref<!tpu.dma_semaphore, #tpu.memory_space<semaphore_mem>>)
      %dma_start3A_151 = tpu.memref_slice %arg7[%add3A_146] : memref<393216xf32, #tpu.memory_space<hbm>> -> memref<512xf32, #tpu.memory_space<hbm>>
      %dma_start3A_152 = tpu.memref_slice %arg7[%add3A_146] : memref<393216xf32, #tpu.memory_space<hbm>> -> memref<512xf32, #tpu.memory_space<hbm>>
      tpu.enqueue_dma source(%arg21 : memref<512xf32, #tpu.memory_space<vmem>>) target(%dma_start3A_152 : memref<512xf32, #tpu.memory_space<hbm>>) target_semaphore(%arg30 : memref<!tpu.dma_semaphore, #tpu.memory_space<semaphore_mem>>)
      %dma_start3A_153 = tpu.memref_slice %arg8[%add3A_146] : memref<393216xf32, #tpu.memory_space<hbm>> -> memref<512xf32, #tpu.memory_space<hbm>>
      %dma_start3A_154 = tpu.memref_slice %arg8[%add3A_146] : memref<393216xf32, #tpu.memory_space<hbm>> -> memref<512xf32, #tpu.memory_space<hbm>>
      tpu.enqueue_dma source(%arg22 : memref<512xf32, #tpu.memory_space<vmem>>) target(%dma_start3A_154 : memref<512xf32, #tpu.memory_space<hbm>>) target_semaphore(%arg30 : memref<!tpu.dma_semaphore, #tpu.memory_space<semaphore_mem>>)
    }
    %scan3A_20 = arith.constant 12 : i32
    %mul3A_21 = arith.constant 12288 : i32
    %mul3A_22 = arith.muli %add3A, %mul3A_21 : i32
    %add3A_23 = arith.constant 11264 : i32
    %add3A_24 = arith.addi %mul3A_22, %add3A_23 : i32
    %dma_wait3A = tpu.memref_slice %arg5[%add3A_24] : memref<393216xf32, #tpu.memory_space<hbm>> -> memref<512xf32, #tpu.memory_space<hbm>>
    %dma_wait3A_25 = tpu.memref_slice %arg5[%add3A_24] : memref<393216xf32, #tpu.memory_space<hbm>> -> memref<512xf32, #tpu.memory_space<hbm>>
    tpu.wait_dma2 semaphore(%arg29 : memref<!tpu.dma_semaphore, #tpu.memory_space<semaphore_mem>>) src(%arg15 : memref<512xf32, #tpu.memory_space<vmem>>) dst(%dma_wait3A_25 : memref<512xf32, #tpu.memory_space<hbm>>)
    %dma_wait3A_26 = tpu.memref_slice %arg6[%add3A_24] : memref<393216xf32, #tpu.memory_space<hbm>> -> memref<512xf32, #tpu.memory_space<hbm>>
    %dma_wait3A_27 = tpu.memref_slice %arg6[%add3A_24] : memref<393216xf32, #tpu.memory_space<hbm>> -> memref<512xf32, #tpu.memory_space<hbm>>
    tpu.wait_dma2 semaphore(%arg29 : memref<!tpu.dma_semaphore, #tpu.memory_space<semaphore_mem>>) src(%arg16 : memref<512xf32, #tpu.memory_space<vmem>>) dst(%dma_wait3A_27 : memref<512xf32, #tpu.memory_space<hbm>>)
    %dma_wait3A_28 = tpu.memref_slice %arg7[%add3A_24] : memref<393216xf32, #tpu.memory_space<hbm>> -> memref<512xf32, #tpu.memory_space<hbm>>
    %dma_wait3A_29 = tpu.memref_slice %arg7[%add3A_24] : memref<393216xf32, #tpu.memory_space<hbm>> -> memref<512xf32, #tpu.memory_space<hbm>>
    tpu.wait_dma2 semaphore(%arg29 : memref<!tpu.dma_semaphore, #tpu.memory_space<semaphore_mem>>) src(%arg17 : memref<512xf32, #tpu.memory_space<vmem>>) dst(%dma_wait3A_29 : memref<512xf32, #tpu.memory_space<hbm>>)
    %dma_wait3A_30 = tpu.memref_slice %arg8[%add3A_24] : memref<393216xf32, #tpu.memory_space<hbm>> -> memref<512xf32, #tpu.memory_space<hbm>>
    %dma_wait3A_31 = tpu.memref_slice %arg8[%add3A_24] : memref<393216xf32, #tpu.memory_space<hbm>> -> memref<512xf32, #tpu.memory_space<hbm>>
    tpu.wait_dma2 semaphore(%arg29 : memref<!tpu.dma_semaphore, #tpu.memory_space<semaphore_mem>>) src(%arg18 : memref<512xf32, #tpu.memory_space<vmem>>) dst(%dma_wait3A_31 : memref<512xf32, #tpu.memory_space<hbm>>)
    %mul3A_32 = arith.constant 12288 : i32
    %mul3A_33 = arith.muli %add3A, %mul3A_32 : i32
    %add3A_34 = arith.constant 11776 : i32
    %add3A_35 = arith.addi %mul3A_33, %add3A_34 : i32
    %dma_wait3A_36 = tpu.memref_slice %arg5[%add3A_35] : memref<393216xf32, #tpu.memory_space<hbm>> -> memref<512xf32, #tpu.memory_space<hbm>>
    %dma_wait3A_37 = tpu.memref_slice %arg5[%add3A_35] : memref<393216xf32, #tpu.memory_space<hbm>> -> memref<512xf32, #tpu.memory_space<hbm>>
    tpu.wait_dma2 semaphore(%arg30 : memref<!tpu.dma_semaphore, #tpu.memory_space<semaphore_mem>>) src(%arg19 : memref<512xf32, #tpu.memory_space<vmem>>) dst(%dma_wait3A_37 : memref<512xf32, #tpu.memory_space<hbm>>)
    %dma_wait3A_38 = tpu.memref_slice %arg6[%add3A_35] : memref<393216xf32, #tpu.memory_space<hbm>> -> memref<512xf32, #tpu.memory_space<hbm>>
    %dma_wait3A_39 = tpu.memref_slice %arg6[%add3A_35] : memref<393216xf32, #tpu.memory_space<hbm>> -> memref<512xf32, #tpu.memory_space<hbm>>
    tpu.wait_dma2 semaphore(%arg30 : memref<!tpu.dma_semaphore, #tpu.memory_space<semaphore_mem>>) src(%arg20 : memref<512xf32, #tpu.memory_space<vmem>>) dst(%dma_wait3A_39 : memref<512xf32, #tpu.memory_space<hbm>>)
    %dma_wait3A_40 = tpu.memref_slice %arg7[%add3A_35] : memref<393216xf32, #tpu.memory_space<hbm>> -> memref<512xf32, #tpu.memory_space<hbm>>
    %dma_wait3A_41 = tpu.memref_slice %arg7[%add3A_35] : memref<393216xf32, #tpu.memory_space<hbm>> -> memref<512xf32, #tpu.memory_space<hbm>>
    tpu.wait_dma2 semaphore(%arg30 : memref<!tpu.dma_semaphore, #tpu.memory_space<semaphore_mem>>) src(%arg21 : memref<512xf32, #tpu.memory_space<vmem>>) dst(%dma_wait3A_41 : memref<512xf32, #tpu.memory_space<hbm>>)
    %dma_wait3A_42 = tpu.memref_slice %arg8[%add3A_35] : memref<393216xf32, #tpu.memory_space<hbm>> -> memref<512xf32, #tpu.memory_space<hbm>>
    %dma_wait3A_43 = tpu.memref_slice %arg8[%add3A_35] : memref<393216xf32, #tpu.memory_space<hbm>> -> memref<512xf32, #tpu.memory_space<hbm>>
    tpu.wait_dma2 semaphore(%arg30 : memref<!tpu.dma_semaphore, #tpu.memory_space<semaphore_mem>>) src(%arg22 : memref<512xf32, #tpu.memory_space<vmem>>) dst(%dma_wait3A_43 : memref<512xf32, #tpu.memory_space<hbm>>)
    return
  }
}

module attributes {stable_mosaic.version = 14 : i64} {
  func.func @_tc_finish(%arg0: memref<16x24576xf32, #tpu.memory_space<vmem>>, %arg1: memref<16x24576xf32, #tpu.memory_space<vmem>>, %arg2: memref<16x24576xf32, #tpu.memory_space<vmem>>, %arg3: memref<16x24576xf32, #tpu.memory_space<vmem>>, %arg4: memref<1x128xf32, #tpu.memory_space<vmem>>) attributes {dimension_semantics = [], scalar_prefetch = 0 : i64, scratch_operands = 0 : i64, tpu.core_type = #tpu.core_type<tc>} {
    %get3A = arith.constant 0 : index
    %get3A_0 = arith.constant 0 : index
    %get3A_1 = vector.load %arg0[%get3A, %get3A_0] : memref<16x24576xf32, #tpu.memory_space<vmem>>, vector<16x24576xf32>
    %get3A_2 = arith.constant 0 : index
    %get3A_3 = arith.constant 0 : index
    %get3A_4 = vector.load %arg1[%get3A_2, %get3A_3] : memref<16x24576xf32, #tpu.memory_space<vmem>>, vector<16x24576xf32>
    %log3A = math.log %get3A_1 : vector<16x24576xf32>
    %add3A = arith.addf %get3A_4, %log3A : vector<16x24576xf32>
    %get3A_5 = arith.constant 0 : index
    %get3A_6 = arith.constant 0 : index
    %get3A_7 = vector.load %arg2[%get3A_5, %get3A_6] : memref<16x24576xf32, #tpu.memory_space<vmem>>, vector<16x24576xf32>
    %gt3A = arith.constant 0.000000e+00 : f32
    %gt3A_8 = vector.broadcast %gt3A : f32 to vector<16x24576xf32>
    %gt3A_9 = arith.cmpf ogt, %get3A_7, %gt3A_8 : vector<16x24576xf32>
    %jit3A = arith.constant 0xFF800000 : f32
    %broadcast_in_dim3A = vector.broadcast %jit3A : f32 to vector<16x24576xf32>
    %select_n3A = arith.select %gt3A_9, %broadcast_in_dim3A, %add3A : vector<16x24576xi1>, vector<16x24576xf32>
    %convert_element_type3A = arith.extui %gt3A_9 : vector<16x24576xi1> to vector<16x24576xi32>
    %convert_element_type3A_10 = arith.sitofp %convert_element_type3A : vector<16x24576xi32> to vector<16x24576xf32>
    %reduce_sum3A = arith.constant dense<0.000000e+00> : vector<16xf32>
    %reduce_sum3A_11 = vector.multi_reduction <add>, %convert_element_type3A_10, %reduce_sum3A [1] : vector<16x24576xf32> to vector<16xf32>
    %broadcast_in_dim3A_12 = vector.shape_cast %reduce_sum3A_11 : vector<16xf32> to vector<16x1xf32>
    %mul3A = arith.constant 3.000000e+00 : f32
    %mul3A_13 = vector.broadcast %mul3A : f32 to vector<16x1xf32>
    %mul3A_14 = arith.mulf %mul3A_13, %broadcast_in_dim3A_12 : vector<16x1xf32>
    %sub3A = arith.constant 2.457600e+04 : f32
    %sub3A_15 = vector.broadcast %sub3A : f32 to vector<16x1xf32>
    %sub3A_16 = arith.subf %sub3A_15, %broadcast_in_dim3A_12 : vector<16x1xf32>
    %min3A = arith.minimumf %mul3A_14, %sub3A_16 : vector<16x1xf32>
    %bitcast_convert_type3A = tpu.bitcast %select_n3A : vector<16x24576xf32> -> vector<16x24576xi32>
    %ge3A = arith.constant 0 : i32
    %ge3A_17 = vector.broadcast %ge3A : i32 to vector<16x24576xi32>
    %ge3A_18 = arith.cmpi sge, %bitcast_convert_type3A, %ge3A_17 : vector<16x24576xi32>
    %sub3A_19 = arith.constant -2147483648 : i32
    %sub3A_20 = vector.broadcast %sub3A_19 : i32 to vector<16x24576xi32>
    %sub3A_21 = arith.subi %sub3A_20, %bitcast_convert_type3A : vector<16x24576xi32>
    %select_n3A_22 = arith.select %ge3A_18, %bitcast_convert_type3A, %sub3A_21 : vector<16x24576xi1>, vector<16x24576xi32>
    %broadcast_in_dim3A_23 = arith.constant -2139095041 : i32
    %broadcast_in_dim3A_24 = vector.broadcast %broadcast_in_dim3A_23 : i32 to vector<16x1xi32>
    %broadcast_in_dim3A_25 = arith.constant 2139095040 : i32
    %broadcast_in_dim3A_26 = vector.broadcast %broadcast_in_dim3A_25 : i32 to vector<16x1xi32>
    %scan3A = arith.constant 0 : i32
    %scan3A_27 = arith.constant 32 : i32
    %scan3A_28 = arith.addi %scan3A, %scan3A_27 : i32
    %scan3A_29 = arith.constant 1 : i32
    %scan3A_30:2 = scf.for %scan3A_108 = %scan3A to %scan3A_28 step %scan3A_29 iter_args(%scan3A_109 = %broadcast_in_dim3A_24, %scan3A_110 = %broadcast_in_dim3A_26) -> (vector<16x1xi32>, vector<16x1xi32>)  : i32 {
      %shift_right_arithmetic3A = arith.constant 1 : i32
      %shift_right_arithmetic3A_111 = vector.broadcast %shift_right_arithmetic3A : i32 to vector<16x1xi32>
      %shift_right_arithmetic3A_112 = arith.shrsi %scan3A_109, %shift_right_arithmetic3A_111 : vector<16x1xi32>
      %shift_right_arithmetic3A_113 = arith.constant 1 : i32
      %shift_right_arithmetic3A_114 = vector.broadcast %shift_right_arithmetic3A_113 : i32 to vector<16x1xi32>
      %shift_right_arithmetic3A_115 = arith.shrsi %scan3A_110, %shift_right_arithmetic3A_114 : vector<16x1xi32>
      %add3A_116 = arith.addi %shift_right_arithmetic3A_112, %shift_right_arithmetic3A_115 : vector<16x1xi32>
      %or3A = arith.ori %scan3A_109, %scan3A_110 : vector<16x1xi32>
      %and3A = arith.constant 1 : i32
      %and3A_117 = vector.broadcast %and3A : i32 to vector<16x1xi32>
      %and3A_118 = arith.andi %or3A, %and3A_117 : vector<16x1xi32>
      %add3A_119 = arith.addi %add3A_116, %and3A_118 : vector<16x1xi32>
      %ge3A_120 = vector.broadcast %add3A_119 : vector<16x1xi32> to vector<16x24576xi32>
      %ge3A_121 = arith.cmpi sge, %select_n3A_22, %ge3A_120 : vector<16x24576xi32>
      %convert_element_type3A_122 = arith.extui %ge3A_121 : vector<16x24576xi1> to vector<16x24576xi32>
      %convert_element_type3A_123 = arith.sitofp %convert_element_type3A_122 : vector<16x24576xi32> to vector<16x24576xf32>
      %reduce_sum3A_124 = arith.constant dense<0.000000e+00> : vector<16xf32>
      %reduce_sum3A_125 = vector.multi_reduction <add>, %convert_element_type3A_123, %reduce_sum3A_124 [1] : vector<16x24576xf32> to vector<16xf32>
      %broadcast_in_dim3A_126 = vector.shape_cast %reduce_sum3A_125 : vector<16xf32> to vector<16x1xf32>
      %ge3A_127 = arith.cmpf oge, %broadcast_in_dim3A_126, %min3A : vector<16x1xf32>
      %select_n3A_128 = arith.select %ge3A_127, %add3A_119, %scan3A_109 : vector<16x1xi1>, vector<16x1xi32>
      %sub3A_129 = arith.constant 1 : i32
      %sub3A_130 = vector.broadcast %sub3A_129 : i32 to vector<16x1xi32>
      %sub3A_131 = arith.subi %add3A_119, %sub3A_130 : vector<16x1xi32>
      %select_n3A_132 = arith.select %ge3A_127, %scan3A_110, %sub3A_131 : vector<16x1xi1>, vector<16x1xi32>
      scf.yield %select_n3A_128, %select_n3A_132 : vector<16x1xi32>, vector<16x1xi32>
    }
    %gt3A_31 = vector.broadcast %scan3A_30#0 : vector<16x1xi32> to vector<16x24576xi32>
    %gt3A_32 = arith.cmpi sgt, %select_n3A_22, %gt3A_31 : vector<16x24576xi32>
    %convert_element_type3A_33 = arith.extui %gt3A_32 : vector<16x24576xi1> to vector<16x24576xi32>
    %convert_element_type3A_34 = arith.sitofp %convert_element_type3A_33 : vector<16x24576xi32> to vector<16x24576xf32>
    %reduce_sum3A_35 = arith.constant dense<0.000000e+00> : vector<16xf32>
    %reduce_sum3A_36 = vector.multi_reduction <add>, %convert_element_type3A_34, %reduce_sum3A_35 [1] : vector<16x24576xf32> to vector<16xf32>
    %broadcast_in_dim3A_37 = vector.shape_cast %reduce_sum3A_36 : vector<16xf32> to vector<16x1xf32>
    %jit3A_38 = arith.constant 0.000000e+00 : f32
    %broadcast_in_dim3A_39 = vector.broadcast %jit3A_38 : f32 to vector<16x24576xf32>
    %select_n3A_40 = arith.select %gt3A_32, %select_n3A, %broadcast_in_dim3A_39 : vector<16x24576xi1>, vector<16x24576xf32>
    %reduce_sum3A_41 = arith.constant dense<0.000000e+00> : vector<16xf32>
    %reduce_sum3A_42 = vector.multi_reduction <add>, %select_n3A_40, %reduce_sum3A_41 [1] : vector<16x24576xf32> to vector<16xf32>
    %broadcast_in_dim3A_43 = vector.shape_cast %reduce_sum3A_42 : vector<16xf32> to vector<16x1xf32>
    %eq3A = vector.broadcast %scan3A_30#0 : vector<16x1xi32> to vector<16x24576xi32>
    %eq3A_44 = arith.cmpi eq, %select_n3A_22, %eq3A : vector<16x24576xi32>
    %jit3A_45 = arith.constant 0xFF800000 : f32
    %broadcast_in_dim3A_46 = vector.broadcast %jit3A_45 : f32 to vector<16x24576xf32>
    %select_n3A_47 = arith.select %eq3A_44, %select_n3A, %broadcast_in_dim3A_46 : vector<16x24576xi1>, vector<16x24576xf32>
    %reduce_max3A = arith.constant dense<0xFF800000> : vector<16xf32>
    %reduce_max3A_48 = vector.multi_reduction <maximumf>, %select_n3A_47, %reduce_max3A [1] : vector<16x24576xf32> to vector<16xf32>
    %broadcast_in_dim3A_49 = vector.shape_cast %reduce_max3A_48 : vector<16xf32> to vector<16x1xf32>
    %gt3A_50 = arith.constant 0.000000e+00 : f32
    %gt3A_51 = vector.broadcast %gt3A_50 : f32 to vector<16x1xf32>
    %gt3A_52 = arith.cmpf ogt, %min3A, %gt3A_51 : vector<16x1xf32>
    %sub3A_53 = arith.subf %min3A, %broadcast_in_dim3A_37 : vector<16x1xf32>
    %mul3A_54 = arith.mulf %broadcast_in_dim3A_49, %sub3A_53 : vector<16x1xf32>
    %add3A_55 = arith.addf %broadcast_in_dim3A_43, %mul3A_54 : vector<16x1xf32>
    %jit3A_56 = arith.constant 0.000000e+00 : f32
    %broadcast_in_dim3A_57 = vector.broadcast %jit3A_56 : f32 to vector<16x1xf32>
    %select_n3A_58 = arith.select %gt3A_52, %add3A_55, %broadcast_in_dim3A_57 : vector<16x1xi1>, vector<16x1xf32>
    %reduce_sum3A_59 = vector.shape_cast %broadcast_in_dim3A_12 : vector<16x1xf32> to vector<1x16x1xf32>
    %reduce_sum3A_60 = arith.constant dense<0.000000e+00> : vector<1xf32>
    %reduce_sum3A_61 = vector.multi_reduction <add>, %reduce_sum3A_59, %reduce_sum3A_60 [1, 2] : vector<1x16x1xf32> to vector<1xf32>
    %reduce_sum3A_62 = vector.shape_cast %reduce_sum3A_61 : vector<1xf32> to vector<1x1x1xf32>
    %reduce_sum3A_63 = vector.extract %reduce_sum3A_62[0, 0, 0] : f32 from vector<1x1x1xf32>
    %jit3A_64 = arith.constant 0.000000e+00 : f32
    %broadcast_in_dim3A_65 = vector.broadcast %jit3A_64 : f32 to vector<16x24576xf32>
    %select_n3A_66 = arith.select %gt3A_9, %add3A, %broadcast_in_dim3A_65 : vector<16x24576xi1>, vector<16x24576xf32>
    %reduce_sum3A_67 = vector.shape_cast %select_n3A_66 : vector<16x24576xf32> to vector<1x16x24576xf32>
    %reduce_sum3A_68 = arith.constant dense<0.000000e+00> : vector<1xf32>
    %reduce_sum3A_69 = vector.multi_reduction <add>, %reduce_sum3A_67, %reduce_sum3A_68 [1, 2] : vector<1x16x24576xf32> to vector<1xf32>
    %reduce_sum3A_70 = vector.shape_cast %reduce_sum3A_69 : vector<1xf32> to vector<1x1x1xf32>
    %reduce_sum3A_71 = vector.extract %reduce_sum3A_70[0, 0, 0] : f32 from vector<1x1x1xf32>
    %reduce_sum3A_72 = vector.shape_cast %select_n3A_58 : vector<16x1xf32> to vector<1x16x1xf32>
    %reduce_sum3A_73 = arith.constant dense<0.000000e+00> : vector<1xf32>
    %reduce_sum3A_74 = vector.multi_reduction <add>, %reduce_sum3A_72, %reduce_sum3A_73 [1, 2] : vector<1x16x1xf32> to vector<1xf32>
    %reduce_sum3A_75 = vector.shape_cast %reduce_sum3A_74 : vector<1xf32> to vector<1x1x1xf32>
    %reduce_sum3A_76 = vector.extract %reduce_sum3A_75[0, 0, 0] : f32 from vector<1x1x1xf32>
    %add3A_77 = arith.addf %reduce_sum3A_71, %reduce_sum3A_76 : f32
    %get3A_78 = arith.constant 0 : index
    %get3A_79 = arith.constant 0 : index
    %get3A_80 = vector.load %arg3[%get3A_78, %get3A_79] : memref<16x24576xf32, #tpu.memory_space<vmem>>, vector<16x24576xf32>
    %reduce_sum3A_81 = vector.shape_cast %get3A_80 : vector<16x24576xf32> to vector<1x16x24576xf32>
    %reduce_sum3A_82 = arith.constant dense<0.000000e+00> : vector<1xf32>
    %reduce_sum3A_83 = vector.multi_reduction <add>, %reduce_sum3A_81, %reduce_sum3A_82 [1, 2] : vector<1x16x24576xf32> to vector<1xf32>
    %reduce_sum3A_84 = vector.shape_cast %reduce_sum3A_83 : vector<1xf32> to vector<1x1x1xf32>
    %reduce_sum3A_85 = vector.extract %reduce_sum3A_84[0, 0, 0] : f32 from vector<1x1x1xf32>
    %max3A = arith.constant 1.000000e+00 : f32
    %max3A_86 = arith.maximumf %reduce_sum3A_63, %max3A : f32
    %div3A = arith.divf %add3A_77, %max3A_86 : f32
    %div3A_87 = arith.divf %reduce_sum3A_85, %max3A_86 : f32
    %iota3A = tpu.iota {dimensions = array<i32: 1>} : vector<1x128xi32>
    %eq3A_88 = arith.constant 0 : i32
    %eq3A_89 = vector.broadcast %eq3A_88 : i32 to vector<1x128xi32>
    %eq3A_90 = arith.cmpi eq, %iota3A, %eq3A_89 : vector<1x128xi32>
    %add3A_91 = arith.addf %div3A, %div3A_87 : f32
    %eq3A_92 = arith.constant 1 : i32
    %eq3A_93 = vector.broadcast %eq3A_92 : i32 to vector<1x128xi32>
    %eq3A_94 = arith.cmpi eq, %iota3A, %eq3A_93 : vector<1x128xi32>
    %eq3A_95 = arith.constant 2 : i32
    %eq3A_96 = vector.broadcast %eq3A_95 : i32 to vector<1x128xi32>
    %eq3A_97 = arith.cmpi eq, %iota3A, %eq3A_96 : vector<1x128xi32>
    %jit3A_98 = arith.constant 0.000000e+00 : f32
    %broadcast_in_dim3A_99 = vector.broadcast %div3A_87 : f32 to vector<1x128xf32>
    %broadcast_in_dim3A_100 = vector.broadcast %jit3A_98 : f32 to vector<1x128xf32>
    %select_n3A_101 = arith.select %eq3A_97, %broadcast_in_dim3A_99, %broadcast_in_dim3A_100 : vector<1x128xi1>, vector<1x128xf32>
    %broadcast_in_dim3A_102 = vector.broadcast %div3A : f32 to vector<1x128xf32>
    %select_n3A_103 = arith.select %eq3A_94, %broadcast_in_dim3A_102, %select_n3A_101 : vector<1x128xi1>, vector<1x128xf32>
    %broadcast_in_dim3A_104 = vector.broadcast %add3A_91 : f32 to vector<1x128xf32>
    %select_n3A_105 = arith.select %eq3A_90, %broadcast_in_dim3A_104, %select_n3A_103 : vector<1x128xi1>, vector<1x128xf32>
    %swap3A = arith.constant 0 : index
    %swap3A_106 = arith.constant 0 : index
    %swap3A_107 = vector.load %arg4[%swap3A, %swap3A_106] : memref<1x128xf32, #tpu.memory_space<vmem>>, vector<1x128xf32>
    tpu.vector_store %arg4[%swap3A, %swap3A_106], %select_n3A_105 {strides = array<i32>} : memref<1x128xf32, #tpu.memory_space<vmem>>, vector<1x128xf32>,
    return
  }
}

</mosaic_0001>

<sc_bundles>
// kernel: kernel.4.cloned.1.call-start
scs
__scs_entry_jumppad:
0x0: {  	(pc) =	sbr.rel $0x88, $3  }
0x1: {  	(tag) =	ssettag $0x0;
	lr =	simm.s32 $0x1  }
0x2: {  	[smem:$0x3F9E] =	sst lr;
	_ =	strace $0xD0000000  }
0x3: {  	_ = 	snop  }
0x4: {  	_ = 	snop  }
0x5: {  	_ = 	snop  }
0x6: {  	_ = 	snop  }
0x7: {  	_ = 	snop  }
__scs_overlays_trampoline_lowered:
0x8: {  	[smem:$0x3FAD] =	sst s0  }
0x9: {  	[smem:$0x3FAE] =	sst s1  }
0xa: {  	[smem:$0x3FAF] =	sst s2  }
0xb: {  	[smem:$0x3FB0] =	sst s3  }
0xc: {  	[smem:$0x3FB1] =	sst s4  }
0xd: {  	[smem:$0x3FB2] =	sst s5  }
0xe: {  	[smem:$0x3FB3] =	sst s6  }
0xf: {  	[smem:$0x3FB4] =	sst s7  }
0x10: {  	[smem:$0x3FB5] =	sst s8  }
0x11: {  	[smem:$0x3FB6] =	sst s9;
	s0 =	simm.s32 @!p0 $0x0  }
0x12: {  	s1 =	sld [smem:$0x3F9C];
	s0 =	simm.s32 @p0 $0x1  }
0x13: {  	[smem:$0x3FB7] =	sst s0;
	s0 =	simm.s32 @!p1 $0x0  }
0x14: {  	s2 =	sld [smem:$0x3F9B];
	s0 =	simm.s32 @p1 $0x1  }
0x15: {  	[smem:$0x3FB8] =	sst s0;
	s0 =	simm.s32 @!p2 $0x0  }
0x16: {  	s3 =	sld [smem:$0x3FDB];
	s0 =	simm.s32 @p2 $0x1  }
0x17: {  	s4 =	simm.s32 $0x1BF5;
	[smem:$0x3FBA] =	sst s0  }
0x18: {  	s0 =	sld [smem:$0x3F9D];
	_ =	swait.ge [sflag:s4], $0x0  }
0x19: {  	s7 =	sld [smem:$0x3F9E]  }
0x1a: {  	s8 =	sadd.s32 $0xFFFFE003, lr  }
0x1b: {  	s9 =	sadd.s32 $0xFFFFFEF7, lr;
	s5 =	simm.s32 $0xFFFFFFFF;
	p2 =	slt.u32 s8, $0xFFFFF086  }
0x1c: {  	p1 =	slt.u32 s9, $0xF7A;
	s5 =	simm.s32 @!p2 $0x0  }
0x1d: {  	s5 =	simm.s32 @p1 $0x1;
	p0 =	seq.s32 s7, s2  }
0x1e: {  	s7 =	smul.u32 @!p0 $0xF7A, s2;
	p2 =	seq.s32 @!p0 s5, $0x0  }
0x1f: {  	s9 =	smul.u32 $0xF7A, s1;
	s8 =	simm.s32 @!p0 $0x1BF5;
	p2 =	por !p2, p0  }
0x20: {  	[sflag:s8] =	ssyncset.s32 @!p0 $0xFFFFF086;
	s6 =	sadd.s32 @!p0 s3, s7;
	s7 =	simm.s32 @!p0 $0x108  }
0x21: {  	s3 =	sadd.s32 s3, s9;
	s6 =	sadd.s32 @!p0 $0x88, s6;
	s7 =	simm.s32 @p2 $0x1082  }
0x22: {  	[simem:s7], [sflag:s8] =	dma.local @!p0 [hbm:s6], $0xF7A  }
0x23: {  	s9 =	sor.u32 $0xD0000000, s2;
	s6 =	simm.s32 $0x108;
	_ =	swait.ge @!p0 [sflag:s8], $0x0  }
0x24: {  	s3 =	sadd.s32 $0x88, s3;
	s6 =	simm.s32 @!p1 $0x1082;
	[sflag:s4] =	ssyncset.s32 $0xFFFFF086  }
0x25: {  	[simem:s6], [sflag:s4] =	dma.local [hbm:s3], $0xF7A  }
0x26: {  	[smem:$0x3F9E] =	sst s1;
	(tag) =	ssettag s2;
	_ =	strace s9  }
0x27: {  	s1 =	sld [smem:$0x3FAE]  }
0x28: {  	s2 =	sld [smem:$0x3FAF]  }
0x29: {  	s4 =	sld [smem:$0x3FB1]  }
0x2a: {  	p0 =	seq.s32 s5, $0x0;
	s5 =	sld [smem:$0x3FB2]  }
0x2b: {  	s6 =	sld [smem:$0x3FB3]  }
0x2c: {  	s7 =	sld [smem:$0x3FB4]  }
0x2d: {  	s3 =	simm.s32 $0x108;
	s8 =	sld [smem:$0x3FB5]  }
0x2e: {  	s3 =	simm.s32 @!p0 $0x1082;
	s9 =	sld [smem:$0x3FB6]  }
0x2f: {  	lr =	sadd.s32 s0, s3;
	s0 =	sld [smem:$0x3FAD]  }
0x30: {  	s3 =	sld [smem:$0x3FB0]  }
0x31: {  	[smem:$0x3FB9] =	sst s10  }
0x32: {  	s10 =	sld [smem:$0x3FB7];
	_ =	sdelay $0x3  }
0x33: {  	p0 =	seq.s32 s10, $0x1;
	s10 =	sld [smem:$0x3FB9];
	_ =	sdelay $0x3  }
0x34: {  	[smem:$0x3FB9] =	sst s10  }
0x35: {  	s10 =	sld [smem:$0x3FB8];
	_ =	sdelay $0x3  }
0x36: {  	p1 =	seq.s32 s10, $0x1;
	s10 =	sld [smem:$0x3FB9];
	_ =	sdelay $0x3  }
0x37: {  	[smem:$0x3FB9] =	sst s10  }
0x38: {  	s10 =	sld [smem:$0x3FBA]  }
0x39: {  	_ = 	snop;
	(pc) =	sbr.ind lr, $3  }
0x3a: {  	_ = 	snop  }
0x3b: {  	_ = 	snop  }
0x3c: {  	p2 =	seq.s32 s10, $0x1;
	s10 =	sld [smem:$0x3FB9]  }
0x3d: {  	_ =	shalt  }
0x3e: {  	_ =	shalt  }
0x3f: {  	_ =	shalt  }
0x40: {  	_ =	shalt  }
0x41: {  	_ =	shalt  }
0x42: {  	_ =	shalt  }
0x43: {  	_ =	shalt  }
0x44: {  	_ =	shalt  }
0x45: {  	_ =	shalt  }
0x46: {  	_ =	shalt  }
0x47: {  	_ =	shalt  }
0x48: {  	_ =	shalt  }
0x49: {  	_ =	shalt  }
0x4a: {  	_ =	shalt  }
0x4b: {  	_ =	shalt  }
0x4c: {  	_ =	shalt  }
0x4d: {  	_ =	shalt  }
0x4e: {  	_ =	shalt  }
0x4f: {  	_ =	shalt  }
0x50: {  	_ =	shalt  }
0x51: {  	_ =	shalt  }
0x52: {  	_ =	shalt  }
0x53: {  	_ =	shalt  }
0x54: {  	_ =	shalt  }
0x55: {  	_ =	shalt  }
0x56: {  	_ =	shalt  }
0x57: {  	_ =	shalt  }
0x58: {  	_ =	shalt  }
0x59: {  	_ =	shalt  }
0x5a: {  	_ =	shalt  }
0x5b: {  	_ =	shalt  }
0x5c: {  	_ =	shalt  }
0x5d: {  	_ =	shalt  }
0x5e: {  	_ =	shalt  }
0x5f: {  	_ =	shalt  }
0x60: {  	_ =	shalt  }
0x61: {  	_ =	shalt  }
0x62: {  	_ =	shalt  }
0x63: {  	_ =	shalt  }
0x64: {  	_ =	shalt  }
0x65: {  	_ =	shalt  }
0x66: {  	_ =	shalt  }
0x67: {  	_ =	shalt  }
0x68: {  	_ =	shalt  }
0x69: {  	_ =	shalt  }
0x6a: {  	_ =	shalt  }
0x6b: {  	_ =	shalt  }
0x6c: {  	_ =	shalt  }
0x6d: {  	_ =	shalt  }
0x6e: {  	_ =	shalt  }
0x6f: {  	_ =	shalt  }
0x70: {  	_ =	shalt  }
0x71: {  	_ =	shalt  }
0x72: {  	_ =	shalt  }
0x73: {  	_ =	shalt  }
0x74: {  	_ =	shalt  }
0x75: {  	_ =	shalt  }
0x76: {  	_ =	shalt  }
0x77: {  	_ =	shalt  }
0x78: {  	_ =	shalt  }
0x79: {  	_ =	shalt  }
0x7a: {  	_ =	shalt  }
0x7b: {  	_ =	shalt  }
0x7c: {  	_ =	shalt  }
0x7d: {  	_ =	shalt  }
0x7e: {  	_ =	shalt  }
0x7f: {  	_ =	shalt  }
0x80: {  	_ =	shalt  }
0x81: {  	_ =	shalt  }
0x82: {  	_ =	shalt  }
0x83: {  	_ =	shalt  }
0x84: {  	_ =	shalt  }
0x85: {  	_ =	shalt  }
0x86: {  	_ =	shalt  }
0x87: {  	_ =	shalt  }
.Lfunc_end0:
.L_simem_size_0:
called_computation.1_lowered:
.L_overlay_start_0:
0x88: {  	s2 =	sld [smem:$0x3FD9]  }
0x89: {  	s3 =	sld [smem:$0x3FFE];
	_ =	sdelay $0x1  }
0x8a: {  	s1 =	srdreg.scid  }
0x8b: {  	s0 =	sand.u32 $0x1, s1  }
0x8c: {  	s16 =	sshll.u32 s0, $0xA;
	s2 =	sadd.s32 s3, s2  }
0x8d: {  	s2 =	sadd.s32 s2, s16  }
0x8e: {  	[smem:$0x3FC5] =	sst s2  }
0x8f: {  	_ = 	snop  }
0x90: {  	(tm) =	ssettm $0x1  }
0x91: {  	s17 =	sld [smem:$0x3FFB];
	_ =	sdelay $0x3  }
0x92: {  	_ =	strace s17  }
0x93: {  	s2 =	sld [smem:$0x3FFC];
	_ =	sdelay $0x3  }
0x94: {  	_ =	strace s2  }
0x95: {  	s2 =	sld [smem:$0x3FFD];
	_ =	sdelay $0x3  }
0x96: {  	_ =	strace s2  }
0x97: {  	_ =	strace $0x8FFFFFFF  }
0x98: {  	s18 =	sld [smem:$0x3FDB];
	_ =	sdelay $0x1  }
0x99: {  	s19 =	simm.s32 $_scs_section_size  }
0x9a: {  	s4 =	simm.s32 $_size__tile_overlayer_lowered;
	s5 =	simm.s32 $_tile_overlayer_lowered  }
0x9b: {  	s22 =	simm.s32 $0x1BFF;
	s21 =	sshll.u32 s5, $0x1;
	s2 =	sadd.s32 s19, s18  }
0x9c: {  	s6 =	simm.s32 $0x0;
	s20 =	sshll.u32 s4, $0x1;
	s4 =	sadd.s32 s21, s2  }
0x9d: {  	[timem:s6], [sflag:s22] =	dma.local [hbm:s4], s20  }
0x9e: {  	_ =	swait.ge [sflag:s22], s20  }
0x9f: {  	s3 =	ssub.s32 $0x0, s20;
	[sflag:s22] =	ssyncset.done $0x0  }
0xa0: {  	[sflag:s22] =	ssyncadd.s32 s3;
	_ =	sdelay $0x1  }
0xa1: {  	s23 =	simm.s32 $0x1B8B  }
0xa2: {  	_ =	swait.ge [sflag:s23], $0x1  }
0xa3: {  	[sflag:s23] =	ssyncset.done $0x0  }
0xa4: {  	s25 =	simm.s32 $0x1B8E;
	s24 =	sld [smem:$0x3FFE];
	[sflag:s23] =	ssyncadd.s32 $0xFFFFFFFF  }
0xa5: {  	s26 =	simm.s32 $execute0_lowered;
	[smem:$0x3FD2] =	sst s25  }
0xa6: {  	s4 =	sshll.u32 s26, $0x1;
	_ =	strace $0x80000049;
	[dreg:$0x1] =	wrdreg $0xFFFFFFFF  }
0xa7: {  	s28 =	simm.s32 $_size_execute0_lowered;
	s2 =	sadd.s32 s2, s4;
	[dreg:$0x0] =	wrdreg $0x0  }
0xa8: {  	s4 =	sshll.u32 s28, $0x1;
	[dreg:$0x2] =	wrdreg s2  }
0xa9: {  	[dreg:$0x3] =	wrdreg s4  }
0xaa: {  	[dreg:$0x4] =	wrdreg $0xC0  }
0xab: {  	_ =	task [dreg:s6], $0x5FFFF  }
0xac: {  	[dreg:$0x1] =	wrdreg $0xFFFFFFFF  }
0xad: {  	[dreg:$0x0] =	wrdreg $0x60  }
0xae: {  	[dreg:$0x2] =	wrdreg s24  }
0xaf: {  	[dreg:$0x3] =	wrdreg $0x9  }
0xb0: {  	_ =	task.clear_ibuf [dreg:s6], $0x4FFFF;
	_ =	strace $0x90000049  }
0xb1: {  	s29 =	simm.s32 $0x9;
	_ =	strace $0x8000004B  }
0xb2: {  	_ =	swait.ge [sflag:s29], $0x1  }
0xb3: {  	[sflag:s29] =	ssyncadd.s32 $0xFFFFFFFF  }
0xb4: {  	_ =	strace $0x9000004B  }
0xb5: {  	_ =	sfence  }
0xb6: {  	s30 =	sld [smem:$0x0];
	_ =	sdelay $0x2  }
0xb7: {  	s31 =	sshll.u32 s1, $0xD;
	s1 =	sshrl.u32 s1, $0x2  }
0xb8: {  	s3 =	sand.u32 $0x4000, s31;
	s1 =	sadd.s32 s1, s30  }
0xb9: {  	s0 =	sor.u32 s3, s0;
	s1 =	sshll.u32 s1, $0x11  }
0xba: {  	s0 =	sor.u32 s1, s0  }
0xbb: {  	s0 =	sadd.s32 $0x8F2B, s0  }
0xbc: {  	[sflag:s0] =	ssyncadd.remote.s32 $0x1  }
0xbd: {  	_ =	sfence.sel $0xFFFF  }
0xbe: {  	[dreg:$0x0] =	wrdreg $0xFFFFFFFF;
	(pc) =	sbr.abs _section_cstart, $3  }
0xbf: {  	[dreg:$0x1] =	wrdreg $0xFFFFFFFF  }
0xc0: {  	_ =	task.clear_ibuf [dreg:s6], $0x2FFFF;
	_ =	strace $0x9FFFFFFF  }
0xc1: {  	(tm) =	ssettm $0x7FFFFFFF  }
tec
execute0_lowered:
.L_overlay_start_1:
0x0: {  	(tag) =	ssettag $0x1  }
0x1: {  	v44 =	vlaneseq.u32  }
0x2: {  	v1 =	vmul.u32 $0x51, v44  }
0x3: {  	s1 =	simm.s32 $0x0  }
0x4: {  	[smem:$0x7FF] =	sst s1;
	v0 =	vadd.s32 $0xF, v1  }
0x5: {  	s0 =	rddreg [dreg:$0x0];
	_ =	strace $0x8000004A;
	[tilespmem:$0x1FD00] =	vst v0;
	v0 =	vadd.s32 $0x10, v1  }
0x6: {  	[tilespmem:$0x1FD10] =	vst v0;
	v0 =	vadd.s32 $0x11, v1  }
0x7: {  	[tilespmem:$0x1FD20] =	vst v0;
	v0 =	vadd.s32 $0x12, v1  }
0x8: {  	[tilespmem:$0x1FD30] =	vst v0;
	v0 =	vadd.s32 $0x13, v1  }
0x9: {  	[tilespmem:$0x1FD40] =	vst v0;
	v0 =	vadd.s32 $0x14, v1  }
0xa: {  	[tilespmem:$0x1FD50] =	vst v0;
	v0 =	vadd.s32 $0x15, v1  }
0xb: {  	[tilespmem:$0x1FD60] =	vst v0;
	v0 =	vadd.s32 $0x16, v1  }
0xc: {  	[tilespmem:$0x1FD70] =	vst v0;
	v0 =	vadd.s32 $0x17, v1  }
0xd: {  	[tilespmem:$0x1FD80] =	vst v0;
	v0 =	vadd.s32 $0x18, v1  }
0xe: {  	[tilespmem:$0x1FD90] =	vst v0;
	v0 =	vadd.s32 $0x19, v1  }
0xf: {  	[tilespmem:$0x1FDA0] =	vst v0;
	v0 =	vadd.s32 $0x1A, v1  }
0x10: {  	[tilespmem:$0x1FDB0] =	vst v0;
	v0 =	vadd.s32 $0x1B, v1  }
0x11: {  	[tilespmem:$0x1FDC0] =	vst v0;
	v0 =	vadd.s32 $0x1C, v1  }
0x12: {  	[tilespmem:$0x1FDD0] =	vst v0;
	v0 =	vadd.s32 $0x1D, v1  }
0x13: {  	[tilespmem:$0x1FDE0] =	vst v0;
	v0 =	vadd.s32 $0x1E, v1  }
0x14: {  	[tilespmem:$0x1FDF0] =	vst v0;
	v0 =	vadd.s32 $0x1F, v1  }
0x15: {  	[tilespmem:$0x1FE00] =	vst v0;
	v0 =	vadd.s32 $0x20, v1  }
0x16: {  	[tilespmem:$0x1FE10] =	vst v0;
	v0 =	vadd.s32 $0x21, v1  }
0x17: {  	[tilespmem:$0x1FE20] =	vst v0;
	v0 =	vadd.s32 $0x22, v1  }
0x18: {  	[tilespmem:$0x1FE30] =	vst v0;
	v0 =	vadd.s32 $0x23, v1  }
0x19: {  	[tilespmem:$0x1FE40] =	vst v0;
	v0 =	vadd.s32 $0x24, v1  }
0x1a: {  	[tilespmem:$0x1FE50] =	vst v0;
	v0 =	vadd.s32 $0x25, v1  }
0x1b: {  	[tilespmem:$0x1FE60] =	vst v0;
	v0 =	vadd.s32 $0x26, v1  }
0x1c: {  	[tilespmem:$0x1FE70] =	vst v0;
	v0 =	vadd.s32 $0x27, v1  }
0x1d: {  	[tilespmem:$0x1FE80] =	vst v0;
	v0 =	vadd.s32 $0x28, v1  }
0x1e: {  	[tilespmem:$0x1FE90] =	vst v0;
	v0 =	vadd.s32 $0x29, v1  }
0x1f: {  	[tilespmem:$0x1FEA0] =	vst v0;
	v0 =	vadd.s32 $0x2A, v1  }
0x20: {  	[tilespmem:$0x1FEB0] =	vst v0;
	v0 =	vadd.s32 $0x2B, v1  }
0x21: {  	[tilespmem:$0x1FEC0] =	vst v0;
	v0 =	vadd.s32 $0x2C, v1  }
0x22: {  	[tilespmem:$0x1FED0] =	vst v0;
	v0 =	vadd.s32 $0x2D, v1  }
0x23: {  	[tilespmem:$0x1FEE0] =	vst v0;
	v0 =	vadd.s32 $0x2E, v1  }
0x24: {  	[tilespmem:$0x1FEF0] =	vst v0;
	v0 =	vadd.s32 $0x2F, v1  }
0x25: {  	[tilespmem:$0x1FF00] =	vst v0;
	v0 =	vadd.s32 $0x30, v1  }
0x26: {  	[tilespmem:$0x1FF10] =	vst v0;
	v0 =	vadd.s32 $0x31, v1  }
0x27: {  	s2 =	srdreg.scid;
	s4 =	stileid.u32;
	s16 =	simm.s32 $0x14400;
	[tilespmem:$0x1FF20] =	vst v0;
	v0 =	vadd.s32 $0x32, v1  }
0x28: {  	s17 =	simm.s32 $0x15400;
	s18 =	simm.s32 $0xA200;
	s19 =	simm.s32 $0x14C00;
	[tilespmem:$0x1FF30] =	vst v0;
	v0 =	vadd.s32 $0x33, v1  }
0x29: {  	s20 =	simm.s32 $0x16000;
	s21 =	simm.s32 $0x1;
	s22 =	simm.s32 $0x3;
	[tilespmem:$0x1FF40] =	vst v0;
	v0 =	vadd.s32 $0x34, v1  }
0x2a: {  	s23 =	simm.s32 $0x5;
	s29 =	simm.s32 $0x2;
	s30 =	simm.s32 $0x4;
	[tilespmem:$0x1FF50] =	vst v0;
	v0 =	vadd.s32 $0x35, v1  }
0x2b: {  	s3 =	sadd.s32 $0x3CDC00, s0;
	s2 =	sand.u32 $0x1, s2;
	s6 =	sshll.u32 s4, $0x1;
	[tilespmem:$0x1FF60] =	vst v0;
	v0 =	vadd.s32 $0x36, v1  }
0x2c: {  	s5 =	sadd.s32 $0x9CDC00, s0;
	s7 =	sadd.s32 $0x409C00, s0;
	s10 =	sor.u32 s2, s6;
	[tilespmem:$0x1FF70] =	vst v0;
	v0 =	vadd.s32 $0x37, v1  }
0x2d: {  	s31 =	simm.s32 $0x6;
	s8 =	sadd.s32 $0x415C00, s0;
	s11 =	smul.u32 $0x1E600, s10;
	[tilespmem:$0x1FF80] =	vst v0;
	v0 =	vadd.s32 $0x38, v1  }
0x2e: {  	s4 =	sadd.s32 $0x1C00, s0;
	s9 =	sadd.s32 $0x421C00, s0;
	v29 =	vadd.s32 $0x1, v1;
	s12 =	smul.u32 $0x1800, s10;
	[tilespmem:$0x1FF90] =	vst v0;
	v0 =	vadd.s32 $0x39, v1  }
0x2f: {  	s6 =	sadd.s32 $0x3FDC00, s0;
	s2 =	ssub.s32 $0x2, s2;
	v30 =	vadd.s32 $0x2, v1;
	v32 =	vadd.s32 $0x3, v1;
	s14 =	smul.u32 $0x2400, s10;
	[tilespmem:$0x1FFA0] =	vst v0;
	v0 =	vadd.s32 $0x3A, v1  }
0x30: {  	v33 =	vadd.s32 $0x4, v1;
	v34 =	vadd.s32 $0x5, v1;
	s13 =	sshrl.u32 s2, $0x1;
	s10 =	smul.u32 $0x3000, s10;
	s25 =	sadd.s32 s4, s11;
	[tilespmem:$0x1FFB0] =	vst v0;
	v0 =	vadd.s32 $0x3B, v1  }
0x31: {  	v35 =	vadd.s32 $0x6, v1;
	v36 =	vadd.s32 $0x7, v1;
	s24 =	ssub.s32 s2, s13;
	s26 =	sadd.s32 s3, s12;
	[dreg:$0x2] =	wrdreg s25;
	[tilespmem:$0x1FFC0] =	vst v0;
	v0 =	vadd.s32 $0x3C, v1  }
0x32: {  	v37 =	vadd.s32 $0x8, v1;
	v38 =	vadd.s32 $0x9, v1;
	s13 =	simm.s32 $0x0;
	s28 =	sadd.s32 s5, s14;
	[dreg:$0x3] =	wrdreg s26;
	[tilespmem:$0x1FFD0] =	vst v0;
	v0 =	vadd.s32 $0x3D, v1  }
0x33: {  	v39 =	vadd.s32 $0xA, v1;
	v40 =	vadd.s32 $0xB, v1;
	s14 =	sor.u32 $0x400, s10;
	s0 =	smax.u32 s24, $0x1;
	[dreg:$0x4] =	wrdreg s28;
	[tilespmem:$0x1FFE0] =	vst v0;
	v0 =	vadd.s32 $0x3E, v1  }
0x34: {  	v41 =	vadd.s32 $0xC, v1;
	v42 =	vadd.s32 $0xD, v1;
	v43 =	vadd.s32 $0xE, v1;
	s11 =	simm.s32 $0x17800;
	s12 =	simm.s32 $0x17A00;
	[dreg:$0x5] =	wrdreg s0;
	[tilespmem:$0x1FFF0] =	vst v0  }
.LBB2_1:
0x35: {  	[dreg:$0x6] =	wrdreg s13  }
0x36: {  	s0 =	rddreg [dreg:$0x2]  }
0x37: {  	[tilespmem:s1], [sflag:$0x1] =	stream.linear.gather [hbm4b:s0+s1], $0xA200, $0x38;
	[tilespmem:$0x17C00] =	vst v63  }
0x38: {  	s26 =	rddreg [dreg:$0x3]  }
0x39: {  	[tilespmem:s16], [sflag:$0x3] =	stream.linear.gather [hbm4b:s26+s1], $0x800, $0x38;
	[tilespmem:$0x17C00] =	vst v63  }
0x3a: {  	s28 =	rddreg [dreg:$0x4];
	s15 =	simm.s32 $0x0  }
0x3b: {  	[tilespmem:s17], [sflag:$0x5] =	stream.linear.gather [hbm4b:s28+s1], $0xC00, $0x38;
	[tilespmem:$0x17C00] =	vst v63  }
.LBB2_2:
0x3c: {  	s24 =	sshll.u32 s15, $0xA  }
0x3d: {  	s25 =	sadd.s32 s10, s24  }
0x3e: {  	s13 =	sadd.s32 $0x200, s25  }
0x3f: {  	s0 =	smul.u32 $0x51, s13;
	_ =	sdelay $0x1  }
0x40: {  	s0 =	sshrl.u32 s0, $0x3  }
0x41: {  	s2 =	sshrl.u32 s13, $0x1;
	s26 =	smul.u32 $0x6, s13;
	s0 =	sadd.s32 s4, s0  }
0x42: {  	[tilespmem:s18], [sflag:$0x2] =	stream.linear.gather [hbm4b:s0+s1], $0xA200, $0x38;
	[tilespmem:$0x17C00] =	vst v63  }
0x43: {  	s26 =	sshrl.u32 s26, $0x3;
	s0 =	sadd.s32 s3, s2  }
0x44: {  	[tilespmem:s19], [sflag:$0x4] =	stream.linear.gather [hbm4b:s0+s1], $0x800, $0x38;
	[tilespmem:$0x17C00] =	vst v63  }
0x45: {  	s0 =	sadd.s32 s5, s26  }
0x46: {  	[tilespmem:s20], [sflag:$0x6] =	stream.linear.gather [hbm4b:s0+s1], $0xC00, $0x38;
	[tilespmem:$0x17C00] =	vst v63  }
0x47: {  	_ =	swait.ge [sflag:s21], $0xA200  }
0x48: {  	[sflag:s21] =	ssyncset.done $0x0  }
0x49: {  	[sflag:s21] =	ssyncadd.s32 $0xFFFF5E00  }
0x4a: {  	_ =	swait.ge [sflag:s22], $0x800  }
0x4b: {  	[sflag:s22] =	ssyncset.done $0x0  }
0x4c: {  	[sflag:s22] =	ssyncadd.s32 $0xFFFFF800  }
0x4d: {  	_ =	swait.ge [sflag:s23], $0xC00  }
0x4e: {  	p0 =	seq.s32 s15, $0x0;
	[sflag:s23] =	ssyncset.done $0x0  }
0x4f: {  	s0 =	simm.s32 @!p0 $0x7;
	[sflag:s23] =	ssyncadd.s32 $0xFFFFF400  }
0x50: {  	_ =	swait.ge @!p0 [sflag:s0], $0x200  }
0x51: {  	[sflag:s0] =	ssyncset.done @!p0 $0x0  }
0x52: {  	[sflag:s0] =	ssyncadd.s32 @!p0 $0xFFFFFE00  }
0x53: {  	_ =	swait.ge @!p0 [sflag:s0], $0x200  }
0x54: {  	[sflag:s0] =	ssyncset.done @!p0 $0x0  }
0x55: {  	[sflag:s0] =	ssyncadd.s32 @!p0 $0xFFFFFE00  }
0x56: {  	_ =	swait.ge @!p0 [sflag:s0], $0x200  }
0x57: {  	[sflag:s0] =	ssyncset.done @!p0 $0x0  }
0x58: {  	[sflag:s0] =	ssyncadd.s32 @!p0 $0xFFFFFE00  }
0x59: {  	_ =	swait.ge @!p0 [sflag:s0], $0x200  }
0x5a: {  	v62 =	vld [tilespmem:$0x1FFB0]  }
0x5b: {  	v63 =	vld [tilespmem:$0x1FFC0]  }
0x5c: {  	v59 =	vld [tilespmem:$0x1FFD0]  }
0x5d: {  	s28 =	simm.s32 $0x0;
	[sflag:s0] =	ssyncset.done @!p0 $0x0;
	v60 =	vld [tilespmem:$0x1FFE0]  }
0x5e: {  	s26 =	simm.s32 $0x0;
	v61 =	vld [tilespmem:$0x1FFF0];
	[sflag:s0] =	ssyncadd.s32 @!p0 $0xFFFFFE00;
	s0 =	simm.s32 $0x0  }
.LBB2_3:
0x5f: {  	v28 =	vadd.s32 s0, v1;
	_ =	sdelay $0x2  }
0x60: {  	v0 =	vadd.s32 s0, v29  }
0x61: {  	v2 =	vadd.s32 s0, v30  }
0x62: {  	v4 =	vadd.s32 s0, v32;
	v3 =	vld.idx.msk [tilespmem:v28+s1+$0x0], $0xffff;
	_ =	sdelay $0x2  }
0x63: {  	v5 =	vadd.s32 s0, v33;
	v0 =	vld.idx.msk [tilespmem:v0+s1+$0x0], $0xffff  }
0x64: {  	v6 =	vadd.s32 s0, v34;
	v2 =	vld.idx.msk [tilespmem:v2+s1+$0x0], $0xffff  }
0x65: {  	v7 =	vadd.s32 s0, v35;
	v4 =	vld.idx.msk [tilespmem:v4+s1+$0x0], $0xffff;
	v3 =	vmin.f32 v3, $8.000000000e+01  }
0x66: {  	v3 =	vmul.f32 $1.442695020e+00, v3;
	_ =	sdelay $0x1  }
0x67: {  	v0 =	vmin.f32 v0, $8.000000000e+01;
	(erf) = vpow2.f32 v3;
	v3 =	vld.idx.msk [tilespmem:v5+s1+$0x0], $0xffff;
	v5 =	vadd.s32 s0, v36  }
0x68: {  	v8 =	vadd.s32 s0, v37;
	v6 =	vld.idx.msk [tilespmem:v6+s1+$0x0], $0xffff;
	v2 =	vmin.f32 v2, $8.000000000e+01;
	v0 =	vmul.f32 $1.442695020e+00, v0  }
0x69: {  	v9 =	vadd.s32 s0, v38;
	v7 =	vld.idx.msk [tilespmem:v7+s1+$0x0], $0xffff;
	v4 =	vmin.f32 v4, $8.000000000e+01;
	v2 =	vmul.f32 $1.442695020e+00, v2  }
0x6a: {  	(erf) = vpow2.f32 v0;
	v0 =	vmul.f32 $1.442695020e+00, v4  }
0x6b: {  	(erf) = vpow2.f32 v2  }
0x6c: {  	(erf) = vpow2.f32 v0;
	v0 =	vmin.f32 v3, $8.000000000e+01;
	v2 =	vld.idx.msk [tilespmem:v5+s1+$0x0], $0xffff;
	v3 =	vadd.s32 s0, v39  }
0x6d: {  	v4 =	vmin.f32 v6, $8.000000000e+01;
	v5 =	vld.idx.msk [tilespmem:v8+s1+$0x0], $0xffff;
	v0 =	vmul.f32 $1.442695020e+00, v0  }
0x6e: {  	v7 =	vmin.f32 v7, $8.000000000e+01;
	v4 =	vmul.f32 $1.442695020e+00, v4;
	v8 =	vld.idx.msk [tilespmem:v9+s1+$0x0], $0xffff  }
0x6f: {  	(erf) = vpow2.f32 v0;
	v0 =	vmul.f32 $1.442695020e+00, v7  }
0x70: {  	(erf) = vpow2.f32 v4  }
0x71: {  	(erf) = vpow2.f32 v0;
	v0 =	vmin.f32 v2, $8.000000000e+01;
	v2 =	vld.idx.msk [tilespmem:v3+s1+$0x0], $0xffff;
	v3 =	vadd.s32 s0, v42  }
0x72: {  	v4 =	vmin.f32 v5, $8.000000000e+01;
	v0 =	vmul.f32 $1.442695020e+00, v0  }
0x73: {  	v6 =	vadd.s32 s0, v40;
	v7 =	vmin.f32 v8, $8.000000000e+01;
	v4 =	vmul.f32 $1.442695020e+00, v4  }
0x74: {  	v9 =	vadd.s32 s0, v41;
	(erf) = vpow2.f32 v0;
	v0 =	vmul.f32 $1.442695020e+00, v7  }
0x75: {  	(erf) = vpow2.f32 v4  }
0x76: {  	v10 =	vpop (erf);
	(erf) = vpow2.f32 v0;
	v0 =	vmin.f32 v2, $8.000000000e+01;
	v2 =	vld.idx.msk [tilespmem:v3+s1+$0x0], $0xffff  }
0x77: {  	v3 =	vld [tilespmem:$0x1FD10]  }
0x78: {  	v5 =	vld.idx.msk [tilespmem:v6+s1+$0x0], $0xffff  }
0x79: {  	v8 =	vld.idx.msk [tilespmem:v9+s1+$0x0], $0xffff  }
0x7a: {  	v9 =	vld [tilespmem:$0x1FD00];
	_ =	sdelay $0x1  }
0x7b: {  	v7 =	vadd.f32 $0.0e+00, v10;
	v10 =	vld [tilespmem:$0x1FD20];
	v3 =	vadd.s32 s0, v3  }
0x7c: {  	v5 =	vmin.f32 v5, $8.000000000e+01;
	v0 =	vmul.f32 $1.442695020e+00, v0  }
0x7d: {  	v6 =	vadd.s32 s0, v43;
	v8 =	vmin.f32 v8, $8.000000000e+01;
	v5 =	vmul.f32 $1.442695020e+00, v5  }
0x7e: {  	v12 =	vld [tilespmem:$0x1FD30];
	v9 =	vadd.s32 s0, v9;
	(erf) = vpow2.f32 v0;
	v0 =	vmul.f32 $1.442695020e+00, v8  }
0x7f: {  	v14 =	vld [tilespmem:$0x1FD60];
	v4 =	vpop (erf);
	(erf) = vpow2.f32 v5  }
0x80: {  	v10 =	vadd.s32 s0, v10;
	(erf) = vpow2.f32 v0;
	v0 =	vmin.f32 v2, $8.000000000e+01;
	v2 =	vld.idx.msk [tilespmem:v3+s1+$0x0], $0xffff  }
0x81: {  	v3 =	vld [tilespmem:$0x1FD40]  }
0x82: {  	v6 =	vld.idx.msk [tilespmem:v6+s1+$0x0], $0xffff  }
0x83: {  	v11 =	vpop (erf);
	v9 =	vld.idx.msk [tilespmem:v9+s1+$0x0], $0xffff  }
0x84: {  	v12 =	vadd.s32 s0, v12;
	v8 =	vadd.f32 $0.0e+00, v11;
	v11 =	vld [tilespmem:$0x1FD50]  }
0x85: {  	v10 =	vld.idx.msk [tilespmem:v10+s1+$0x0], $0xffff  }
0x86: {  	v14 =	vadd.s32 s0, v14;
	v4 =	vadd.f32 $0.0e+00, v4;
	v13 =	vpop (erf);
	v3 =	vadd.s32 s0, v3  }
0x87: {  	v7 =	vadd.f32 v13, v7;
	v5 =	vpop (erf);
	v6 =	vmin.f32 v6, $8.000000000e+01;
	v0 =	vmul.f32 $1.442695020e+00, v0  }
0x88: {  	v13 =	vpop (erf);
	v6 =	vmul.f32 $1.442695020e+00, v6;
	v4 =	vadd.f32 v5, v4;
	v9 =	vmin.f32 v9, $8.000000000e+01  }
0x89: {  	v12 =	vld.idx.msk [tilespmem:v12+s1+$0x0], $0xffff;
	v5 =	vpop (erf);
	v11 =	vadd.s32 s0, v11;
	(erf) = vpow2.f32 v0;
	v0 =	vmul.f32 $1.442695020e+00, v9  }
0x8a: {  	v5 =	vadd.f32 v5, v7;
	(erf) = vpow2.f32 v6;
	v7 =	vmin.f32 v10, $8.000000000e+01;
	v10 =	vld [tilespmem:$0x1FD80]  }
0x8b: {  	(erf) = vpow2.f32 v0;
	v0 =	vmin.f32 v2, $8.000000000e+01;
	v2 =	vld.idx.msk [tilespmem:v3+s1+$0x0], $0xffff  }
0x8c: {  	v3 =	vld [tilespmem:$0x1FD70]  }
0x8d: {  	v8 =	vadd.f32 v13, v8;
	v13 =	vld.idx.msk [tilespmem:v14+s1+$0x0], $0xffff  }
0x8e: {  	v14 =	vld [tilespmem:$0x1FD90]  }
0x8f: {  	v9 =	vld.idx.msk [tilespmem:v11+s1+$0x0], $0xffff;
	v10 =	vadd.s32 s0, v10;
	_ =	sdelay $0x1  }
0x90: {  	v0 =	vmul.f32 $1.442695020e+00, v0;
	v3 =	vadd.s32 s0, v3  }
0x91: {  	v12 =	vmin.f32 v12, $8.000000000e+01;
	v6 =	vpop (erf);
	v7 =	vmul.f32 $1.442695020e+00, v7  }
0x92: {  	v4 =	vadd.f32 v6, v4;
	v14 =	vadd.s32 s0, v14;
	v11 =	vpop (erf);
	(erf) = vpow2.f32 v0  }
0x93: {  	v6 =	vpop (erf);
	v0 =	vmul.f32 $1.442695020e+00, v12;
	(erf) = vpow2.f32 v7;
	v7 =	vmin.f32 v9, $8.000000000e+01;
	v9 =	vld.idx.msk [tilespmem:v10+s1+$0x0], $0xffff  }
0x94: {  	v10 =	vld [tilespmem:$0x1FDB0]  }
0x95: {  	(erf) = vpow2.f32 v0;
	v0 =	vmin.f32 v2, $8.000000000e+01;
	v2 =	vld.idx.msk [tilespmem:v3+s1+$0x0], $0xffff  }
0x96: {  	v3 =	vld [tilespmem:$0x1FDA0]  }
0x97: {  	v12 =	vmin.f32 v13, $8.000000000e+01;
	v13 =	vld.idx.msk [tilespmem:v14+s1+$0x0], $0xffff  }
0x98: {  	v14 =	vld [tilespmem:$0x1FDC0]  }
0x99: {  	v10 =	vadd.s32 s0, v10;
	_ =	sdelay $0x1  }
0x9a: {  	v0 =	vmul.f32 $1.442695020e+00, v0;
	v3 =	vadd.s32 s0, v3  }
0x9b: {  	v8 =	vadd.f32 v11, v8;
	v7 =	vmul.f32 $1.442695020e+00, v7  }
0x9c: {  	v5 =	vadd.f32 v6, v5;
	v6 =	vpop (erf);
	v14 =	vadd.s32 s0, v14;
	(erf) = vpow2.f32 v0  }
0x9d: {  	v11 =	vpop (erf);
	v0 =	vmul.f32 $1.442695020e+00, v12;
	(erf) = vpow2.f32 v7;
	v7 =	vmin.f32 v9, $8.000000000e+01;
	v9 =	vld.idx.msk [tilespmem:v10+s1+$0x0], $0xffff  }
0x9e: {  	v10 =	vld [tilespmem:$0x1FDE0]  }
0x9f: {  	v4 =	vadd.f32 v6, v4;
	v6 =	vpop (erf);
	(erf) = vpow2.f32 v0;
	v0 =	vmin.f32 v2, $8.000000000e+01;
	v2 =	vld.idx.msk [tilespmem:v3+s1+$0x0], $0xffff  }
0xa0: {  	v3 =	vld [tilespmem:$0x1FDD0]  }
0xa1: {  	v12 =	vmin.f32 v13, $8.000000000e+01;
	v13 =	vld.idx.msk [tilespmem:v14+s1+$0x0], $0xffff  }
0xa2: {  	v14 =	vld [tilespmem:$0x1FDF0]  }
0xa3: {  	v10 =	vadd.s32 s0, v10;
	_ =	sdelay $0x1  }
0xa4: {  	v0 =	vmul.f32 $1.442695020e+00, v0;
	v3 =	vadd.s32 s0, v3  }
0xa5: {  	v7 =	vmul.f32 $1.442695020e+00, v7  }
0xa6: {  	v5 =	vadd.f32 v6, v5;
	v14 =	vadd.s32 s0, v14;
	(erf) = vpow2.f32 v0  }
0xa7: {  	v6 =	vpop (erf);
	v0 =	vmul.f32 $1.442695020e+00, v12;
	(erf) = vpow2.f32 v7;
	v7 =	vmin.f32 v9, $8.000000000e+01;
	v9 =	vld.idx.msk [tilespmem:v10+s1+$0x0], $0xffff  }
0xa8: {  	v10 =	vld [tilespmem:$0x1FE10]  }
0xa9: {  	v8 =	vadd.f32 v11, v8;
	v11 =	vpop (erf);
	(erf) = vpow2.f32 v0;
	v0 =	vmin.f32 v2, $8.000000000e+01;
	v2 =	vld.idx.msk [tilespmem:v3+s1+$0x0], $0xffff  }
0xaa: {  	v3 =	vld [tilespmem:$0x1FE00]  }
0xab: {  	v12 =	vmin.f32 v13, $8.000000000e+01;
	v13 =	vld.idx.msk [tilespmem:v14+s1+$0x0], $0xffff  }
0xac: {  	v14 =	vld [tilespmem:$0x1FE20]  }
0xad: {  	v10 =	vadd.s32 s0, v10;
	_ =	sdelay $0x1  }
0xae: {  	v0 =	vmul.f32 $1.442695020e+00, v0;
	v3 =	vadd.s32 s0, v3  }
0xaf: {  	v4 =	vadd.f32 v6, v4;
	v8 =	vadd.f32 v11, v8;
	v6 =	vpop (erf);
	v7 =	vmul.f32 $1.442695020e+00, v7  }
0xb0: {  	v5 =	vadd.f32 v6, v5;
	v6 =	vpop (erf);
	v14 =	vadd.s32 s0, v14;
	(erf) = vpow2.f32 v0  }
0xb1: {  	v11 =	vpop (erf);
	v0 =	vmul.f32 $1.442695020e+00, v12;
	(erf) = vpow2.f32 v7;
	v7 =	vmin.f32 v9, $8.000000000e+01;
	v9 =	vld.idx.msk [tilespmem:v10+s1+$0x0], $0xffff  }
0xb2: {  	v10 =	vld [tilespmem:$0x1FE40]  }
0xb3: {  	v4 =	vadd.f32 v6, v4;
	v6 =	vpop (erf);
	(erf) = vpow2.f32 v0;
	v0 =	vmin.f32 v2, $8.000000000e+01;
	v2 =	vld.idx.msk [tilespmem:v3+s1+$0x0], $0xffff  }
0xb4: {  	v3 =	vld [tilespmem:$0x1FE30]  }
0xb5: {  	v12 =	vmin.f32 v13, $8.000000000e+01;
	v13 =	vld.idx.msk [tilespmem:v14+s1+$0x0], $0xffff  }
0xb6: {  	v14 =	vld [tilespmem:$0x1FE50]  }
0xb7: {  	v10 =	vadd.s32 s0, v10;
	_ =	sdelay $0x1  }
0xb8: {  	v0 =	vmul.f32 $1.442695020e+00, v0;
	v3 =	vadd.s32 s0, v3  }
0xb9: {  	v8 =	vadd.f32 v11, v8;
	v7 =	vmul.f32 $1.442695020e+00, v7  }
0xba: {  	v5 =	vadd.f32 v6, v5;
	v6 =	vpop (erf);
	v14 =	vadd.s32 s0, v14;
	(erf) = vpow2.f32 v0  }
0xbb: {  	v11 =	vpop (erf);
	v0 =	vmul.f32 $1.442695020e+00, v12;
	(erf) = vpow2.f32 v7;
	v7 =	vmin.f32 v9, $8.000000000e+01;
	v9 =	vld.idx.msk [tilespmem:v10+s1+$0x0], $0xffff  }
0xbc: {  	v10 =	vld [tilespmem:$0x1FE70]  }
0xbd: {  	v4 =	vadd.f32 v6, v4;
	v6 =	vpop (erf);
	(erf) = vpow2.f32 v0;
	v0 =	vmin.f32 v2, $8.000000000e+01;
	v2 =	vld.idx.msk [tilespmem:v3+s1+$0x0], $0xffff  }
0xbe: {  	v3 =	vld [tilespmem:$0x1FE60]  }
0xbf: {  	v12 =	vmin.f32 v13, $8.000000000e+01;
	v13 =	vld.idx.msk [tilespmem:v14+s1+$0x0], $0xffff  }
0xc0: {  	v14 =	vld [tilespmem:$0x1FE80]  }
0xc1: {  	v10 =	vadd.s32 s0, v10;
	_ =	sdelay $0x1  }
0xc2: {  	v0 =	vmul.f32 $1.442695020e+00, v0;
	v3 =	vadd.s32 s0, v3  }
0xc3: {  	v8 =	vadd.f32 v11, v8;
	v7 =	vmul.f32 $1.442695020e+00, v7  }
0xc4: {  	v5 =	vadd.f32 v6, v5;
	v6 =	vpop (erf);
	v14 =	vadd.s32 s0, v14;
	(erf) = vpow2.f32 v0  }
0xc5: {  	v11 =	vpop (erf);
	v0 =	vmul.f32 $1.442695020e+00, v12;
	(erf) = vpow2.f32 v7;
	v7 =	vmin.f32 v9, $8.000000000e+01;
	v9 =	vld.idx.msk [tilespmem:v10+s1+$0x0], $0xffff  }
0xc6: {  	v10 =	vld [tilespmem:$0x1FEA0]  }
0xc7: {  	v4 =	vadd.f32 v6, v4;
	v6 =	vpop (erf);
	(erf) = vpow2.f32 v0;
	v0 =	vmin.f32 v2, $8.000000000e+01;
	v2 =	vld.idx.msk [tilespmem:v3+s1+$0x0], $0xffff  }
0xc8: {  	v3 =	vld [tilespmem:$0x1FE90]  }
0xc9: {  	v12 =	vmin.f32 v13, $8.000000000e+01;
	v13 =	vld.idx.msk [tilespmem:v14+s1+$0x0], $0xffff  }
0xca: {  	v14 =	vld [tilespmem:$0x1FEB0]  }
0xcb: {  	v10 =	vadd.s32 s0, v10;
	_ =	sdelay $0x1  }
0xcc: {  	v5 =	vadd.f32 v6, v5;
	v6 =	vpop (erf);
	v0 =	vmul.f32 $1.442695020e+00, v0;
	v3 =	vadd.s32 s0, v3  }
0xcd: {  	v8 =	vadd.f32 v11, v8;
	v11 =	vpop (erf);
	v7 =	vmul.f32 $1.442695020e+00, v7  }
0xce: {  	v4 =	vadd.f32 v6, v4;
	v6 =	vpop (erf);
	v14 =	vadd.s32 s0, v14;
	(erf) = vpow2.f32 v0  }
0xcf: {  	v0 =	vmul.f32 $1.442695020e+00, v12;
	(erf) = vpow2.f32 v7;
	v7 =	vmin.f32 v9, $8.000000000e+01;
	v9 =	vld.idx.msk [tilespmem:v10+s1+$0x0], $0xffff  }
0xd0: {  	v10 =	vld [tilespmem:$0x1FED0]  }
0xd1: {  	(erf) = vpow2.f32 v0;
	v0 =	vmin.f32 v2, $8.000000000e+01;
	v2 =	vld.idx.msk [tilespmem:v3+s1+$0x0], $0xffff  }
0xd2: {  	v3 =	vld [tilespmem:$0x1FEC0]  }
0xd3: {  	v12 =	vmin.f32 v13, $8.000000000e+01;
	v13 =	vld.idx.msk [tilespmem:v14+s1+$0x0], $0xffff  }
0xd4: {  	v14 =	vld [tilespmem:$0x1FEE0]  }
0xd5: {  	v10 =	vadd.s32 s0, v10;
	_ =	sdelay $0x1  }
0xd6: {  	v5 =	vadd.f32 v6, v5;
	v6 =	vpop (erf);
	v0 =	vmul.f32 $1.442695020e+00, v0;
	v3 =	vadd.s32 s0, v3  }
0xd7: {  	v8 =	vadd.f32 v11, v8;
	v11 =	vpop (erf);
	v7 =	vmul.f32 $1.442695020e+00, v7  }
0xd8: {  	v4 =	vadd.f32 v6, v4;
	v6 =	vpop (erf);
	v14 =	vadd.s32 s0, v14;
	(erf) = vpow2.f32 v0  }
0xd9: {  	v0 =	vmul.f32 $1.442695020e+00, v12;
	(erf) = vpow2.f32 v7;
	v7 =	vmin.f32 v9, $8.000000000e+01;
	v9 =	vld.idx.msk [tilespmem:v10+s1+$0x0], $0xffff  }
0xda: {  	v10 =	vld [tilespmem:$0x1FF00]  }
0xdb: {  	(erf) = vpow2.f32 v0;
	v0 =	vmin.f32 v2, $8.000000000e+01;
	v2 =	vld.idx.msk [tilespmem:v3+s1+$0x0], $0xffff  }
0xdc: {  	v3 =	vld [tilespmem:$0x1FEF0];
	_ =	sdelay $0x1  }
0xdd: {  	v12 =	vmin.f32 v13, $8.000000000e+01;
	v13 =	vld.idx.msk [tilespmem:v14+s1+$0x0], $0xffff  }
0xde: {  	v14 =	vld [tilespmem:$0x1FF10]  }
0xdf: {  	v5 =	vadd.f32 v6, v5;
	v6 =	vpop (erf);
	v0 =	vmul.f32 $1.442695020e+00, v0;
	v10 =	vadd.s32 s0, v10  }
0xe0: {  	v8 =	vadd.f32 v11, v8;
	v11 =	vpop (erf);
	v7 =	vmul.f32 $1.442695020e+00, v7;
	v3 =	vadd.s32 s0, v3  }
0xe1: {  	v4 =	vadd.f32 v6, v4;
	v6 =	vpop (erf);
	(erf) = vpow2.f32 v0;
	v0 =	vmul.f32 $1.442695020e+00, v12  }
0xe2: {  	v5 =	vadd.f32 v6, v5;
	v6 =	vpop (erf);
	(erf) = vpow2.f32 v7;
	v7 =	vld [tilespmem:$0x1FF20]  }
0xe3: {  	v14 =	vadd.s32 s0, v14;
	v12 =	vld [tilespmem:$0x1FF30];
	(erf) = vpow2.f32 v0;
	v0 =	vmin.f32 v2, $8.000000000e+01  }
0xe4: {  	v4 =	vadd.f32 v6, v4;
	v6 =	vld.idx.msk [tilespmem:v10+s1+$0x0], $0xffff;
	v0 =	vmul.f32 $1.442695020e+00, v0  }
0xe5: {  	v10 =	vmin.f32 v13, $8.000000000e+01;
	v2 =	vld.idx.msk [tilespmem:v3+s1+$0x0], $0xffff  }
0xe6: {  	v3 =	vmin.f32 v9, $8.000000000e+01;
	v9 =	vpop (erf);
	(erf) = vpow2.f32 v0;
	v0 =	vmul.f32 $1.442695020e+00, v10;
	v10 =	vld [tilespmem:$0x1FF40]  }
0xe7: {  	v7 =	vadd.s32 s0, v7  }
0xe8: {  	v8 =	vadd.f32 v11, v8;
	v11 =	vld.idx.msk [tilespmem:v14+s1+$0x0], $0xffff;
	v12 =	vadd.s32 s0, v12;
	_ =	sdelay $0x1  }
0xe9: {  	v3 =	vmul.f32 $1.442695020e+00, v3;
	v13 =	vpop (erf)  }
0xea: {  	v8 =	vadd.f32 v9, v8;
	v9 =	vpop (erf);
	v10 =	vadd.s32 s0, v10  }
0xeb: {  	(erf) = vpow2.f32 v3;
	v3 =	vadd.f32 v9, v4;
	v4 =	vld.idx.msk [tilespmem:v7+s1+$0x0], $0xffff  }
0xec: {  	v9 =	vmin.f32 v11, $8.000000000e+01;
	v11 =	vld.idx.msk [tilespmem:v12+s1+$0x0], $0xffff;
	(erf) = vpow2.f32 v0;
	v0 =	vmin.f32 v2, $8.000000000e+01  }
0xed: {  	v12 =	vld [tilespmem:$0x1FF60];
	v2 =	vmin.f32 v6, $8.000000000e+01;
	v0 =	vmul.f32 $1.442695020e+00, v0  }
0xee: {  	v7 =	vpop (erf);
	v6 =	vld [tilespmem:$0x1FF50];
	v2 =	vmul.f32 $1.442695020e+00, v2  }
0xef: {  	v5 =	vadd.f32 v13, v5;
	v13 =	vpop (erf);
	(erf) = vpow2.f32 v0;
	v0 =	vmul.f32 $1.442695020e+00, v9;
	v9 =	vld.idx.msk [tilespmem:v10+s1+$0x0], $0xffff  }
0xf0: {  	v10 =	vld [tilespmem:$0x1FF70]  }
0xf1: {  	v14 =	vld [tilespmem:$0x1FFA0];
	v7 =	vadd.f32 v7, v8;
	v8 =	vpop (erf);
	(erf) = vpow2.f32 v2  }
0xf2: {  	v2 =	vadd.f32 v8, v3;
	v3 =	vpop (erf);
	(erf) = vpow2.f32 v0;
	v0 =	vld [tilespmem:$0x1FF80]  }
0xf3: {  	v8 =	vld [tilespmem:$0x1FF90];
	v6 =	vadd.s32 s0, v6  }
0xf4: {  	v12 =	vadd.s32 s0, v12  }
0xf5: {  	v10 =	vadd.s32 s0, v10;
	_ =	sdelay $0x1  }
0xf6: {  	v14 =	vadd.s32 s0, v14;
	v5 =	vadd.f32 v13, v5;
	v0 =	vadd.s32 s0, v0  }
0xf7: {  	v4 =	vmin.f32 v4, $8.000000000e+01;
	v3 =	vadd.f32 v3, v7;
	v7 =	vpop (erf);
	v8 =	vadd.s32 s0, v8;
	v6 =	vld.idx.msk [tilespmem:v6+s1+$0x0], $0xffff  }
0xf8: {  	v11 =	vmin.f32 v11, $8.000000000e+01;
	v4 =	vmul.f32 $1.442695020e+00, v4;
	v5 =	vadd.f32 v7, v5;
	v7 =	vpop (erf);
	v12 =	vld.idx.msk [tilespmem:v12+s1+$0x0], $0xffff  }
0xf9: {  	v11 =	vmul.f32 $1.442695020e+00, v11;
	v13 =	vpop (erf);
	v9 =	vmin.f32 v9, $8.000000000e+01;
	v10 =	vld.idx.msk [tilespmem:v10+s1+$0x0], $0xffff  }
0xfa: {  	(erf) = vpow2.f32 v4;
	v2 =	vadd.f32 v7, v2;
	v7 =	vpop (erf);
	v4 =	vmul.f32 $1.442695020e+00, v9  }
0xfb: {  	(erf) = vpow2.f32 v11;
	v11 =	vadd.s32 s0, v63;
	v5 =	vadd.f32 v7, v5;
	v0 =	vld.idx.msk [tilespmem:v0+s1+$0x0], $0xffff  }
0xfc: {  	v7 =	vadd.s32 s0, v62;
	(erf) = vpow2.f32 v4;
	v4 =	vmin.f32 v6, $8.000000000e+01;
	v6 =	vld.idx.msk [tilespmem:v8+s1+$0x0], $0xffff  }
0xfd: {  	v3 =	vadd.f32 v13, v3;
	v9 =	vmin.f32 v12, $8.000000000e+01;
	v12 =	vld.idx.msk [tilespmem:v14+s1+$0x0], $0xffff;
	v8 =	vpop (erf);
	v4 =	vmul.f32 $1.442695020e+00, v4  }
0xfe: {  	v9 =	vmul.f32 $1.442695020e+00, v9;
	v2 =	vadd.f32 v8, v2;
	v8 =	vpop (erf);
	v10 =	vmin.f32 v10, $8.000000000e+01  }
0xff: {  	v13 =	vpop (erf);
	(erf) = vpow2.f32 v4;
	v4 =	vmul.f32 $1.442695020e+00, v10;
	v10 =	vadd.s32 s0, v59  }
0x100: {  	v3 =	vadd.f32 v8, v3;
	v8 =	vld.idx.msk [tilespmem:v11+s1+$0x0], $0xffff;
	v5 =	vadd.f32 v13, v5;
	(erf) = vpow2.f32 v9  }
0x101: {  	v0 =	vmin.f32 v0, $8.000000000e+01;
	(erf) = vpow2.f32 v4;
	v4 =	vmin.f32 v6, $8.000000000e+01;
	v6 =	vld.idx.msk [tilespmem:v7+s1+$0x0], $0xffff  }
0x102: {  	v12 =	vmin.f32 v12, $8.000000000e+01;
	v9 =	vadd.s32 s0, v60;
	v7 =	vmul.f32 $1.442695020e+00, v0  }
0x103: {  	v11 =	vpop (erf);
	v13 =	vadd.s32 s0, v61;
	v0 =	vadd.s32 $0x3F, v1;
	v4 =	vmul.f32 $1.442695020e+00, v4  }
0x104: {  	v14 =	vpop (erf);
	(erf) = vpow2.f32 v7;
	v7 =	vmul.f32 $1.442695020e+00, v12;
	v12 =	vadd.s32 s0, v0;
	v10 =	vld.idx.msk [tilespmem:v10+s1+$0x0], $0xffff  }
0x105: {  	v11 =	vadd.f32 v11, v2;
	v14 =	vadd.f32 v14, v3;
	v2 =	vpop (erf);
	v3 =	vmin.f32 v8, $8.000000000e+01  }
0x106: {  	v15 =	vadd.f32 v2, v5;
	(erf) = vpow2.f32 v4;
	v2 =	vmin.f32 v6, $8.000000000e+01  }
0x107: {  	(erf) = vpow2.f32 v7;
	v6 =	vld.idx.msk [tilespmem:v9+s1+$0x0], $0xffff;
	v5 =	vmul.f32 $1.442695020e+00, v2;
	v2 =	vadd.s32 $0x40, v1  }
0x108: {  	v8 =	vld.idx.msk [tilespmem:v13+s1+$0x0], $0xffff;
	v7 =	vmul.f32 $1.442695020e+00, v3;
	v3 =	vadd.s32 $0x41, v1;
	v9 =	vadd.s32 s0, v2  }
0x109: {  	v4 =	vadd.s32 $0x42, v1;
	v13 =	vpop (erf);
	v16 =	vadd.s32 s0, v3;
	v12 =	vld.idx.msk [tilespmem:v12+s1+$0x0], $0xffff;
	v10 =	vmin.f32 v10, $8.000000000e+01  }
0x10a: {  	v17 =	vpop (erf);
	(erf) = vpow2.f32 v5;
	v5 =	vmul.f32 $1.442695020e+00, v10;
	v10 =	vadd.s32 s0, v4  }
0x10b: {  	v11 =	vadd.f32 v13, v11;
	v13 =	vadd.f32 v17, v14;
	(erf) = vpow2.f32 v7  }
0x10c: {  	v6 =	vmin.f32 v6, $8.000000000e+01;
	(erf) = vpow2.f32 v5;
	v5 =	vadd.s32 $0x43, v1  }
0x10d: {  	v7 =	vmul.f32 $1.442695020e+00, v6;
	v6 =	vmin.f32 v8, $8.000000000e+01;
	v8 =	vld.idx.msk [tilespmem:v9+s1+$0x0], $0xffff;
	v9 =	vadd.s32 s0, v5  }
0x10e: {  	v14 =	vpop (erf);
	v16 =	vld.idx.msk [tilespmem:v16+s1+$0x0], $0xffff;
	v17 =	vmul.f32 $1.442695020e+00, v6;
	v12 =	vmin.f32 v12, $8.000000000e+01;
	v6 =	vadd.s32 $0x44, v1  }
0x10f: {  	v18 =	vpop (erf);
	(erf) = vpow2.f32 v7;
	v7 =	vmul.f32 $1.442695020e+00, v12;
	v12 =	vadd.s32 s0, v6;
	v10 =	vld.idx.msk [tilespmem:v10+s1+$0x0], $0xffff  }
0x110: {  	v14 =	vadd.f32 v14, v15;
	v11 =	vadd.f32 v18, v11;
	v15 =	vpop (erf);
	(erf) = vpow2.f32 v17  }
0x111: {  	v15 =	vadd.f32 v15, v13;
	(erf) = vpow2.f32 v7;
	v7 =	vadd.s32 $0x45, v1  }
0x112: {  	v18 =	vadd.s32 s0, v7;
	v13 =	vmin.f32 v8, $8.000000000e+01;
	v17 =	vld.idx.msk [tilespmem:v9+s1+$0x0], $0xffff;
	v8 =	vadd.s32 $0x46, v1  }
0x113: {  	v9 =	vmin.f32 v16, $8.000000000e+01;
	v13 =	vmul.f32 $1.442695020e+00, v13;
	v16 =	vadd.s32 s0, v8  }
0x114: {  	v19 =	vpop (erf);
	v20 =	vmul.f32 $1.442695020e+00, v9;
	v12 =	vld.idx.msk [tilespmem:v12+s1+$0x0], $0xffff;
	v9 =	vadd.s32 $0x47, v1;
	v10 =	vmin.f32 v10, $8.000000000e+01  }
0x115: {  	v21 =	vpop (erf);
	(erf) = vpow2.f32 v13;
	v10 =	vmul.f32 $1.442695020e+00, v10;
	v13 =	vadd.s32 s0, v9  }
0x116: {  	v14 =	vadd.f32 v19, v14;
	v19 =	vadd.f32 v21, v11;
	(erf) = vpow2.f32 v20  }
0x117: {  	(erf) = vpow2.f32 v10;
	v11 =	vmin.f32 v17, $8.000000000e+01;
	v17 =	vld.idx.msk [tilespmem:v18+s1+$0x0], $0xffff;
	v10 =	vadd.s32 $0x48, v1  }
0x118: {  	v18 =	vmul.f32 $1.442695020e+00, v11;
	v16 =	vld.idx.msk [tilespmem:v16+s1+$0x0], $0xffff;
	v20 =	vadd.s32 s0, v10;
	v11 =	vadd.s32 $0x49, v1  }
0x119: {  	v21 =	vmin.f32 v12, $8.000000000e+01;
	v12 =	vadd.s32 $0x4A, v1;
	v22 =	vadd.s32 s0, v11  }
0x11a: {  	v23 =	vpop (erf);
	v21 =	vmul.f32 $1.442695020e+00, v21;
	v25 =	vadd.s32 s0, v12;
	v24 =	vld.idx.msk [tilespmem:v13+s1+$0x0], $0xffff;
	v13 =	vadd.s32 $0x4B, v1  }
0x11b: {  	v23 =	vadd.f32 v23, v15;
	v15 =	vpop (erf);
	(erf) = vpow2.f32 v18;
	v18 =	vadd.s32 s0, v13  }
0x11c: {  	v26 =	vadd.f32 v15, v14;
	(erf) = vpow2.f32 v21;
	v14 =	vmin.f32 v17, $8.000000000e+01  }
0x11d: {  	v17 =	vmul.f32 $1.442695020e+00, v14;
	v15 =	vmin.f32 v16, $8.000000000e+01;
	v20 =	vld.idx.msk [tilespmem:v20+s1+$0x0], $0xffff;
	v14 =	vadd.s32 $0x4C, v1  }
0x11e: {  	v21 =	vmul.f32 $1.442695020e+00, v15;
	v22 =	vld.idx.msk [tilespmem:v22+s1+$0x0], $0xffff;
	v27 =	vadd.s32 s0, v14;
	v15 =	vadd.s32 $0x4D, v1  }
0x11f: {  	v45 =	vmovc v29;
	v46 =	vmovc v30;
	v16 =	vadd.s32 $0x4E, v1;
	v25 =	vld.idx.msk [tilespmem:v25+s1+$0x0], $0xffff;
	v24 =	vmin.f32 v24, $8.000000000e+01;
	v29 =	vadd.s32 s0, v15  }
0x120: {  	v30 =	vpop (erf);
	v54 =	vadd.s32 s0, v16;
	(erf) = vpow2.f32 v17;
	v24 =	vmul.f32 $1.442695020e+00, v24;
	v31 =	vld.idx.msk [tilespmem:v18+s1+$0x0], $0xffff  }
0x121: {  	v19 =	vadd.f32 v30, v19;
	v17 =	vadd.s32 $0x4F, v1;
	(erf) = vpow2.f32 v21  }
0x122: {  	(erf) = vpow2.f32 v24;
	v18 =	vmin.f32 v20, $8.000000000e+01;
	v20 =	vadd.s32 s0, v17  }
0x123: {  	v21 =	vmul.f32 $1.442695020e+00, v18;
	v22 =	vmin.f32 v22, $8.000000000e+01;
	v24 =	vld.idx.msk [tilespmem:v27+s1+$0x0], $0xffff;
	v18 =	vadd.s32 $0x50, v1  }
0x124: {  	v27 =	vpop (erf);
	v25 =	vmin.f32 v25, $8.000000000e+01;
	v22 =	vmul.f32 $1.442695020e+00, v22;
	v29 =	vld.idx.msk [tilespmem:v29+s1+$0x0], $0xffff;
	v30 =	vadd.s32 s0, v18  }
0x125: {  	v55 =	vpop (erf);
	(erf) = vpow2.f32 v21;
	v21 =	vmul.f32 $1.442695020e+00, v25;
	v25 =	vmin.f32 v31, $8.000000000e+01;
	v31 =	vld.idx.msk [tilespmem:v54+s1+$0x0], $0xffff  }
0x126: {  	v23 =	vadd.f32 v27, v23;
	v27 =	vpop (erf);
	(erf) = vpow2.f32 v22;
	v22 =	vmul.f32 $1.442695020e+00, v25  }
0x127: {  	v25 =	vadd.f32 v55, v26;
	v26 =	vadd.f32 v27, v19;
	v19 =	vpop (erf);
	(erf) = vpow2.f32 v21  }
0x128: {  	v47 =	vmovc v32;
	v21 =	vld.idx.msk [tilespmem:v20+s1+$0x0], $0xffff;
	v27 =	vadd.f32 v19, v23;
	(erf) = vpow2.f32 v22;
	v19 =	vmin.f32 v24, $8.000000000e+01  }
0x129: {  	v48 =	vmovc v33;
	v49 =	vmovc v34;
	v22 =	vmul.f32 $1.442695020e+00, v19;
	v20 =	vmin.f32 v29, $8.000000000e+01;
	v19 =	vmul.u32 $0x4, v44  }
0x12a: {  	v23 =	vld.idx.msk [tilespmem:v30+s1+$0x0], $0xffff;
	v30 =	vpop (erf);
	v24 =	vmul.f32 $1.442695020e+00, v20;
	v29 =	vmin.f32 v31, $8.000000000e+01;
	v20 =	vmul.u32 $0x6, v44  }
0x12b: {  	v31 =	vpop (erf);
	v30 =	vadd.f32 v30, v25;
	(erf) = vpow2.f32 v22;
	v22 =	vmul.f32 $1.442695020e+00, v29  }
0x12c: {  	v50 =	vmovc v35;
	v51 =	vmovc v36;
	v29 =	vor.u32 s28, v19;
	v31 =	vadd.f32 v31, v26;
	v26 =	vor.u32 $0x3, v19  }
0x12d: {  	v52 =	vmovc v37;
	v53 =	vmovc v38;
	(erf) = vpow2.f32 v24;
	v21 =	vmin.f32 v21, $8.000000000e+01;
	v24 =	vadd.s32 s26, v20  }
0x12e: {  	v54 =	vmovc v39;
	v55 =	vmovc v40;
	(erf) = vpow2.f32 v22;
	v56 =	vmul.f32 $1.442695020e+00, v21;
	v21 =	vadd.s32 $0x4, v20  }
0x12f: {  	v57 =	vpop (erf);
	v22 =	vor.u32 $0x1, v19;
	v23 =	vmin.f32 v23, $8.000000000e+01;
	v34 =	vadd.s32 s26, v21  }
0x130: {  	v35 =	vpop (erf);
	v37 =	vor.u32 s28, v22;
	v58 =	vmul.f32 $1.442695020e+00, v23;
	v23 =	vor.u32 $0x1, v20  }
0x131: {  	v33 =	vadd.f32 v57, v27;
	v38 =	vpop (erf);
	(erf) = vpow2.f32 v56;
	v29 =	vld.idx.msk [tilespmem:v29+s16+$0x0], $0xffff;
	v32 =	vadd.s32 s26, v23  }
0x132: {  	v25 =	vadd.s32 $0x2, v20;
	v57 =	vmov v42;
	v39 =	vpop (erf);
	(erf) = vpow2.f32 v58;
	v36 =	vld.idx.msk [tilespmem:v24+s17+$0x0], $0xffff  }
0x133: {  	v30 =	vadd.f32 v35, v30;
	v35 =	vadd.s32 s26, v25;
	v40 =	vpop (erf);
	v24 =	vor.u32 $0x2, v19  }
0x134: {  	v27 =	vadd.s32 $0x3, v20;
	v42 =	vpop (erf);
	v56 =	vmov v41;
	v41 =	vor.u32 s28, v24;
	v34 =	vld.idx.msk [tilespmem:v34+s17+$0x0], $0xffff  }
0x135: {  	v31 =	vadd.f32 v38, v31;
	v38 =	vor.u32 s28, v26;
	v58 =	vmov v43;
	v43 =	vpop (erf);
	v37 =	vld.idx.msk [tilespmem:v37+s16+$0x0], $0xffff  }
0x136: {  	v33 =	vadd.f32 v39, v33;
	v30 =	vadd.f32 v40, v30;
	v40 =	vadd.s32 s26, v27;
	v39 =	vpop (erf);
	v32 =	vld.idx.msk [tilespmem:v32+s17+$0x0], $0xffff  }
0x137: {  	v31 =	vadd.f32 v42, v31;
	v42 =	vpop (erf);
	v29 =	vsub.f32 v29, v36  }
0x138: {  	v35 =	vld.idx.msk [tilespmem:v35+s17+$0x0], $0xffff;
	v33 =	vadd.f32 v43, v33;
	v30 =	vadd.f32 v39, v30;
	v36 =	vpop (erf)  }
0x139: {  	v31 =	vadd.f32 v42, v31;
	v39 =	vld.idx.msk [tilespmem:v41+s16+$0x0], $0xffff;
	v41 =	vpop (erf);
	v42 =	vtrunc.f32 v34;
	v43 =	vmul.f32 $5.000000000e-01, v29  }
0x13a: {  	v38 =	vld.idx.msk [tilespmem:v38+s16+$0x0], $0xffff;
	v33 =	vadd.f32 v36, v33;
	v30 =	vadd.f32 v41, v30;
	v36 =	vpop (erf);
	v41 =	vcvt.f32.s32 v42  }
0x13b: {  	v31 =	vadd.f32 v36, v31;
	v36 =	vpop (erf);
	v42 =	vmul.f32 v43, v29;
	v32 =	vsub.f32 v37, v32;
	v37 =	vld.idx.msk [tilespmem:v40+s17+$0x0], $0xffff  }
0x13c: {  	v29 =	vand.u32 $0x7FFFFFFF, v29;
	v33 =	vadd.f32 v36, v33;
	v28 =	vadd.s32 v41, v28  }
0x13d: {  	v36 =	vadd.f32 $-5.000000000e-01, v29;
	v40 =	vadd.f32 $0.0e+00, v42;
	v42 =	vmul.f32 $5.000000000e-01, v32  }
0x13e: {  	vm0 =	vlt.f32 v29, $1.000000000e+00;
	v29 =	vsub.f32 v39, v35;
	v35 =	vand.u32 $0x7FFFFFFF, v32  }
0x13f: {  	v30 =	vadd.f32 v31, v30;
	v39 =	vadd.f32 $-5.000000000e-01, v35;
	v32 =	vmul.f32 v42, v32  }
0x140: {  	vm12 =	vlt.f32 v35, $1.000000000e+00;
	v35 =	vsub.f32 v38, v37;
	v37 =	vmul.f32 $5.000000000e-01, v29  }
0x141: {  	v36 =	vsel vm0, v40, v36;
	v31 =	vsel vm12, v32, v39;
	v32 =	vand.u32 $0x7FFFFFFF, v29  }
0x142: {  	v29 =	vmul.f32 v37, v29;
	v37 =	vadd.f32 $-5.000000000e-01, v32;
	v38 =	vmul.f32 $5.000000000e-01, v35  }
0x143: {  	v28 =	vld.idx.msk [tilespmem:v28+s1+$0x0], $0xffff;
	v31 =	vadd.f32 v31, v36;
	vm13 =	vlt.f32 v32, $1.000000000e+00;
	v32 =	vand.u32 $0x7FFFFFFF, v35  }
0x144: {  	v36 =	vadd.f32 $-5.000000000e-01, v32;
	v29 =	vsel vm13, v29, v37;
	v35 =	vmul.f32 v38, v35  }
0x145: {  	vm14 =	vlt.f32 v32, $1.000000000e+00;
	v29 =	vadd.f32 v29, v31  }
0x146: {  	p1 =	sne.s32 s0, $0x9CF0;
	v30 =	vadd.f32 v33, v30;
	v31 =	vsel vm14, v35, v36  }
.Ltmp0:
0x147: {  	s2 =	sshra.s32 s28, $0x2;
	v29 =	vadd.f32 v31, v29;
	(pc) =	sbr.rel @p1 .LBB2_3-.Ltmp0, $4  }
0x148: {  	vm15 =	vgt.s32 v41, $0x0;
	[tilespmem:s2+$0x16C00] =	vst v30;
	v28 =	vsub.f32 $0.0e+00, v28  }
0x149: {  	v43 =	vmovc v58;
	v41 =	vmovc v56;
	v33 =	vmov v48;
	v40 =	vmov v55;
	v42 =	vmov v57;
	[tilespmem:s2+$0x17000] =	vst v34  }
0x14a: {  	v34 =	vmovc v49;
	v39 =	vmovc v54;
	v30 =	vmov v46;
	v32 =	vmov v47;
	[tilespmem:s2+$0x16E00] =	vst v28;
	v28 =	vnsel vm15, $0x0, v29  }
0x14b: {  	s0 =	sadd.s32 $0x510, s0;
	s26 =	sadd.s32 $0x60, s26;
	s28 =	sadd.s32 $0x40, s28;
	v37 =	vmovc v52;
	v38 =	vmovc v53;
	v36 =	vmov v51;
	v35 =	vmov v50;
	[tilespmem:s2+$0x17200] =	vst v28;
	v29 =	vmov v45  }
0x14c: {  	s0 =	sshrl.u32 s25, $0x3  }
0x14d: {  	s28 =	simm.s32 $0x16C00;
	s2 =	sadd.s32 s6, s0  }
0x14e: {  	[hbm4b:s2+s1] =	stream.linear.scatter [tilespmem:s28], [sflag:$0x7], $0x200, $0x38;
	[tilespmem:$0x17C00] =	vst v63  }
0x14f: {  	p1 =	seq.s32 s15, $0xB;
	s26 =	sadd.s32 s7, s0;
	s28 =	simm.s32 $0x16E00  }
0x150: {  	[hbm4b:s26+s1] =	stream.linear.scatter [tilespmem:s28], [sflag:$0x7], $0x200, $0x38;
	[tilespmem:$0x17C00] =	vst v63  }
0x151: {  	s25 =	sadd.s32 s8, s0;
	s2 =	sadd.s32 @!p1 s14, s24;
	s26 =	simm.s32 $0x17000  }
0x152: {  	[hbm4b:s25+s1] =	stream.linear.scatter [tilespmem:s26], [sflag:$0x7], $0x200, $0x38;
	[tilespmem:$0x17C00] =	vst v63  }
0x153: {  	s0 =	sadd.s32 s9, s0;
	s24 =	smul.u32 @!p1 $0x51, s2;
	s28 =	simm.s32 $0x17200  }
0x154: {  	[hbm4b:s0+s1] =	stream.linear.scatter [tilespmem:s28], [sflag:$0x7], $0x200, $0x38;
	[tilespmem:$0x17C00] =	vst v63  }
0x155: {  	s0 =	sshrl.u32 @!p1 s24, $0x3  }
0x156: {  	s24 =	simm.s32 @!p1 $0x0;
	s0 =	sadd.s32 @!p1 s4, s0  }
0x157: {  	[tilespmem:s24], [sflag:$0x1] =	stream.linear.gather @!p1 [hbm4b:s0+s24], $0xA200, $0x38;
	[tilespmem:$0x17C00] =	vst v63  }
0x158: {  	s0 =	sshrl.u32 @!p1 s2, $0x1  }
0x159: {  	s25 =	simm.s32 @!p1 $0x14400;
	s2 =	smul.u32 @!p1 $0x6, s2;
	s0 =	sadd.s32 @!p1 s3, s0  }
0x15a: {  	[tilespmem:s25], [sflag:$0x3] =	stream.linear.gather @!p1 [hbm4b:s0+s24], $0x800, $0x38;
	[tilespmem:$0x17C00] =	vst v63  }
0x15b: {  	s0 =	sshrl.u32 @!p1 s2, $0x3  }
0x15c: {  	s2 =	simm.s32 @!p1 $0x15400;
	s0 =	sadd.s32 @!p1 s5, s0  }
0x15d: {  	[tilespmem:s2], [sflag:$0x5] =	stream.linear.gather @!p1 [hbm4b:s0+s24], $0xC00, $0x38;
	[tilespmem:$0x17C00] =	vst v63  }
0x15e: {  	_ =	swait.ge [sflag:s29], $0xA200  }
0x15f: {  	[sflag:s29] =	ssyncset.done $0x0  }
0x160: {  	[sflag:s29] =	ssyncadd.s32 $0xFFFF5E00  }
0x161: {  	_ =	swait.ge [sflag:s30], $0x800  }
0x162: {  	[sflag:s30] =	ssyncset.done $0x0  }
0x163: {  	[sflag:s30] =	ssyncadd.s32 $0xFFFFF800  }
0x164: {  	_ =	swait.ge [sflag:s31], $0xC00  }
0x165: {  	[sflag:s31] =	ssyncset.done $0x0  }
0x166: {  	s0 =	simm.s32 @!p0 $0x8;
	[sflag:s31] =	ssyncadd.s32 $0xFFFFF400  }
0x167: {  	_ =	swait.ge @!p0 [sflag:s0], $0x200  }
0x168: {  	[sflag:s0] =	ssyncset.done @!p0 $0x0  }
0x169: {  	[sflag:s0] =	ssyncadd.s32 @!p0 $0xFFFFFE00  }
0x16a: {  	_ =	swait.ge @!p0 [sflag:s0], $0x200  }
0x16b: {  	[sflag:s0] =	ssyncset.done @!p0 $0x0  }
0x16c: {  	[sflag:s0] =	ssyncadd.s32 @!p0 $0xFFFFFE00  }
0x16d: {  	_ =	swait.ge @!p0 [sflag:s0], $0x200  }
0x16e: {  	[sflag:s0] =	ssyncset.done @!p0 $0x0  }
0x16f: {  	[sflag:s0] =	ssyncadd.s32 @!p0 $0xFFFFFE00  }
0x170: {  	_ =	swait.ge @!p0 [sflag:s0], $0x200  }
0x171: {  	s25 =	simm.s32 $0x0;
	[sflag:s0] =	ssyncset.done @!p0 $0x0  }
0x172: {  	s24 =	simm.s32 $0x0;
	[sflag:s0] =	ssyncadd.s32 @!p0 $0xFFFFFE00;
	s0 =	simm.s32 $0x0  }
.LBB2_5:
0x173: {  	v28 =	vadd.s32 s25, v1  }
0x174: {  	v29 =	vadd.s32 s25, v45;
	_ =	sdelay $0x2  }
0x175: {  	v30 =	vadd.s32 s25, v46  }
0x176: {  	v32 =	vadd.s32 s25, v47;
	v31 =	vld.idx.msk [tilespmem:v28+s18+$0x0], $0xffff  }
0x177: {  	v33 =	vadd.s32 s25, v48;
	v29 =	vld.idx.msk [tilespmem:v29+s18+$0x0], $0xffff;
	_ =	sdelay $0x2  }
0x178: {  	v34 =	vadd.s32 s25, v49;
	v30 =	vld.idx.msk [tilespmem:v30+s18+$0x0], $0xffff  }
0x179: {  	v35 =	vadd.s32 s25, v50;
	v32 =	vld.idx.msk [tilespmem:v32+s18+$0x0], $0xffff;
	v31 =	vmin.f32 v31, $8.000000000e+01  }
0x17a: {  	v36 =	vadd.s32 s25, v51;
	v33 =	vld.idx.msk [tilespmem:v33+s18+$0x0], $0xffff;
	v29 =	vmin.f32 v29, $8.000000000e+01;
	v31 =	vmul.f32 $1.442695020e+00, v31  }
0x17b: {  	v29 =	vmul.f32 $1.442695020e+00, v29  }
0x17c: {  	(erf) = vpow2.f32 v31  }
0x17d: {  	(erf) = vpow2.f32 v29;
	v29 =	vmin.f32 v30, $8.000000000e+01;
	v30 =	vld.idx.msk [tilespmem:v34+s18+$0x0], $0xffff  }
0x17e: {  	v32 =	vmin.f32 v32, $8.000000000e+01;
	v31 =	vadd.s32 s25, v37;
	v34 =	vld.idx.msk [tilespmem:v35+s18+$0x0], $0xffff;
	v29 =	vmul.f32 $1.442695020e+00, v29  }
0x17f: {  	v44 =	vadd.s32 s25, v39;
	v36 =	vld.idx.msk [tilespmem:v36+s18+$0x0], $0xffff;
	v33 =	vmin.f32 v33, $8.000000000e+01;
	v32 =	vmul.f32 $1.442695020e+00, v32  }
0x180: {  	(erf) = vpow2.f32 v29;
	v29 =	vmul.f32 $1.442695020e+00, v33  }
0x181: {  	v35 =	vadd.s32 s25, v38;
	(erf) = vpow2.f32 v32  }
0x182: {  	(erf) = vpow2.f32 v29;
	v29 =	vmin.f32 v30, $8.000000000e+01  }
0x183: {  	v30 =	vld.idx.msk [tilespmem:v31+s18+$0x0], $0xffff;
	v31 =	vadd.s32 s25, v40;
	v39 =	vmin.f32 v34, $8.000000000e+01;
	v34 =	vadd.s32 s25, v41  }
0x184: {  	v41 =	vmin.f32 v36, $8.000000000e+01;
	v36 =	vld.idx.msk [tilespmem:v44+s18+$0x0], $0xffff;
	v44 =	vadd.s32 s25, v42;
	v29 =	vmul.f32 $1.442695020e+00, v29  }
0x185: {  	v32 =	vmul.f32 $1.442695020e+00, v39  }
0x186: {  	v40 =	vld.idx.msk [tilespmem:v35+s18+$0x0], $0xffff;
	(erf) = vpow2.f32 v29;
	v29 =	vmul.f32 $1.442695020e+00, v41  }
0x187: {  	v41 =	vld [tilespmem:$0x1FD00];
	(erf) = vpow2.f32 v32  }
0x188: {  	(erf) = vpow2.f32 v29;
	v29 =	vmin.f32 v30, $8.000000000e+01;
	v30 =	vld.idx.msk [tilespmem:v31+s18+$0x0], $0xffff  }
0x189: {  	v31 =	vadd.s32 s25, v43;
	v43 =	vld.idx.msk [tilespmem:v44+s18+$0x0], $0xffff  }
0x18a: {  	v44 =	vld [tilespmem:$0x1FD10]  }
0x18b: {  	v40 =	vmin.f32 v40, $8.000000000e+01;
	v33 =	vld.idx.msk [tilespmem:v34+s18+$0x0], $0xffff;
	v29 =	vmul.f32 $1.442695020e+00, v29  }
0x18c: {  	v42 =	vmin.f32 v36, $8.000000000e+01;
	v32 =	vmul.f32 $1.442695020e+00, v40;
	v40 =	vld [tilespmem:$0x1FD20]  }
0x18d: {  	v34 =	vadd.s32 s25, v41;
	(erf) = vpow2.f32 v29;
	v29 =	vmul.f32 $1.442695020e+00, v42;
	v42 =	vld [tilespmem:$0x1FD30]  }
0x18e: {  	(erf) = vpow2.f32 v32  }
0x18f: {  	v37 =	vadd.s32 s25, v44;
	(erf) = vpow2.f32 v29;
	v29 =	vmin.f32 v30, $8.000000000e+01;
	v30 =	vld.idx.msk [tilespmem:v31+s18+$0x0], $0xffff  }
0x190: {  	v41 =	vmin.f32 v33, $8.000000000e+01;
	v44 =	vld [tilespmem:$0x1FD40]  }
0x191: {  	v31 =	vadd.s32 s25, v40;
	v29 =	vmul.f32 $1.442695020e+00, v29;
	v32 =	vmul.f32 $1.442695020e+00, v41;
	v41 =	vld [tilespmem:$0x1FD50]  }
0x192: {  	v43 =	vmin.f32 v43, $8.000000000e+01;
	v33 =	vld.idx.msk [tilespmem:v34+s18+$0x0], $0xffff;
	v34 =	vadd.s32 s25, v42  }
0x193: {  	(erf) = vpow2.f32 v29;
	v29 =	vmul.f32 $1.442695020e+00, v43;
	v43 =	vld [tilespmem:$0x1FD60]  }
0x194: {  	v36 =	vld.idx.msk [tilespmem:v37+s18+$0x0], $0xffff  }
0x195: {  	v40 =	vpop (erf);
	(erf) = vpow2.f32 v32;
	v37 =	vadd.s32 s25, v44;
	v44 =	vld [tilespmem:$0x1FD70]  }
0x196: {  	v38 =	vpop (erf);
	(erf) = vpow2.f32 v29;
	v29 =	vmin.f32 v30, $8.000000000e+01;
	v30 =	vld.idx.msk [tilespmem:v31+s18+$0x0], $0xffff  }
0x197: {  	v31 =	vadd.s32 s25, v41;
	v42 =	vmin.f32 v33, $8.000000000e+01;
	v33 =	vld.idx.msk [tilespmem:v34+s18+$0x0], $0xffff  }
0x198: {  	v29 =	vmul.f32 $1.442695020e+00, v29;
	v34 =	vadd.s32 s25, v43;
	v43 =	vld [tilespmem:$0x1FD80]  }
0x199: {  	v35 =	vadd.f32 $0.0e+00, v40;
	v39 =	vpop (erf);
	v32 =	vmul.f32 $1.442695020e+00, v42;
	v42 =	vld [tilespmem:$0x1FDA0];
	v36 =	vmin.f32 v36, $8.000000000e+01  }
0x19a: {  	v40 =	vadd.s32 s25, v44;
	v44 =	vpop (erf);
	(erf) = vpow2.f32 v29;
	v29 =	vmul.f32 $1.442695020e+00, v36  }
0x19b: {  	(erf) = vpow2.f32 v32  }
0x19c: {  	v36 =	vadd.f32 $0.0e+00, v39;
	v39 =	vpop (erf);
	(erf) = vpow2.f32 v29;
	v29 =	vmin.f32 v30, $8.000000000e+01;
	v30 =	vld.idx.msk [tilespmem:v31+s18+$0x0], $0xffff  }
0x19d: {  	v31 =	vadd.s32 s25, v43;
	v43 =	vld [tilespmem:$0x1FD90]  }
0x19e: {  	v42 =	vadd.s32 s25, v42  }
0x19f: {  	v37 =	vld.idx.msk [tilespmem:v37+s18+$0x0], $0xffff;
	_ =	sdelay $0x1  }
0x1a0: {  	v35 =	vadd.f32 v44, v35;
	v44 =	vmin.f32 v33, $8.000000000e+01;
	v33 =	vld.idx.msk [tilespmem:v34+s18+$0x0], $0xffff  }
0x1a1: {  	v41 =	vpop (erf);
	v34 =	vadd.s32 s25, v43;
	v43 =	vld [tilespmem:$0x1FDB0]  }
0x1a2: {  	v36 =	vadd.f32 v41, v36;
	v29 =	vmul.f32 $1.442695020e+00, v29;
	v41 =	vld.idx.msk [tilespmem:v42+s18+$0x0], $0xffff  }
0x1a3: {  	v32 =	vmul.f32 $1.442695020e+00, v44;
	v37 =	vmin.f32 v37, $8.000000000e+01;
	v42 =	vld [tilespmem:$0x1FDD0]  }
0x1a4: {  	(erf) = vpow2.f32 v29;
	v29 =	vmul.f32 $1.442695020e+00, v37  }
0x1a5: {  	v40 =	vld.idx.msk [tilespmem:v40+s18+$0x0], $0xffff;
	v44 =	vpop (erf);
	(erf) = vpow2.f32 v32  }
0x1a6: {  	v37 =	vpop (erf);
	(erf) = vpow2.f32 v29;
	v29 =	vmin.f32 v30, $8.000000000e+01;
	v30 =	vld.idx.msk [tilespmem:v31+s18+$0x0], $0xffff  }
0x1a7: {  	v31 =	vadd.s32 s25, v43;
	v43 =	vld [tilespmem:$0x1FDC0]  }
0x1a8: {  	v42 =	vadd.s32 s25, v42;
	_ =	sdelay $0x1  }
0x1a9: {  	v38 =	vadd.f32 $0.0e+00, v38  }
0x1aa: {  	v35 =	vadd.f32 v44, v35;
	v44 =	vmin.f32 v33, $8.000000000e+01;
	v29 =	vmul.f32 $1.442695020e+00, v29;
	v33 =	vld.idx.msk [tilespmem:v34+s18+$0x0], $0xffff  }
0x1ab: {  	v38 =	vadd.f32 v39, v38;
	v40 =	vmin.f32 v40, $8.000000000e+01;
	v34 =	vadd.s32 s25, v43;
	v43 =	vld [tilespmem:$0x1FDE0]  }
0x1ac: {  	v39 =	vpop (erf);
	(erf) = vpow2.f32 v29;
	v29 =	vmul.f32 $1.442695020e+00, v40;
	v40 =	vmin.f32 v41, $8.000000000e+01;
	v41 =	vld.idx.msk [tilespmem:v42+s18+$0x0], $0xffff  }
0x1ad: {  	v32 =	vmul.f32 $1.442695020e+00, v44;
	v42 =	vld [tilespmem:$0x1FE00];
	_ =	sdelay $0x1  }
0x1ae: {  	v44 =	vpop (erf);
	(erf) = vpow2.f32 v32  }
0x1af: {  	v37 =	vadd.f32 v37, v38;
	v38 =	vpop (erf);
	(erf) = vpow2.f32 v29;
	v29 =	vmin.f32 v30, $8.000000000e+01;
	v30 =	vld.idx.msk [tilespmem:v31+s18+$0x0], $0xffff  }
0x1b0: {  	v31 =	vadd.s32 s25, v43;
	v43 =	vld [tilespmem:$0x1FDF0]  }
0x1b1: {  	v42 =	vadd.s32 s25, v42;
	_ =	sdelay $0x2  }
0x1b2: {  	v35 =	vadd.f32 v44, v35;
	v29 =	vmul.f32 $1.442695020e+00, v29;
	v44 =	vmin.f32 v33, $8.000000000e+01;
	v33 =	vld.idx.msk [tilespmem:v34+s18+$0x0], $0xffff  }
0x1b3: {  	v36 =	vadd.f32 v39, v36;
	v34 =	vadd.s32 s25, v43;
	v43 =	vld [tilespmem:$0x1FE10]  }
0x1b4: {  	v39 =	vpop (erf);
	(erf) = vpow2.f32 v29;
	v29 =	vmul.f32 $1.442695020e+00, v40;
	v40 =	vmin.f32 v41, $8.000000000e+01;
	v41 =	vld.idx.msk [tilespmem:v42+s18+$0x0], $0xffff  }
0x1b5: {  	v32 =	vmul.f32 $1.442695020e+00, v44;
	v42 =	vld [tilespmem:$0x1FE30];
	_ =	sdelay $0x1  }
0x1b6: {  	v44 =	vpop (erf);
	(erf) = vpow2.f32 v32  }
0x1b7: {  	v37 =	vadd.f32 v38, v37;
	v38 =	vpop (erf);
	(erf) = vpow2.f32 v29;
	v29 =	vmin.f32 v30, $8.000000000e+01;
	v30 =	vld.idx.msk [tilespmem:v31+s18+$0x0], $0xffff  }
0x1b8: {  	v31 =	vadd.s32 s25, v43;
	v43 =	vld [tilespmem:$0x1FE20]  }
0x1b9: {  	v42 =	vadd.s32 s25, v42;
	_ =	sdelay $0x1  }
0x1ba: {  	v35 =	vadd.f32 v44, v35;
	v44 =	vmin.f32 v33, $8.000000000e+01  }
0x1bb: {  	v29 =	vmul.f32 $1.442695020e+00, v29;
	v33 =	vld.idx.msk [tilespmem:v34+s18+$0x0], $0xffff  }
0x1bc: {  	v36 =	vadd.f32 v39, v36;
	v39 =	vpop (erf);
	v32 =	vmul.f32 $1.442695020e+00, v44;
	v34 =	vadd.s32 s25, v43;
	v43 =	vld [tilespmem:$0x1FE40]  }
0x1bd: {  	v44 =	vpop (erf);
	(erf) = vpow2.f32 v29;
	v29 =	vmul.f32 $1.442695020e+00, v40;
	v40 =	vmin.f32 v41, $8.000000000e+01;
	v41 =	vld.idx.msk [tilespmem:v42+s18+$0x0], $0xffff  }
0x1be: {  	v42 =	vld [tilespmem:$0x1FE60];
	_ =	sdelay $0x1  }
0x1bf: {  	(erf) = vpow2.f32 v32  }
0x1c0: {  	v37 =	vadd.f32 v38, v37;
	v38 =	vpop (erf);
	(erf) = vpow2.f32 v29;
	v29 =	vmin.f32 v30, $8.000000000e+01;
	v30 =	vld.idx.msk [tilespmem:v31+s18+$0x0], $0xffff  }
0x1c1: {  	v31 =	vadd.s32 s25, v43;
	v43 =	vld [tilespmem:$0x1FE50]  }
0x1c2: {  	v42 =	vadd.s32 s25, v42;
	_ =	sdelay $0x2  }
0x1c3: {  	v35 =	vadd.f32 v44, v35;
	v29 =	vmul.f32 $1.442695020e+00, v29;
	v44 =	vmin.f32 v33, $8.000000000e+01;
	v33 =	vld.idx.msk [tilespmem:v34+s18+$0x0], $0xffff  }
0x1c4: {  	v36 =	vadd.f32 v39, v36;
	v34 =	vadd.s32 s25, v43;
	v43 =	vld [tilespmem:$0x1FE70]  }
0x1c5: {  	v39 =	vpop (erf);
	(erf) = vpow2.f32 v29;
	v29 =	vmul.f32 $1.442695020e+00, v40;
	v40 =	vmin.f32 v41, $8.000000000e+01;
	v41 =	vld.idx.msk [tilespmem:v42+s18+$0x0], $0xffff  }
0x1c6: {  	v32 =	vmul.f32 $1.442695020e+00, v44;
	v42 =	vld [tilespmem:$0x1FE90];
	_ =	sdelay $0x1  }
0x1c7: {  	v44 =	vpop (erf);
	(erf) = vpow2.f32 v32  }
0x1c8: {  	v37 =	vadd.f32 v38, v37;
	v38 =	vpop (erf);
	(erf) = vpow2.f32 v29;
	v29 =	vmin.f32 v30, $8.000000000e+01;
	v30 =	vld.idx.msk [tilespmem:v31+s18+$0x0], $0xffff  }
0x1c9: {  	v31 =	vadd.s32 s25, v43;
	v43 =	vld [tilespmem:$0x1FE80]  }
0x1ca: {  	v42 =	vadd.s32 s25, v42;
	_ =	sdelay $0x1  }
0x1cb: {  	v29 =	vmul.f32 $1.442695020e+00, v29  }
0x1cc: {  	v35 =	vadd.f32 v44, v35;
	v44 =	vmin.f32 v33, $8.000000000e+01;
	v33 =	vld.idx.msk [tilespmem:v34+s18+$0x0], $0xffff  }
0x1cd: {  	v36 =	vadd.f32 v39, v36;
	v39 =	vpop (erf);
	(erf) = vpow2.f32 v29;
	v34 =	vadd.s32 s25, v43;
	v43 =	vld [tilespmem:$0x1FEA0]  }
0x1ce: {  	v29 =	vmul.f32 $1.442695020e+00, v40;
	v32 =	vmul.f32 $1.442695020e+00, v44;
	v40 =	vmin.f32 v41, $8.000000000e+01;
	v41 =	vld.idx.msk [tilespmem:v42+s18+$0x0], $0xffff  }
0x1cf: {  	v42 =	vld [tilespmem:$0x1FEC0]  }
0x1d0: {  	v44 =	vpop (erf);
	(erf) = vpow2.f32 v32  }
0x1d1: {  	v37 =	vadd.f32 v38, v37;
	v38 =	vpop (erf);
	(erf) = vpow2.f32 v29;
	v29 =	vmin.f32 v30, $8.000000000e+01;
	v30 =	vld.idx.msk [tilespmem:v31+s18+$0x0], $0xffff  }
0x1d2: {  	v31 =	vadd.s32 s25, v43;
	v43 =	vld [tilespmem:$0x1FEB0];
	_ =	sdelay $0x1  }
0x1d3: {  	v42 =	vadd.s32 s25, v42;
	_ =	sdelay $0x1  }
0x1d4: {  	v35 =	vadd.f32 v44, v35;
	v44 =	vmin.f32 v33, $8.000000000e+01;
	v33 =	vld.idx.msk [tilespmem:v34+s18+$0x0], $0xffff  }
0x1d5: {  	v29 =	vmul.f32 $1.442695020e+00, v29;
	v34 =	vadd.s32 s25, v43;
	v43 =	vld [tilespmem:$0x1FED0]  }
0x1d6: {  	v36 =	vadd.f32 v39, v36;
	v32 =	vmul.f32 $1.442695020e+00, v44  }
0x1d7: {  	v39 =	vpop (erf);
	(erf) = vpow2.f32 v29;
	v29 =	vmul.f32 $1.442695020e+00, v40;
	v40 =	vmin.f32 v41, $8.000000000e+01;
	v41 =	vld.idx.msk [tilespmem:v42+s18+$0x0], $0xffff  }
0x1d8: {  	v44 =	vpop (erf);
	(erf) = vpow2.f32 v32;
	v42 =	vld [tilespmem:$0x1FEF0]  }
0x1d9: {  	v37 =	vadd.f32 v38, v37;
	v38 =	vpop (erf);
	(erf) = vpow2.f32 v29;
	v29 =	vmin.f32 v30, $8.000000000e+01;
	v30 =	vld.idx.msk [tilespmem:v31+s18+$0x0], $0xffff  }
0x1da: {  	v31 =	vadd.s32 s25, v43;
	v43 =	vld [tilespmem:$0x1FEE0];
	_ =	sdelay $0x1  }
0x1db: {  	v35 =	vadd.f32 v44, v35;
	v44 =	vmin.f32 v33, $8.000000000e+01  }
0x1dc: {  	v29 =	vmul.f32 $1.442695020e+00, v29;
	v42 =	vadd.s32 s25, v42  }
0x1dd: {  	v36 =	vadd.f32 v39, v36;
	v39 =	vpop (erf);
	v32 =	vmul.f32 $1.442695020e+00, v44;
	v33 =	vld.idx.msk [tilespmem:v34+s18+$0x0], $0xffff  }
0x1de: {  	v44 =	vpop (erf);
	(erf) = vpow2.f32 v29;
	v29 =	vmul.f32 $1.442695020e+00, v40;
	v34 =	vadd.s32 s25, v43;
	v43 =	vld [tilespmem:$0x1FF00]  }
0x1df: {  	(erf) = vpow2.f32 v32  }
0x1e0: {  	v37 =	vadd.f32 v38, v37;
	v38 =	vpop (erf);
	(erf) = vpow2.f32 v29;
	v29 =	vmin.f32 v30, $8.000000000e+01;
	v30 =	vld.idx.msk [tilespmem:v31+s18+$0x0], $0xffff  }
0x1e1: {  	v40 =	vmin.f32 v41, $8.000000000e+01;
	v41 =	vld.idx.msk [tilespmem:v42+s18+$0x0], $0xffff  }
0x1e2: {  	v42 =	vld [tilespmem:$0x1FF20]  }
0x1e3: {  	v31 =	vadd.s32 s25, v43;
	v43 =	vld [tilespmem:$0x1FF10];
	_ =	sdelay $0x2  }
0x1e4: {  	v35 =	vadd.f32 v44, v35;
	v44 =	vmin.f32 v33, $8.000000000e+01  }
0x1e5: {  	v29 =	vmul.f32 $1.442695020e+00, v29;
	v33 =	vld.idx.msk [tilespmem:v34+s18+$0x0], $0xffff;
	v42 =	vadd.s32 s25, v42  }
0x1e6: {  	v36 =	vadd.f32 v39, v36;
	v39 =	vpop (erf);
	v32 =	vmul.f32 $1.442695020e+00, v44;
	v34 =	vadd.s32 s25, v43;
	v43 =	vld [tilespmem:$0x1FF30]  }
0x1e7: {  	v44 =	vpop (erf);
	(erf) = vpow2.f32 v29;
	v29 =	vmul.f32 $1.442695020e+00, v40  }
0x1e8: {  	v37 =	vadd.f32 v38, v37;
	v38 =	vpop (erf);
	(erf) = vpow2.f32 v32  }
0x1e9: {  	(erf) = vpow2.f32 v29;
	v29 =	vmin.f32 v30, $8.000000000e+01;
	v30 =	vld.idx.msk [tilespmem:v31+s18+$0x0], $0xffff  }
0x1ea: {  	v40 =	vmin.f32 v41, $8.000000000e+01;
	v41 =	vld.idx.msk [tilespmem:v42+s18+$0x0], $0xffff  }
0x1eb: {  	v31 =	vadd.s32 s25, v43;
	v43 =	vld [tilespmem:$0x1FF40]  }
0x1ec: {  	v42 =	vld [tilespmem:$0x1FF50];
	_ =	sdelay $0x2  }
0x1ed: {  	v35 =	vadd.f32 v44, v35;
	v44 =	vmin.f32 v33, $8.000000000e+01;
	v33 =	vld.idx.msk [tilespmem:v34+s18+$0x0], $0xffff  }
0x1ee: {  	v29 =	vmul.f32 $1.442695020e+00, v29;
	v34 =	vadd.s32 s25, v43;
	v43 =	vld [tilespmem:$0x1FF60]  }
0x1ef: {  	v36 =	vadd.f32 v39, v36;
	v39 =	vpop (erf);
	v32 =	vmul.f32 $1.442695020e+00, v44;
	v42 =	vadd.s32 s25, v42  }
0x1f0: {  	v44 =	vpop (erf);
	(erf) = vpow2.f32 v29;
	v29 =	vmul.f32 $1.442695020e+00, v40  }
0x1f1: {  	(erf) = vpow2.f32 v32  }
0x1f2: {  	v37 =	vadd.f32 v38, v37;
	v38 =	vpop (erf);
	(erf) = vpow2.f32 v29;
	v29 =	vmin.f32 v30, $8.000000000e+01;
	v30 =	vld.idx.msk [tilespmem:v31+s18+$0x0], $0xffff  }
0x1f3: {  	v31 =	vadd.s32 s25, v43;
	v43 =	vld [tilespmem:$0x1FF70]  }
0x1f4: {  	v40 =	vmin.f32 v41, $8.000000000e+01;
	v41 =	vld.idx.msk [tilespmem:v42+s18+$0x0], $0xffff  }
0x1f5: {  	v42 =	vld [tilespmem:$0x1FF80]  }
0x1f6: {  	v35 =	vadd.f32 v44, v35;
	v44 =	vmin.f32 v33, $8.000000000e+01  }
0x1f7: {  	v29 =	vmul.f32 $1.442695020e+00, v29;
	v33 =	vld.idx.msk [tilespmem:v34+s18+$0x0], $0xffff  }
0x1f8: {  	v36 =	vadd.f32 v39, v36;
	v39 =	vpop (erf);
	v32 =	vmul.f32 $1.442695020e+00, v44;
	v34 =	vadd.s32 s25, v43;
	v43 =	vld [tilespmem:$0x1FF90]  }
0x1f9: {  	v44 =	vpop (erf);
	(erf) = vpow2.f32 v29;
	v29 =	vmul.f32 $1.442695020e+00, v40;
	v40 =	vld [tilespmem:$0x1FFA0]  }
0x1fa: {  	v42 =	vadd.s32 s25, v42  }
0x1fb: {  	v37 =	vadd.f32 v38, v37  }
0x1fc: {  	v36 =	vadd.f32 v39, v36;
	v35 =	vadd.f32 v44, v35;
	(erf) = vpow2.f32 v32  }
0x1fd: {  	v38 =	vpop (erf);
	(erf) = vpow2.f32 v29;
	v29 =	vmin.f32 v30, $8.000000000e+01;
	v30 =	vld.idx.msk [tilespmem:v31+s18+$0x0], $0xffff;
	v31 =	vadd.s32 s25, v43  }
0x1fe: {  	v29 =	vmul.f32 $1.442695020e+00, v29;
	v44 =	vmin.f32 v33, $8.000000000e+01;
	v33 =	vld.idx.msk [tilespmem:v34+s18+$0x0], $0xffff;
	v34 =	vadd.s32 s25, v40  }
0x1ff: {  	v32 =	vmul.f32 $1.442695020e+00, v44;
	v40 =	vmin.f32 v41, $8.000000000e+01;
	v41 =	vld.idx.msk [tilespmem:v42+s18+$0x0], $0xffff;
	v42 =	vadd.s32 s25, v62  }
0x200: {  	v39 =	vpop (erf);
	(erf) = vpow2.f32 v29;
	v29 =	vmul.f32 $1.442695020e+00, v40;
	v40 =	vadd.s32 s25, v63  }
0x201: {  	v37 =	vadd.f32 v38, v37;
	v36 =	vadd.f32 v39, v36;
	v43 =	vpop (erf);
	(erf) = vpow2.f32 v32  }
0x202: {  	v38 =	vpop (erf);
	v32 =	vadd.f32 v43, v35;
	(erf) = vpow2.f32 v29;
	v29 =	vmin.f32 v30, $8.000000000e+01;
	v30 =	vld.idx.msk [tilespmem:v31+s18+$0x0], $0xffff  }
0x203: {  	v29 =	vmul.f32 $1.442695020e+00, v29;
	v43 =	vmin.f32 v33, $8.000000000e+01;
	v33 =	vld.idx.msk [tilespmem:v34+s18+$0x0], $0xffff;
	v34 =	vadd.s32 s25, v59  }
0x204: {  	v35 =	vpop (erf);
	v37 =	vadd.f32 v38, v37;
	v39 =	vmin.f32 v41, $8.000000000e+01;
	v41 =	vld.idx.msk [tilespmem:v42+s18+$0x0], $0xffff;
	v31 =	vmul.f32 $1.442695020e+00, v43  }
0x205: {  	v44 =	vpop (erf);
	v42 =	vadd.s32 s25, v60;
	(erf) = vpow2.f32 v29;
	v29 =	vmul.f32 $1.442695020e+00, v39;
	v39 =	vld.idx.msk [tilespmem:v40+s18+$0x0], $0xffff  }
0x206: {  	v35 =	vadd.f32 v35, v36;
	v36 =	vadd.s32 s25, v61;
	v43 =	vpop (erf)  }
0x207: {  	v32 =	vadd.f32 v44, v32;
	(erf) = vpow2.f32 v31;
	v31 =	vadd.f32 v43, v37  }
0x208: {  	(erf) = vpow2.f32 v29;
	v29 =	vmin.f32 v30, $8.000000000e+01;
	v33 =	vmin.f32 v33, $8.000000000e+01;
	v34 =	vld.idx.msk [tilespmem:v34+s18+$0x0], $0xffff  }
0x209: {  	v30 =	vpop (erf);
	v38 =	vmin.f32 v41, $8.000000000e+01;
	v41 =	vadd.s32 s25, v0;
	v29 =	vmul.f32 $1.442695020e+00, v29  }
0x20a: {  	v40 =	vld.idx.msk [tilespmem:v42+s18+$0x0], $0xffff;
	v37 =	vpop (erf);
	v33 =	vmul.f32 $1.442695020e+00, v33;
	v44 =	vmin.f32 v39, $8.000000000e+01;
	v30 =	vadd.f32 v30, v35  }
0x20b: {  	v42 =	vpop (erf);
	(erf) = vpow2.f32 v29;
	v29 =	vmul.f32 $1.442695020e+00, v38  }
0x20c: {  	v39 =	vadd.s32 s25, v2;
	v43 =	vmul.f32 $1.442695020e+00, v44;
	v35 =	vpop (erf);
	(erf) = vpow2.f32 v33  }
0x20d: {  	v31 =	vadd.f32 v42, v31;
	v44 =	vpop (erf);
	(erf) = vpow2.f32 v29;
	v42 =	vmin.f32 v34, $8.000000000e+01;
	v34 =	vld.idx.msk [tilespmem:v36+s18+$0x0], $0xffff  }
0x20e: {  	v32 =	vadd.f32 v37, v32;
	v29 =	vadd.f32 v35, v30;
	v30 =	vpop (erf);
	v38 =	vld.idx.msk [tilespmem:v41+s18+$0x0], $0xffff;
	(erf) = vpow2.f32 v43  }
0x20f: {  	v35 =	vpop (erf);
	v33 =	vmul.f32 $1.442695020e+00, v42;
	v43 =	vmin.f32 v40, $8.000000000e+01;
	v40 =	vadd.s32 s25, v3  }
0x210: {  	v32 =	vadd.f32 v44, v32;
	v30 =	vadd.f32 v30, v31;
	v44 =	vpop (erf);
	v36 =	vmul.f32 $1.442695020e+00, v43  }
0x211: {  	v29 =	vadd.f32 v35, v29;
	v35 =	vadd.s32 s25, v4;
	v41 =	vpop (erf);
	(erf) = vpow2.f32 v33  }
0x212: {  	v32 =	vadd.f32 v44, v32;
	v42 =	vpop (erf);
	(erf) = vpow2.f32 v36;
	v30 =	vadd.f32 v41, v30  }
0x213: {  	v31 =	vpop (erf);
	v34 =	vmin.f32 v34, $8.000000000e+01;
	v43 =	vmin.f32 v38, $8.000000000e+01;
	v38 =	vld.idx.msk [tilespmem:v39+s18+$0x0], $0xffff;
	v39 =	vadd.s32 s25, v5  }
0x214: {  	v41 =	vadd.s32 s25, v6;
	v29 =	vadd.f32 v42, v29;
	v44 =	vpop (erf);
	v34 =	vmul.f32 $1.442695020e+00, v34;
	v40 =	vld.idx.msk [tilespmem:v40+s18+$0x0], $0xffff  }
0x215: {  	v37 =	vmul.f32 $1.442695020e+00, v43;
	v31 =	vadd.f32 v31, v32;
	v33 =	vpop (erf);
	v30 =	vadd.f32 v44, v30  }
0x216: {  	v44 =	vpop (erf);
	(erf) = vpow2.f32 v34;
	v29 =	vadd.f32 v33, v29;
	v34 =	vadd.s32 s25, v7  }
0x217: {  	v33 =	vld.idx.msk [tilespmem:v35+s18+$0x0], $0xffff;
	v36 =	vpop (erf);
	(erf) = vpow2.f32 v37;
	v31 =	vadd.f32 v44, v31;
	v37 =	vadd.s32 s25, v12  }
0x218: {  	v30 =	vadd.f32 v36, v30;
	v43 =	vmin.f32 v38, $8.000000000e+01;
	v35 =	vld.idx.msk [tilespmem:v39+s18+$0x0], $0xffff;
	v36 =	vadd.s32 s25, v8  }
0x219: {  	v42 =	vpop (erf);
	v39 =	vld.idx.msk [tilespmem:v41+s18+$0x0], $0xffff;
	v32 =	vmul.f32 $1.442695020e+00, v43;
	v38 =	vmin.f32 v40, $8.000000000e+01;
	v40 =	vadd.s32 s25, v9  }
0x21a: {  	v41 =	vadd.s32 s25, v10;
	v29 =	vadd.f32 v42, v29;
	v38 =	vmul.f32 $1.442695020e+00, v38  }
0x21b: {  	v43 =	vadd.s32 s25, v14;
	v44 =	vpop (erf);
	(erf) = vpow2.f32 v32;
	v32 =	vadd.s32 s25, v11;
	v34 =	vld.idx.msk [tilespmem:v34+s18+$0x0], $0xffff  }
0x21c: {  	v31 =	vadd.f32 v44, v31;
	v33 =	vmin.f32 v33, $8.000000000e+01;
	(erf) = vpow2.f32 v38  }
0x21d: {  	v44 =	vpop (erf);
	v33 =	vmul.f32 $1.442695020e+00, v33;
	v38 =	vadd.s32 s25, v13;
	v35 =	vmin.f32 v35, $8.000000000e+01;
	v36 =	vld.idx.msk [tilespmem:v36+s18+$0x0], $0xffff  }
0x21e: {  	v30 =	vadd.f32 v44, v30;
	v39 =	vmin.f32 v39, $8.000000000e+01;
	v35 =	vmul.f32 $1.442695020e+00, v35;
	v40 =	vld.idx.msk [tilespmem:v40+s18+$0x0], $0xffff  }
0x21f: {  	(erf) = vpow2.f32 v33;
	v33 =	vmul.f32 $1.442695020e+00, v39;
	v39 =	vld.idx.msk [tilespmem:v41+s18+$0x0], $0xffff;
	v41 =	vadd.s32 s25, v15;
	v42 =	vpop (erf)  }
0x220: {  	v44 =	vpop (erf);
	v29 =	vadd.f32 v42, v29;
	(erf) = vpow2.f32 v35;
	v32 =	vld.idx.msk [tilespmem:v32+s18+$0x0], $0xffff;
	v42 =	vmin.f32 v34, $8.000000000e+01  }
0x221: {  	v34 =	vld.idx.msk [tilespmem:v37+s18+$0x0], $0xffff;
	v35 =	vadd.s32 s25, v16;
	v31 =	vadd.f32 v44, v31;
	(erf) = vpow2.f32 v33  }
0x222: {  	v33 =	vmul.f32 $1.442695020e+00, v42;
	v37 =	vld.idx.msk [tilespmem:v38+s18+$0x0], $0xffff;
	v38 =	vadd.s32 s25, v17;
	v36 =	vmin.f32 v36, $8.000000000e+01  }
0x223: {  	v42 =	vld.idx.msk [tilespmem:v43+s18+$0x0], $0xffff;
	v43 =	vadd.s32 s25, v18;
	v36 =	vmul.f32 $1.442695020e+00, v36;
	v40 =	vmin.f32 v40, $8.000000000e+01  }
0x224: {  	(erf) = vpow2.f32 v33;
	v39 =	vmin.f32 v39, $8.000000000e+01;
	v33 =	vmul.f32 $1.442695020e+00, v40  }
0x225: {  	v40 =	vld.idx.msk [tilespmem:v41+s18+$0x0], $0xffff;
	v44 =	vmul.f32 $1.442695020e+00, v39;
	(erf) = vpow2.f32 v36;
	v32 =	vmin.f32 v32, $8.000000000e+01  }
0x226: {  	v39 =	vmin.f32 v34, $8.000000000e+01;
	v34 =	vld.idx.msk [tilespmem:v35+s18+$0x0], $0xffff;
	(erf) = vpow2.f32 v33;
	v32 =	vmul.f32 $1.442695020e+00, v32  }
0x227: {  	v33 =	vmul.f32 $1.442695020e+00, v39;
	v41 =	vmin.f32 v37, $8.000000000e+01;
	v36 =	vld.idx.msk [tilespmem:v38+s18+$0x0], $0xffff;
	(erf) = vpow2.f32 v44  }
0x228: {  	v42 =	vmin.f32 v42, $8.000000000e+01;
	(erf) = vpow2.f32 v32;
	v32 =	vmul.f32 $1.442695020e+00, v41  }
0x229: {  	v37 =	vld.idx.msk [tilespmem:v43+s18+$0x0], $0xffff;
	v38 =	vpop (erf);
	v44 =	vmul.f32 $1.442695020e+00, v42;
	(erf) = vpow2.f32 v33  }
0x22a: {  	v39 =	vpop (erf);
	v43 =	vmin.f32 v40, $8.000000000e+01;
	(erf) = vpow2.f32 v32  }
0x22b: {  	v35 =	vor.u32 s24, v19;
	v40 =	vpop (erf);
	v32 =	vmul.f32 $1.442695020e+00, v43;
	(erf) = vpow2.f32 v44  }
0x22c: {  	v44 =	vmin.f32 v34, $8.000000000e+01;
	v34 =	vadd.s32 s0, v20;
	v43 =	vmin.f32 v36, $8.000000000e+01  }
0x22d: {  	v42 =	vadd.s32 s0, v21;
	v41 =	vpop (erf);
	(erf) = vpow2.f32 v32;
	v32 =	vmul.f32 $1.442695020e+00, v44  }
0x22e: {  	v30 =	vadd.f32 v38, v30;
	v36 =	vpop (erf);
	v37 =	vmin.f32 v37, $8.000000000e+01;
	v33 =	vmul.f32 $1.442695020e+00, v43  }
0x22f: {  	v44 =	vmul.f32 $1.442695020e+00, v37;
	v37 =	vor.u32 s24, v22;
	v43 =	vpop (erf);
	(erf) = vpow2.f32 v32  }
0x230: {  	v29 =	vadd.f32 v39, v29;
	v38 =	vpop (erf);
	(erf) = vpow2.f32 v33;
	v33 =	vld.idx.msk [tilespmem:v35+s19+$0x0], $0xffff;
	v35 =	vadd.s32 s0, v23  }
0x231: {  	v31 =	vadd.f32 v40, v31;
	v39 =	vpop (erf);
	(erf) = vpow2.f32 v44;
	v32 =	vld.idx.msk [tilespmem:v34+s20+$0x0], $0xffff  }
0x232: {  	v30 =	vadd.f32 v41, v30;
	v29 =	vadd.f32 v36, v29;
	v36 =	vld.idx.msk [tilespmem:v42+s20+$0x0], $0xffff;
	v42 =	vadd.s32 s0, v25;
	v34 =	vpop (erf)  }
0x233: {  	v40 =	vor.u32 s24, v24;
	v31 =	vadd.f32 v43, v31;
	v41 =	vpop (erf)  }
0x234: {  	v30 =	vadd.f32 v38, v30;
	v38 =	vor.u32 s24, v26;
	v37 =	vld.idx.msk [tilespmem:v37+s19+$0x0], $0xffff;
	v43 =	vpop (erf)  }
0x235: {  	v29 =	vadd.f32 v39, v29;
	v31 =	vadd.f32 v34, v31;
	v39 =	vpop (erf);
	v34 =	vld.idx.msk [tilespmem:v35+s20+$0x0], $0xffff;
	v35 =	vadd.s32 s0, v27  }
0x236: {  	v30 =	vadd.f32 v41, v30;
	v44 =	vpop (erf);
	v32 =	vsub.f32 v33, v32  }
0x237: {  	v42 =	vld.idx.msk [tilespmem:v42+s20+$0x0], $0xffff;
	v29 =	vadd.f32 v43, v29;
	v31 =	vadd.f32 v39, v31;
	v33 =	vpop (erf)  }
0x238: {  	v41 =	vtrunc.f32 v36;
	v39 =	vld.idx.msk [tilespmem:v40+s19+$0x0], $0xffff;
	v30 =	vadd.f32 v44, v30;
	v40 =	vpop (erf);
	v43 =	vmul.f32 $5.000000000e-01, v32  }
0x239: {  	v38 =	vld.idx.msk [tilespmem:v38+s19+$0x0], $0xffff;
	v29 =	vadd.f32 v33, v29;
	v31 =	vadd.f32 v40, v31;
	v44 =	vpop (erf);
	v40 =	vcvt.f32.s32 v41  }
0x23a: {  	v30 =	vadd.f32 v44, v30;
	v33 =	vpop (erf);
	v41 =	vmul.f32 v43, v32;
	v34 =	vsub.f32 v37, v34;
	v35 =	vld.idx.msk [tilespmem:v35+s20+$0x0], $0xffff  }
0x23b: {  	v32 =	vand.u32 $0x7FFFFFFF, v32;
	v29 =	vadd.f32 v33, v29;
	v28 =	vadd.s32 v40, v28  }
0x23c: {  	v33 =	vadd.f32 $-5.000000000e-01, v32;
	v37 =	vadd.f32 $0.0e+00, v41;
	v41 =	vmul.f32 $5.000000000e-01, v34  }
0x23d: {  	vm0 =	vlt.f32 v32, $1.000000000e+00;
	v32 =	vsub.f32 v39, v42;
	v44 =	vand.u32 $0x7FFFFFFF, v34  }
0x23e: {  	v33 =	vsel vm0, v37, v33;
	v34 =	vmul.f32 v41, v34;
	v37 =	vadd.f32 $-5.000000000e-01, v44  }
0x23f: {  	vm12 =	vlt.f32 v44, $1.000000000e+00;
	v44 =	vmul.f32 $5.000000000e-01, v32;
	v35 =	vsub.f32 v38, v35  }
0x240: {  	v30 =	vadd.f32 v30, v31;
	v31 =	vsel vm12, v34, v37;
	v34 =	vand.u32 $0x7FFFFFFF, v32  }
0x241: {  	v28 =	vld.idx.msk [tilespmem:v28+s18+$0x0], $0xffff;
	v32 =	vmul.f32 v44, v32;
	v37 =	vadd.f32 $-5.000000000e-01, v34;
	v44 =	vmul.f32 $5.000000000e-01, v35  }
0x242: {  	v31 =	vadd.f32 v31, v33;
	vm13 =	vlt.f32 v34, $1.000000000e+00;
	v33 =	vand.u32 $0x7FFFFFFF, v35  }
0x243: {  	v32 =	vsel vm13, v32, v37;
	v34 =	vmul.f32 v44, v35;
	v44 =	vadd.f32 $-5.000000000e-01, v33  }
0x244: {  	p0 =	sne.s32 s25, $0x9CF0;
	v29 =	vadd.f32 v29, v30;
	vm14 =	vlt.f32 v33, $1.000000000e+00;
	v30 =	vadd.f32 v32, v31  }
.Ltmp1:
0x245: {  	s2 =	sshra.s32 s24, $0x2;
	v44 =	vsel vm14, v34, v44;
	(pc) =	sbr.rel @p0 .LBB2_5-.Ltmp1, $4  }
0x246: {  	[tilespmem:s2+$0x17400] =	vst v29;
	v28 =	vsub.f32 $0.0e+00, v28;
	v30 =	vadd.f32 v44, v30  }
0x247: {  	vm15 =	vgt.s32 v40, $0x0;
	[tilespmem:s2+$0x17800] =	vst v36  }
0x248: {  	v42 =	vmov v57;
	v39 =	vmov v54;
	[tilespmem:s2+$0x17600] =	vst v28;
	v28 =	vnsel vm15, $0x0, v30  }
0x249: {  	s25 =	sadd.s32 $0x510, s25;
	s24 =	sadd.s32 $0x40, s24;
	s0 =	sadd.s32 $0x60, s0;
	v43 =	vmovc v58;
	v40 =	vmovc v55;
	v38 =	vmov v53;
	v41 =	vmov v56;
	v37 =	vmov v52;
	[tilespmem:s2+$0x17A00] =	vst v28  }
0x24a: {  	s0 =	sshrl.u32 s13, $0x3  }
0x24b: {  	s24 =	simm.s32 $0x17400;
	s15 =	sadd.s32 $0x1, s15;
	s2 =	sadd.s32 s6, s0  }
0x24c: {  	[hbm4b:s2+s1] =	stream.linear.scatter [tilespmem:s24], [sflag:$0x8], $0x200, $0x38;
	[tilespmem:$0x17C00] =	vst v63  }
0x24d: {  	s26 =	simm.s32 $0x17600;
	s25 =	sadd.s32 s7, s0;
	p0 =	sne.s32 s15, $0xC  }
0x24e: {  	[hbm4b:s25+s1] =	stream.linear.scatter [tilespmem:s26], [sflag:$0x8], $0x200, $0x38;
	[tilespmem:$0x17C00] =	vst v63  }
.Ltmp2:
0x24f: {  	_ = 	snop;
	(pc) =	sbr.rel @p0 .LBB2_2-.Ltmp2, $4  }
0x250: {  	s28 =	sadd.s32 s8, s0  }
0x251: {  	[hbm4b:s28+s1] =	stream.linear.scatter [tilespmem:s11], [sflag:$0x8], $0x200, $0x38;
	[tilespmem:$0x17C00] =	vst v63  }
0x252: {  	v32 =	vmov v47;
	v33 =	vmov v48;
	v35 =	vmov v50;
	s0 =	sadd.s32 s9, s0  }
0x253: {  	v34 =	vmovc v49;
	v29 =	vmovc v45;
	v36 =	vmov v51;
	v30 =	vmov v46;
	v44 =	vlaneseq.u32;
	[hbm4b:s0+s1] =	stream.linear.scatter [tilespmem:s12], [sflag:$0x8], $0x200, $0x38;
	[tilespmem:$0x17C00] =	vst v63  }
0x254: {  	s0 =	simm.s32 $0x7  }
0x255: {  	_ =	swait.ge [sflag:s0], $0x200  }
0x256: {  	[sflag:s0] =	ssyncset.done $0x0  }
0x257: {  	[sflag:s0] =	ssyncadd.s32 $0xFFFFFE00  }
0x258: {  	_ =	swait.ge [sflag:s0], $0x200  }
0x259: {  	[sflag:s0] =	ssyncset.done $0x0  }
0x25a: {  	[sflag:s0] =	ssyncadd.s32 $0xFFFFFE00  }
0x25b: {  	_ =	swait.ge [sflag:s0], $0x200  }
0x25c: {  	[sflag:s0] =	ssyncset.done $0x0  }
0x25d: {  	[sflag:s0] =	ssyncadd.s32 $0xFFFFFE00  }
0x25e: {  	_ =	swait.ge [sflag:s0], $0x200  }
0x25f: {  	[sflag:s0] =	ssyncset.done $0x0  }
0x260: {  	s2 =	simm.s32 $0x8;
	[sflag:s0] =	ssyncadd.s32 $0xFFFFFE00  }
0x261: {  	_ =	swait.ge [sflag:s2], $0x200  }
0x262: {  	[sflag:s2] =	ssyncset.done $0x0  }
0x263: {  	[sflag:s2] =	ssyncadd.s32 $0xFFFFFE00  }
0x264: {  	_ =	swait.ge [sflag:s2], $0x200  }
0x265: {  	[sflag:s2] =	ssyncset.done $0x0  }
0x266: {  	[sflag:s2] =	ssyncadd.s32 $0xFFFFFE00  }
0x267: {  	_ =	swait.ge [sflag:s2], $0x200  }
0x268: {  	[sflag:s2] =	ssyncset.done $0x0  }
0x269: {  	[sflag:s2] =	ssyncadd.s32 $0xFFFFFE00  }
0x26a: {  	_ =	swait.ge [sflag:s2], $0x200  }
0x26b: {  	s13 =	rddreg [dreg:$0x6]  }
0x26c: {  	s28 =	rddreg [dreg:$0x5];
	s13 =	sadd.s32 $0x1, s13  }
0x26d: {  	p0 =	sne.s32 s13, s28  }
.Ltmp3:
0x26e: {  	_ = 	snop;
	(pc) =	sbr.rel @p0 .LBB2_1-.Ltmp3, $3  }
0x26f: {  	_ =	sdelay $0x1  }
0x270: {  	[sflag:s2] =	ssyncset.done $0x0  }
0x271: {  	[sflag:s2] =	ssyncadd.s32 $0xFFFFFE00  }
0x272: {  	_ =	sfence.sel $0x180000  }
0x273: {  	[bflag:$0x0] =	sbarrier.arrive $0xFFFF  }
0x274: {  	_ =	strace $0x9000004A  }
0x275: {  	s0 =	stileid.u32;
	[bflag:$0x2] =	sbarrier.arrive $0xFFFF  }
0x276: {  	p0 =	sne.s32 s0, $0x0;
	s0 =	rddreg [dreg:$0x1]  }
0x277: {  	s0 =	sadd.s32 @!p0 $0x100000, s0  }
0x278: {  	[sflag:s0] =	ssyncadd.tile.s32 @!p0 $0x1;
	_ =	shalt  }
.Lfunc_end2:
_tile_overlayer_lowered:
.L_overlay_start_2:
0x279: {  	(tag) =	ssettag $0x2  }
0x27a: {  	s0 =	rddreg [dreg:$0x0];
	s2 =	stileid.u32  }
0x27b: {  	s1 =	rddreg [dreg:$0x1];
	p0 =	sne.s32 s2, $0x0  }
0x27c: {  	s3 =	rddreg [dreg:$0x2];
	[bflag:$0x3] =	sbarrier.arrive $0xFFFF;
	s2 =	simm.s32 @!p0 $0x1C09  }
0x27d: {  	[timem:s3], [sflag:s2] =	dma.local @!p0 [hbm:s0], s1  }
0x27e: {  	s0 =	simm.s32 @!p0 $0x9  }
0x27f: {  	_ =	swait.ge @!p0 [sflag:s0], s1  }
0x280: {  	s1 =	ssub.s32 @!p0 $0x0, s1;
	[sflag:s0] =	ssyncset.done @!p0 $0x0  }
0x281: {  	[sflag:s0] =	ssyncadd.s32 @!p0 s1  }
0x282: {  	[bflag:$0x3] =	sbarrier.arrive $0xFFFF  }
0x283: {  	_ =	shalt  }

// kernel: sparse-core-data-format-call.cloned.1.call-start
scs
called_computation_lowered:
.L_overlay_start_0:
0x0: {  	s2 =	sld [smem:$0x3FD9]  }
0x1: {  	s3 =	sld [smem:$0x3FFE];
	_ =	sdelay $0x1  }
0x2: {  	s1 =	srdreg.scid  }
0x3: {  	s0 =	sand.u32 $0x1, s1  }
0x4: {  	s18 =	sshll.u32 s0, $0xA;
	s2 =	sadd.s32 s3, s2  }
0x5: {  	s2 =	sadd.s32 s2, s18  }
0x6: {  	[smem:$0x3FC5] =	sst s2  }
0x7: {  	_ = 	snop  }
0x8: {  	s2 =	sld [smem:$0x3FC9];
	(tm) =	ssettm $0x1  }
0x9: {  	s19 =	sld [smem:$0x3FFB];
	_ =	sdelay $0x3  }
0xa: {  	_ =	strace s19  }
0xb: {  	s3 =	sld [smem:$0x3FFC];
	_ =	sdelay $0x3  }
0xc: {  	_ =	strace s3  }
0xd: {  	s3 =	sld [smem:$0x3FFD];
	_ =	sdelay $0x3  }
0xe: {  	_ =	strace s3  }
0xf: {  	_ =	strace $0x8FFFFFFF  }
0x10: {  	s20 =	sld [smem:$0x3FDB];
	_ =	sdelay $0x1  }
0x11: {  	s4 =	simm.s32 $_scs_section_size  }
0x12: {  	s5 =	simm.s32 $_size__tile_overlayer_lowered;
	s6 =	simm.s32 $_tile_overlayer_lowered  }
0x13: {  	s23 =	simm.s32 $0x1BFF;
	s22 =	sshll.u32 s6, $0x1;
	s3 =	sadd.s32 s4, s20  }
0x14: {  	s7 =	simm.s32 $0x0;
	s21 =	sshll.u32 s5, $0x1;
	s5 =	sadd.s32 s22, s3  }
0x15: {  	[timem:s7], [sflag:s23] =	dma.local [hbm:s5], s21  }
0x16: {  	_ =	swait.ge [sflag:s23], s21  }
0x17: {  	s4 =	ssub.s32 $0x0, s21;
	[sflag:s23] =	ssyncset.done $0x0  }
0x18: {  	[sflag:s23] =	ssyncadd.s32 s4;
	_ =	sdelay $0x1  }
0x19: {  	s24 =	simm.s32 $0x1B8B  }
0x1a: {  	_ =	swait.ge [sflag:s24], $0x1  }
0x1b: {  	[sflag:s24] =	ssyncset.done $0x0  }
0x1c: {  	s26 =	simm.s32 $0x1B8E;
	s25 =	sld [smem:$0x3FFE];
	[sflag:s24] =	ssyncadd.s32 $0xFFFFFFFF  }
0x1d: {  	s27 =	simm.s32 $execute0_lowered;
	[smem:$0x3FD2] =	sst s26  }
0x1e: {  	s5 =	sshll.u32 s27, $0x1;
	_ =	strace $0x80000046;
	[dreg:$0x1] =	wrdreg $0xFFFFFFFF  }
0x1f: {  	s28 =	simm.s32 $_size_execute0_lowered;
	s3 =	sadd.s32 s3, s5;
	[dreg:$0x0] =	wrdreg $0x0  }
0x20: {  	s5 =	sshll.u32 s28, $0x1;
	[dreg:$0x2] =	wrdreg s3  }
0x21: {  	[dreg:$0x3] =	wrdreg s5  }
0x22: {  	[dreg:$0x4] =	wrdreg $0xC0  }
0x23: {  	_ =	task [dreg:s7], $0x5FFFF  }
0x24: {  	[dreg:$0x1] =	wrdreg $0xFFFFFFFF  }
0x25: {  	[dreg:$0x0] =	wrdreg $0x60  }
0x26: {  	[dreg:$0x2] =	wrdreg s2  }
0x27: {  	[dreg:$0x3] =	wrdreg s25  }
0x28: {  	[dreg:$0x4] =	wrdreg $0x9  }
0x29: {  	_ =	task.clear_ibuf [dreg:s7], $0x5FFFF;
	_ =	strace $0x90000046  }
0x2a: {  	s29 =	simm.s32 $0x9;
	_ =	strace $0x80000048  }
0x2b: {  	_ =	swait.ge [sflag:s29], $0x1  }
0x2c: {  	[sflag:s29] =	ssyncadd.s32 $0xFFFFFFFF  }
0x2d: {  	_ =	strace $0x90000048  }
0x2e: {  	_ =	sfence  }
0x2f: {  	s30 =	sld [smem:$0x0];
	_ =	sdelay $0x2  }
0x30: {  	s31 =	sshll.u32 s1, $0xD;
	s1 =	sshrl.u32 s1, $0x2  }
0x31: {  	s3 =	sand.u32 $0x4000, s31;
	s1 =	sadd.s32 s1, s30  }
0x32: {  	s0 =	sor.u32 s3, s0;
	s1 =	sshll.u32 s1, $0x11  }
0x33: {  	s0 =	sor.u32 s1, s0  }
0x34: {  	s0 =	sadd.s32 $0x8F2B, s0  }
0x35: {  	[sflag:s0] =	ssyncadd.remote.s32 $0x1  }
0x36: {  	_ =	sfence.sel $0xFFFF  }
0x37: {  	[dreg:$0x0] =	wrdreg $0xFFFFFFFF;
	(pc) =	sbr.abs _section_cstart, $3  }
0x38: {  	[dreg:$0x1] =	wrdreg $0xFFFFFFFF  }
0x39: {  	_ =	task.clear_ibuf [dreg:s7], $0x2FFFF;
	_ =	strace $0x9FFFFFFF  }
0x3a: {  	(tm) =	ssettm $0x7FFFFFFF  }
0x3b: {  	_ =	shalt  }
tec
execute0_lowered:
.L_overlay_start_1:
0x0: {  	(tag) =	ssettag $0x1  }
0x1: {  	s0 =	stileid.u32;
	s1 =	srdreg.scid  }
0x2: {  	s7 =	rddreg [dreg:$0x1];
	s31 =	simm.s32 $0x2;
	s15 =	simm.s32 $0x0  }
0x3: {  	s10 =	simm.s32 $0x1E6000;
	s2 =	sshll.u32 s0, $0x3;
	s1 =	sshll.u32 s1, $0x7  }
0x4: {  	s11 =	simm.s32 $0x0;
	s16 =	simm.s32 $0x0;
	s1 =	sor.u32 s2, s1  }
0x5: {  	s14 =	simm.s32 $0x0;
	s3 =	sand.u32 $0x1, s0;
	s1 =	sand.u32 $0xF0, s1  }
0x6: {  	s7 =	sadd.s32 $0x1C00, s7;
	s5 =	ssub.s32 $0x2, s3;
	s4 =	ssub.s32 $0x3CC0, s1  }
0x7: {  	s2 =	rddreg [dreg:$0x0];
	s8 =	sshrl.u32 s5, $0x1;
	s6 =	sand.u32 $0xF0, s4  }
0x8: {  	s5 =	sand.u32 $0x1, s5;
	p0 =	sne.s32 s6, $0x0;
	s6 =	simm.s32 $0x1  }
.Ltmp0:
0x9: {  	s9 =	sshrl.u32 s4, $0x8;
	s6 =	simm.s32 @!p0 $0x0;
	(pc) =	sbr.rel .LBB1_1-.Ltmp0, $4  }
0xa: {  	s8 =	sadd.s32 s5, s8;
	s5 =	simm.s32 $0x1;
	s6 =	sadd.s32 s6, s9  }
0xb: {  	s4 =	rddreg [dreg:$0x2];
	_ =	strace $0x80000047;
	s6 =	smul.u32 s8, s6  }
0xc: {  	s13 =	smov.u32 s3;
	s12 =	smov.u32 s1;
	[sflag:s5] =	ssyncpa.u1 $0x0  }
0xd: {  	[sflag:s31] =	ssyncpa.u1 $0x0;
	s9 =	simm.s32 $0x800;
	s8 =	sadd.s32 $0x1, s6  }
.LBB1_7:
0xe: {  	s17 =	sadd.s32 $0x100, s12  }
0xf: {  	s15 =	sadd.s32 $0x2, s13;
	s19 =	smov.u32 s13;
	p1 =	sgt.s32 s17, $0x3CBF  }
0x10: {  	s19 =	smov.u32 @p1 s15  }
0x11: {  	s17 =	smov.u32 @p1 s1;
	p1 =	sgt.s32 s19, $0x1  }
0x12: {  	s19 =	smov.u32 @p1 s3;
	p1 =	sne.s32 s14, s8  }
.Ltmp1:
0x13: {  	p0 =	slt.u32 s14, $0x2;
	(pc) =	sbr.rel @!p1 .LBB1_8-.Ltmp1, $4  }
0x14: {  	s18 =	simm.s32 @!p0 $0x2  }
0x15: {  	s16 =	smov.u32 s13;
	s11 =	sadd.s32 $0x4000, s11;
	_ =	swait.ge @!p0 [sflag:s18], $0x4000  }
0x16: {  	s15 =	smov.u32 s12;
	[sflag:s18] =	ssyncset.done @!p0 $0x0;
	s12 =	smov.u32 s17  }
0x17: {  	s14 =	sadd.s32 $0x1, s14;
	[sflag:s18] =	ssyncadd.s32 @!p0 $0xFFFFC000;
	s13 =	smov.u32 s19  }
.LBB1_1:
0x18: {  	p0 =	sge.u32 s14, s6  }
0x19: {  	s17 =	smul.u32 @!p0 $0x1E6000, s13  }
0x1a: {  	s31 =	sadd.s32 $0xFFFFFFFF, s14;
	s18 =	sxor.u32 @!p0 $0xFFFFFFFF, s14  }
0x1b: {  	s19 =	sshll.u32 @!p0 s12, $0x7;
	s18 =	sshll.u32 @!p0 s18, $0xE;
	s17 =	sadd.s32 @!p0 s2, s17  }
0x1c: {  	s18 =	sand.u32 @!p0 $0x4000, s18;
	s17 =	sadd.s32 @!p0 s19, s17;
	s19 =	simm.s32 @!p0 $0x0  }
0x1d: {  	[tilespmem:s18], [sflag:$0x1] =	stream.linear.gather @!p0 [hbm4b:s17+s19], $0x4000, $0x38;
	[tilespmem:$0x10000] =	vst v63  }
0x1e: {  	p0 =	sge.u32 s31, s6  }
.Ltmp2:
0x1f: {  	_ = 	snop;
	(pc) =	sbr.rel @p0 .LBB1_7-.Ltmp2, $1  }
0x20: {  	_ =	sdelay $0x3  }
0x21: {  	s17 =	sand.u32 $0x4000, s11  }
0x22: {  	_ =	swait.ge [sflag:s5], $0x4000;
	s20 =	sshll.u32 s14, $0xE;
	s18 =	sor.u32 $0x8040, s17  }
0x23: {  	s19 =	sor.u32 $0x40, s17;
	[sflag:s5] =	ssyncset.done $0x0;
	s31 =	sand.u32 $0x4000, s20  }
0x24: {  	s20 =	simm.s32 $0x0;
	[sflag:s5] =	ssyncadd.s32 $0xFFFFC000;
	s17 =	sor.u32 $0x8000, s31  }
.LBB1_3:
0x25: {  	v0 =	vmov s19;
	_ =	sdelay $0x3  }
0x26: {  	s22 =	simm.s32 $0x0  }
0x27: {  	v6 =	vld.idx.msk [tilespmem:v0+s22+$0x30 ss:$0x1], $0xffff  }
0x28: {  	v7 =	vld.idx.msk [tilespmem:v0+s22+$0xFFFFFFC0 ss:$0x1], $0xffff  }
0x29: {  	v5 =	vld.idx.msk [tilespmem:v0+s22+$0xFFFFFFD0 ss:$0x1], $0xffff  }
0x2a: {  	v4 =	vld.idx.msk [tilespmem:v0+s22+$0xFFFFFFE0 ss:$0x1], $0xffff  }
0x2b: {  	v3 =	vld.idx.msk [tilespmem:v0+s22+$0xFFFFFFF0 ss:$0x1], $0xffff  }
0x2c: {  	v1 =	vld.idx.msk [tilespmem:v0+s22+$0x0 ss:$0x1], $0xffff  }
0x2d: {  	v2 =	vld.idx.msk [tilespmem:v0+s22+$0x10 ss:$0x1], $0xffff;
	[tilespmem:s18+$0x30] =	vst v6  }
0x2e: {  	s21 =	simm.s32 $0x80;
	s23 =	simm.s32 $0x400;
	[tilespmem:s18+$0xFFFFFFC0] =	vst v7;
	v6 =	vld.idx.msk [tilespmem:v0+s22+$0x20 ss:$0x1], $0xffff;
	s22 =	smov.u32 s18  }
.LBB1_4:
0x2f: {  	p0 =	sne.s32 s23, $0xE00;
	v7 =	vld.idx.msk [tilespmem:v0+s21+$0x30 ss:$0x1], $0xffff;
	[tilespmem:s22+$0xFFFFFFD0] =	vst v5  }
0x30: {  	v8 =	vld.idx.msk [tilespmem:v0+s21+$0xFFFFFFC0 ss:$0x1], $0xffff;
	[tilespmem:s22+$0xFFFFFFE0] =	vst v4  }
0x31: {  	v5 =	vld.idx.msk [tilespmem:v0+s21+$0xFFFFFFD0 ss:$0x1], $0xffff;
	[tilespmem:s22+$0xFFFFFFF0] =	vst v3  }
.Ltmp3:
0x32: {  	v4 =	vld.idx.msk [tilespmem:v0+s21+$0xFFFFFFE0 ss:$0x1], $0xffff;
	[tilespmem:s22+$0x0] =	vst v1;
	(pc) =	sbr.rel @p0 .LBB1_4-.Ltmp3, $4  }
0x33: {  	v3 =	vld.idx.msk [tilespmem:v0+s21+$0xFFFFFFF0 ss:$0x1], $0xffff;
	[tilespmem:s22+$0x10] =	vst v2  }
0x34: {  	v1 =	vld.idx.msk [tilespmem:v0+s21+$0x0 ss:$0x1], $0xffff;
	[tilespmem:s22+$0x20] =	vst v6;
	s22 =	sadd.s32 $0x800, s22  }
0x35: {  	v2 =	vld.idx.msk [tilespmem:v0+s21+$0x10 ss:$0x1], $0xffff;
	[tilespmem:s22+$0x30] =	vst v7  }
0x36: {  	[tilespmem:s22+$0xFFFFFFC0] =	vst v8;
	v6 =	vld.idx.msk [tilespmem:v0+s21+$0x20 ss:$0x1], $0xffff;
	s21 =	sshra.s32 s23, $0x2;
	s23 =	sadd.s32 $0x200, s23  }
0x37: {  	_ =	sdelay $0x2  }
0x38: {  	[tilespmem:s22+$0xFFFFFFD0] =	vst v5  }
0x39: {  	v56 =	vld.idx.msk [tilespmem:v0+s21+$0x30 ss:$0x1], $0xffff;
	[tilespmem:s22+$0xFFFFFFE0] =	vst v4  }
0x3a: {  	v57 =	vld.idx.msk [tilespmem:v0+s21+$0xFFFFFFC0 ss:$0x1], $0xffff;
	[tilespmem:s22+$0xFFFFFFF0] =	vst v3  }
0x3b: {  	v58 =	vld.idx.msk [tilespmem:v0+s21+$0xFFFFFFD0 ss:$0x1], $0xffff;
	[tilespmem:s22+$0x0] =	vst v1  }
0x3c: {  	v59 =	vld.idx.msk [tilespmem:v0+s21+$0xFFFFFFE0 ss:$0x1], $0xffff;
	[tilespmem:s22+$0x10] =	vst v2  }
0x3d: {  	v60 =	vld.idx.msk [tilespmem:v0+s21+$0xFFFFFFF0 ss:$0x1], $0xffff;
	s31 =	sadd.s32 $0x800, s22;
	[tilespmem:s22+$0x20] =	vst v6  }
0x3e: {  	v61 =	vld.idx.msk [tilespmem:v0+s21+$0x0 ss:$0x1], $0xffff;
	[tilespmem:s31+$0x30] =	vst v56  }
0x3f: {  	v62 =	vld.idx.msk [tilespmem:v0+s21+$0x10 ss:$0x1], $0xffff;
	s20 =	sadd.s32 $0x1, s20;
	[tilespmem:s31+$0xFFFFFFC0] =	vst v57  }
0x40: {  	v63 =	vld.idx.msk [tilespmem:v0+s21+$0x20 ss:$0x1], $0xffff;
	p0 =	sne.s32 s20, $0x10;
	[tilespmem:s31+$0xFFFFFFD0] =	vst v58  }
.Ltmp4:
0x41: {  	[tilespmem:s31+$0xFFFFFFE0] =	vst v59;
	(pc) =	sbr.rel @p0 .LBB1_3-.Ltmp4, $4  }
0x42: {  	[tilespmem:s31+$0xFFFFFFF0] =	vst v60  }
0x43: {  	[tilespmem:s31+$0x0] =	vst v61  }
0x44: {  	[tilespmem:s31+$0x10] =	vst v62  }
0x45: {  	s18 =	sadd.s32 $0x80, s18;
	s19 =	sadd.s32 $0x400, s19;
	[tilespmem:s31+$0x20] =	vst v63  }
0x46: {  	s15 =	sand.u32 $0x1FFFFFF, s15  }
0x47: {  	s18 =	smulhi.u32 $0x10DB20B, s15;
	_ =	sdelay $0x1  }
0x48: {  	s16 =	smul.u32 $0x1E6000, s16;
	s18 =	sshrl.u32 s18, $0x6  }
0x49: {  	s18 =	smul.u32 $0x3CC0, s18  }
.Ltmp5:
0x4a: {  	_ = 	snop;
	(pc) =	sbr.rel .LBB1_7-.Ltmp5, $4  }
0x4b: {  	s15 =	ssub.s32 s15, s18  }
0x4c: {  	s16 =	sadd.s32 s7, s16;
	s15 =	sshll.u32 s15, $0x4  }
0x4d: {  	s15 =	sadd.s32 s15, s16  }
0x4e: {  	[hbm4b:s15+s9] =	stream.strided.scatter [tilespmem:s17], [sflag:$0x2], $0x4000, s10, s9, $0x38;
	[tilespmem:$0x10000] =	vst v63  }
.LBB1_8:
0x4f: {  	_ =	sfence.sel $0x180000  }
0x50: {  	s1 =	simm.s32 $0x1;
	[bflag:$0x0] =	sbarrier.arrive $0xFFFF  }
0x51: {  	s31 =	simm.s32 $0x2;
	[sflag:s1] =	ssyncpa.u1 $0x1  }
0x52: {  	[sflag:s31] =	ssyncpa.u1 $0x1  }
0x53: {  	p0 =	sne.s32 s0, $0x0;
	_ =	strace $0x90000047  }
0x54: {  	s0 =	sadd.s32 @!p0 $0x100000, s4;
	[bflag:$0x2] =	sbarrier.arrive $0xFFFF  }
0x55: {  	[sflag:s0] =	ssyncadd.tile.s32 @!p0 $0x1;
	_ =	shalt  }
.Lfunc_end1:
_tile_overlayer_lowered:
.L_overlay_start_2:
0x56: {  	(tag) =	ssettag $0x2  }
0x57: {  	s0 =	rddreg [dreg:$0x0];
	s2 =	stileid.u32  }
0x58: {  	s1 =	rddreg [dreg:$0x1];
	p0 =	sne.s32 s2, $0x0  }
0x59: {  	s3 =	rddreg [dreg:$0x2];
	[bflag:$0x3] =	sbarrier.arrive $0xFFFF;
	s2 =	simm.s32 @!p0 $0x1C01  }
0x5a: {  	[timem:s3], [sflag:s2] =	dma.local @!p0 [hbm:s0], s1  }
0x5b: {  	s0 =	simm.s32 @!p0 $0x1  }
0x5c: {  	_ =	swait.ge @!p0 [sflag:s0], s1  }
0x5d: {  	s1 =	ssub.s32 @!p0 $0x0, s1;
	[sflag:s0] =	ssyncset.done @!p0 $0x0  }
0x5e: {  	[sflag:s0] =	ssyncadd.s32 @!p0 s1  }
0x5f: {  	[bflag:$0x3] =	sbarrier.arrive $0xFFFF  }
0x60: {  	_ =	shalt  }

</sc_bundles>
